<compile_context>
chip_gen: v7x
topology: tpu7x:2x2x1
jax: 0.10.2.dev20260603
libtpu: 0.0.44.dev20260713+nightly
codegen_flags: <defaults>
</compile_context>

<pallas_src>
import functools

import jax
import jax.numpy as jnp
from jax import lax
from jax.experimental import pallas as pl
from jax.experimental.pallas import tpu as pltpu
from jax.experimental.pallas import tpu_sc as plsc

N = 10000
NP = 10240
E = 320000
EP = 327680
F = 128
HID = 128
CLS = 64
NC = 2
NS = 16
K = 128
DCH = EP // (NC * NS * K)
RPT = NP // NS
RB = 2048
GRID = NP // RB

f32 = jnp.float32

_mesh = plsc.VectorSubcoreMesh(
    core_axis_name="c", subcore_axis_name="s", num_cores=NC, num_subcores=NS)

_sc_untiled = pltpu.CompilerParams(use_tc_tiling_on_sc=False)


def _zero_fill(ref, rows, width):
  @pl.loop(0, rows)
  def _(i):
    for j in range(width // 16):
      ref[i, pl.ds(j * 16, 16)] = jnp.zeros((16,), f32)


def _degree_pass(src2, dst2):

  @functools.partial(
      pl.kernel, mesh=_mesh, compiler_params=_sc_untiled,
      out_type=(jax.ShapeDtypeStruct((NC, NP), f32),
                jax.ShapeDtypeStruct((NC, NP), f32)),
      scratch_types=[
          pltpu.VMEM_SHARED((NP,), f32),
          pltpu.VMEM_SHARED((NP,), f32),
          pltpu.VMEM((DCH, K), jnp.int32),
          pltpu.VMEM((DCH, K), jnp.int32),
          pltpu.VMEM((K,), f32),
          pltpu.VMEM((RPT,), f32),
          pltpu.SemaphoreType.DMA,
      ])
  def body(src_h, dst_h, do_h, di_h, do_sh, di_sh, sidx, didx, ones_v, zb,
           sm):
    c = lax.axis_index("c")
    s = lax.axis_index("s")
    w = c * NS + s
    pltpu.sync_copy(src_h.at[w], sidx)
    pltpu.sync_copy(dst_h.at[w], didx)

    @pl.loop(0, RPT // 16)
    def _(i):
      zb[pl.ds(i * 16, 16)] = jnp.zeros((16,), f32)
    for j in range(K // 16):
      ones_v[pl.ds(j * 16, 16)] = jnp.ones((16,), f32)
    pltpu.sync_copy(zb, do_sh.at[pl.ds(s * RPT, RPT)])
    pltpu.sync_copy(zb, di_sh.at[pl.ds(s * RPT, RPT)])
    plsc.subcore_barrier()

    @pl.loop(0, DCH, step=4)
    def _(j):
      for t in range(4):
        pltpu.async_copy(ones_v, do_sh.at[sidx.at[j + t]], sm, add=True)
        pltpu.async_copy(ones_v, di_sh.at[didx.at[j + t]], sm, add=True)
      for t in range(4):
        pltpu.make_async_copy(ones_v, do_sh.at[sidx.at[j + t]], sm).wait()
        pltpu.make_async_copy(ones_v, di_sh.at[didx.at[j + t]], sm).wait()

    plsc.subcore_barrier()
    pltpu.sync_copy(do_sh.at[pl.ds(s * RPT, RPT)], do_h.at[c, pl.ds(s * RPT, RPT)])
    pltpu.sync_copy(di_sh.at[pl.ds(s * RPT, RPT)], di_h.at[c, pl.ds(s * RPT, RPT)])

  return body(src2, dst2)


def _mp(xw, src2, dst2, dh, tiled, nph, nbuf=2, ck=K):

  cpt = EP // (NC * NS * ck)
  pch = cpt // nph

  @functools.partial(
      pl.kernel, mesh=_mesh,
      compiler_params=None if tiled else _sc_untiled,
      out_type=jax.ShapeDtypeStruct((NC, NP, dh), f32),
      scratch_types=[
          pltpu.VMEM_SHARED((NP, dh), f32),
          pltpu.VMEM((pch, ck), jnp.int32),
          pltpu.VMEM((pch, ck), jnp.int32),
      ] + [pltpu.VMEM((ck, dh), f32)] * nbuf
        + [pltpu.SemaphoreType.DMA] * (2 * nbuf))
  def body(xw_h, src_h, dst_h, out_h, acc, sidx, didx, *bufs_sems):
    r = bufs_sems[:nbuf]
    gm = bufs_sems[nbuf:2 * nbuf]
    tm = bufs_sems[2 * nbuf:]
    c = lax.axis_index("c")
    s = lax.axis_index("s")
    w = c * NS + s
    _zero_fill(r[0], ck, dh)
    for k in range(RPT // ck):
      pltpu.sync_copy(r[0], acc.at[pl.ds(s * RPT + k * ck, ck)])
    plsc.subcore_barrier()

    for ph in range(nph):
      pltpu.sync_copy(src_h.at[w, pl.ds(ph * pch, pch)], sidx)
      pltpu.sync_copy(dst_h.at[w, pl.ds(ph * pch, pch)], didx)

      if nbuf == 2:
        pltpu.async_copy(xw_h.at[sidx.at[0]], r[0], gm[0])

        @pl.loop(0, pch, step=2)
        def _(g):
          pltpu.async_copy(xw_h.at[sidx.at[g + 1]], r[1], gm[1])
          pltpu.make_async_copy(xw_h.at[sidx.at[g]], r[0], gm[0]).wait()
          pltpu.sync_copy(r[0], acc.at[didx.at[g]], add=True)

          @pl.when(g + 2 < pch)
          def _():
            pltpu.async_copy(xw_h.at[sidx.at[g + 2]], r[0], gm[0])

          pltpu.make_async_copy(xw_h.at[sidx.at[g + 1]], r[1], gm[1]).wait()
          pltpu.sync_copy(r[1], acc.at[didx.at[g + 1]], add=True)
      else:
        for b in range(nbuf):
          pltpu.async_copy(xw_h.at[sidx.at[b]], r[b], gm[b])

        @pl.loop(0, pch, step=nbuf)
        def _(g):
          for b in range(nbuf):
            pltpu.make_async_copy(xw_h.at[sidx.at[g + b]], r[b], gm[b]).wait()
            pltpu.async_copy(r[b], acc.at[didx.at[g + b]], tm[b], add=True)
          for b in range(nbuf):
            @pl.when(g + nbuf + b < pch)
            def _(b=b):
              pltpu.make_async_copy(r[b], acc.at[didx.at[g + b]], tm[b]).wait()
              pltpu.async_copy(xw_h.at[sidx.at[g + nbuf + b]], r[b], gm[b])

        for b in range(nbuf):
          pltpu.make_async_copy(
              r[b], acc.at[didx.at[pch - nbuf + b]], tm[b]).wait()

    plsc.subcore_barrier()
    pltpu.sync_copy(acc.at[pl.ds(s * RPT, RPT)], out_h.at[c, pl.ds(s * RPT, RPT)])

  return body(xw, src2, dst2)


def _norm(dref):
  deg = dref[0] + dref[1]
  return lax.rsqrt(jnp.maximum(deg, 1.0))[:, None]


def _m1(x, W1, dop):
  def body(x_ref, w_ref, d_ref, o_ref):
    xw = jnp.dot(x_ref[...], w_ref[...], preferred_element_type=f32)
    o_ref[...] = xw * _norm(d_ref)

  return pl.pallas_call(
      body, grid=(GRID,),
      in_specs=[
          pl.BlockSpec((RB, F), lambda i: (i, 0)),
          pl.BlockSpec((F, HID), lambda i: (0, 0)),
          pl.BlockSpec((NC, RB), lambda i: (0, i)),
      ],
      out_specs=pl.BlockSpec((RB, HID), lambda i: (i, 0)),
      out_shape=jax.ShapeDtypeStruct((NP, HID), f32))(x, W1, dop)


def _m2(agg1, dop, dip, b1, W2):
  def body(a_ref, do_ref, di_ref, b_ref, w_ref, o_ref):
    agg = a_ref[0] + a_ref[1]
    h = jnp.maximum(agg * _norm(di_ref) + b_ref[...], 0.0)
    h = h * _norm(do_ref)
    o_ref[...] = jnp.dot(h, w_ref[...], preferred_element_type=f32)

  return pl.pallas_call(
      body, grid=(GRID,),
      in_specs=[
          pl.BlockSpec((NC, RB, HID), lambda i: (0, i, 0)),
          pl.BlockSpec((NC, RB), lambda i: (0, i)),
          pl.BlockSpec((NC, RB), lambda i: (0, i)),
          pl.BlockSpec((1, HID), lambda i: (0, 0)),
          pl.BlockSpec((HID, CLS), lambda i: (0, 0)),
      ],
      out_specs=pl.BlockSpec((RB, CLS), lambda i: (i, 0)),
      out_shape=jax.ShapeDtypeStruct((NP, CLS), f32))(agg1, dop, dip, b1, W2)


def _m3(agg2, dip, b2):
  def body(a_ref, di_ref, b_ref, o_ref):
    z = a_ref[0] + a_ref[1]
    z = z * _norm(di_ref) + b_ref[...]
    z = z - jnp.max(z, axis=1, keepdims=True)
    ez = jnp.exp(z)
    o_ref[...] = ez / jnp.sum(ez, axis=1, keepdims=True)

  return pl.pallas_call(
      body, grid=(GRID,),
      in_specs=[
          pl.BlockSpec((NC, RB, CLS), lambda i: (0, i, 0)),
          pl.BlockSpec((NC, RB), lambda i: (0, i)),
          pl.BlockSpec((1, CLS), lambda i: (0, 0)),
      ],
      out_specs=pl.BlockSpec((RB, CLS), lambda i: (i, 0)),
      out_shape=jax.ShapeDtypeStruct((NP, CLS), f32))(agg2, dip, b2)


def kernel(x, edge_index, W1, b1, W2, b2):
  pad = 10000 + (jnp.arange(EP - E, dtype=jnp.int32) % (NP - N))
  src2 = jnp.concatenate([edge_index[0], pad]).reshape(NC * NS, DCH, K)
  dst2 = jnp.concatenate([edge_index[1], pad]).reshape(NC * NS, DCH, K)

  dop, dip = _degree_pass(src2, dst2)

  xw1 = _m1(x, W1, dop)
  agg1 = _mp(xw1, src2, dst2, HID, True, 2)
  xw2 = _m2(agg1, dop, dip, b1.reshape(1, HID), W2)
  agg2 = _mp(xw2, src2, dst2, CLS, False, 1, nbuf=4)
  out = _m3(agg2, dip, b2.reshape(1, CLS))
  return out[:N]

# --- scband reference (transcript-rebuilt; emitter-appended) ---
"""Pipeline reference for scband-gcnsoftmax-43722767073363 (READ-ONLY COPY).

The authoritative reference and input builder live on the scoring server;
editing this copy changes nothing except your own understanding.
"""

import jax, jax.numpy as jnp
import numpy as np

N_NODES = 10000
N_EDGES = 320000
IN_FEATS = 128
HIDDEN = 128
NUM_CLASSES = 64


def setup_inputs(seed: int = 0) -> dict:
    key = jax.random.key(seed)
    k1, k2, k3, k4, k5, k6 = jax.random.split(key, 6)
    x = jax.random.normal(k1, (N_NODES, IN_FEATS), dtype=jnp.float32)
    edge_index = jax.random.randint(k2, (2, N_EDGES), 0, N_NODES, dtype=jnp.int32)
    # GraphConv layer 1 params (glorot-ish scale)
    W1 = jax.random.normal(k3, (IN_FEATS, HIDDEN), dtype=jnp.float32) * (1.0 / np.sqrt(IN_FEATS))
    b1 = jnp.zeros((HIDDEN,), dtype=jnp.float32)
    # GraphConv layer 2 params
    W2 = jax.random.normal(k4, (HIDDEN, NUM_CLASSES), dtype=jnp.float32) * (1.0 / np.sqrt(HIDDEN))
    b2 = jnp.zeros((NUM_CLASSES,), dtype=jnp.float32)
    return {"x": x, "edge_index": edge_index, "W1": W1, "b1": b1, "W2": W2, "b2": b2}


def _graph_conv(h, src, dst, norm_src, norm_dst, W, b):
    # DGL GraphConv with norm='both':
    #   h = D_dst^{-1/2} * A^T * (D_src^{-1/2} * h) * W + b
    h = h * norm_src[:, None]
    h = h @ W
    m = jnp.take(h, src, axis=0)                                   # gather (SparseCore)
    agg = jax.ops.segment_sum(m, dst, num_segments=N_NODES)        # scatter-add (SparseCore)
    return agg * norm_dst[:, None] + b


def reference(x, edge_index, W1, b1, W2, b2):
    src = edge_index[0]
    dst = edge_index[1]
    ones = jnp.ones((N_EDGES,), dtype=jnp.float32)
    deg_out = jax.ops.segment_sum(ones, src, num_segments=N_NODES)
    deg_in = jax.ops.segment_sum(ones, dst, num_segments=N_NODES)
    norm_src = jnp.clip(deg_out, 1.0) ** -0.5
    norm_dst = jnp.clip(deg_in, 1.0) ** -0.5
    h = _graph_conv(x, src, dst, norm_src, norm_dst, W1, b1)
    h = jax.nn.relu(h)
    # dropout is identity in eval mode (training=False)
    h = _graph_conv(h, src, dst, norm_src, norm_dst, W2, b2)
    return jax.nn.softmax(h, axis=1)

if __name__ == "__main__":
    import jax
    _d = setup_inputs()
    print(jax.jit(kernel)(*tuple(_d.values())))

</pallas_src>

<mosaic_0001>
#map = affine_map<(d0, d1) -> (0, 0)>
#map1 = affine_map<(d0, d1) -> (0, 0, 0)>
module attributes {stable_mosaic.version = 14 : i64} {
  func.func @body(%arg0: i32, %arg1: i32, %arg2: memref<10240x64xf32, #tpu.memory_space<hbm>>, %arg3: memref<32x80x128xi32, #tpu.memory_space<hbm>>, %arg4: memref<32x80x128xi32, #tpu.memory_space<hbm>>, %arg5: memref<2x10240x64xf32, #tpu.memory_space<hbm>>, %arg6: memref<10240x64xf32, #tpu.memory_space<vmem_shared>>, %arg7: memref<80x128xi32, #tpu.memory_space<vmem>>, %arg8: memref<80x128xi32, #tpu.memory_space<vmem>>, %arg9: memref<128x64xf32, #tpu.memory_space<vmem>>, %arg10: memref<128x64xf32, #tpu.memory_space<vmem>>, %arg11: memref<128x64xf32, #tpu.memory_space<vmem>>, %arg12: memref<128x64xf32, #tpu.memory_space<vmem>>, %arg13: memref<!tpu.dma_semaphore, #tpu.memory_space<semaphore_mem>>, %arg14: memref<!tpu.dma_semaphore, #tpu.memory_space<semaphore_mem>>, %arg15: memref<!tpu.dma_semaphore, #tpu.memory_space<semaphore_mem>>, %arg16: memref<!tpu.dma_semaphore, #tpu.memory_space<semaphore_mem>>, %arg17: memref<!tpu.dma_semaphore, #tpu.memory_space<semaphore_mem>>, %arg18: memref<!tpu.dma_semaphore, #tpu.memory_space<semaphore_mem>>, %arg19: memref<!tpu.dma_semaphore, #tpu.memory_space<semaphore_mem>>, %arg20: memref<!tpu.dma_semaphore, #tpu.memory_space<semaphore_mem>>) attributes {dimension_semantics = [#tpu.dimension_semantics<core_parallel>, #tpu.dimension_semantics<subcore_parallel>], iteration_bounds = array<i64: 2, 16>, scalar_prefetch = 0 : i64, scratch_operands = 15 : i64, tpu.core_type = #tpu.core_type<sc_vector_subcore>, window_params = [{transform_indices = #map}, {transform_indices = #map1}, {transform_indices = #map1}, {transform_indices = #map1}]} {
    %mul3A = arith.constant 16 : i32
    %mul3A_0 = arith.muli %arg0, %mul3A : i32
    %add3A = arith.addi %mul3A_0, %arg1 : i32
    %scan3A = arith.constant 0 : i32
    %scan3A_1 = arith.constant 128 : i32
    %scan3A_2 = arith.addi %scan3A, %scan3A_1 : i32
    %scan3A_3 = arith.constant 1 : i32
    scf.for %scan3A_89 = %scan3A to %scan3A_2 step %scan3A_3  : i32 {
      %mul3A_90 = arith.constant 1 : i32
      %mul3A_91 = arith.muli %scan3A_89, %mul3A_90 : i32
      %add3A_92 = arith.constant 0 : i32
      %add3A_93 = arith.addi %add3A_92, %mul3A_91 : i32
      %broadcast_in_dim3A = arith.constant 0.000000e+00 : f32
      %broadcast_in_dim3A_94 = vector.broadcast %broadcast_in_dim3A : f32 to vector<16xf32>
      %swap3A = arith.index_cast %add3A_93 : i32 to index
      %swap3A_95 = arith.constant 0 : index
      %swap3A_96 = tpu.vector_load %arg9[%swap3A, %swap3A_95] {strides = array<i32>} : memref<128x64xf32, #tpu.memory_space<vmem>>, vector<1x16xf32>,
      %swap3A_97 = vector.shape_cast %swap3A_96 : vector<1x16xf32> to vector<16xf32>
      %swap3A_98 = vector.shape_cast %broadcast_in_dim3A_94 : vector<16xf32> to vector<1x16xf32>
      tpu.vector_store %arg9[%swap3A, %swap3A_95], %swap3A_98 {strides = array<i32>} : memref<128x64xf32, #tpu.memory_space<vmem>>, vector<1x16xf32>,
      %broadcast_in_dim3A_99 = arith.constant 0.000000e+00 : f32
      %broadcast_in_dim3A_100 = vector.broadcast %broadcast_in_dim3A_99 : f32 to vector<16xf32>
      %swap3A_101 = arith.index_cast %add3A_93 : i32 to index
      %swap3A_102 = arith.constant 16 : index
      %swap3A_103 = tpu.vector_load %arg9[%swap3A_101, %swap3A_102] {strides = array<i32>} : memref<128x64xf32, #tpu.memory_space<vmem>>, vector<1x16xf32>,
      %swap3A_104 = vector.shape_cast %swap3A_103 : vector<1x16xf32> to vector<16xf32>
      %swap3A_105 = vector.shape_cast %broadcast_in_dim3A_100 : vector<16xf32> to vector<1x16xf32>
      tpu.vector_store %arg9[%swap3A_101, %swap3A_102], %swap3A_105 {strides = array<i32>} : memref<128x64xf32, #tpu.memory_space<vmem>>, vector<1x16xf32>,
      %broadcast_in_dim3A_106 = arith.constant 0.000000e+00 : f32
      %broadcast_in_dim3A_107 = vector.broadcast %broadcast_in_dim3A_106 : f32 to vector<16xf32>
      %swap3A_108 = arith.index_cast %add3A_93 : i32 to index
      %swap3A_109 = arith.constant 32 : index
      %swap3A_110 = tpu.vector_load %arg9[%swap3A_108, %swap3A_109] {strides = array<i32>} : memref<128x64xf32, #tpu.memory_space<vmem>>, vector<1x16xf32>,
      %swap3A_111 = vector.shape_cast %swap3A_110 : vector<1x16xf32> to vector<16xf32>
      %swap3A_112 = vector.shape_cast %broadcast_in_dim3A_107 : vector<16xf32> to vector<1x16xf32>
      tpu.vector_store %arg9[%swap3A_108, %swap3A_109], %swap3A_112 {strides = array<i32>} : memref<128x64xf32, #tpu.memory_space<vmem>>, vector<1x16xf32>,
      %broadcast_in_dim3A_113 = arith.constant 0.000000e+00 : f32
      %broadcast_in_dim3A_114 = vector.broadcast %broadcast_in_dim3A_113 : f32 to vector<16xf32>
      %swap3A_115 = arith.index_cast %add3A_93 : i32 to index
      %swap3A_116 = arith.constant 48 : index
      %swap3A_117 = tpu.vector_load %arg9[%swap3A_115, %swap3A_116] {strides = array<i32>} : memref<128x64xf32, #tpu.memory_space<vmem>>, vector<1x16xf32>,
      %swap3A_118 = vector.shape_cast %swap3A_117 : vector<1x16xf32> to vector<16xf32>
      %swap3A_119 = vector.shape_cast %broadcast_in_dim3A_114 : vector<16xf32> to vector<1x16xf32>
      tpu.vector_store %arg9[%swap3A_115, %swap3A_116], %swap3A_119 {strides = array<i32>} : memref<128x64xf32, #tpu.memory_space<vmem>>, vector<1x16xf32>,
    }
    %scan3A_4 = arith.constant 128 : i32
    %mul3A_5 = arith.constant 640 : i32
    %mul3A_6 = arith.muli %arg1, %mul3A_5 : i32
    %add3A_7 = arith.constant 0 : i32
    %add3A_8 = arith.addi %mul3A_6, %add3A_7 : i32
    "tpu.region"() ({
      %run_scoped3A = tpu.sem_alloc : memref<!tpu.dma_semaphore, #tpu.memory_space<semaphore_mem>>
      %dma_start3A_89 = arith.constant 0 : i32
      %dma_start3A_90 = tpu.memref_slice %arg6[%add3A_8, %dma_start3A_89] : memref<10240x64xf32, #tpu.memory_space<vmem_shared>> -> memref<128x64xf32, #tpu.memory_space<vmem_shared>>
      %dma_start3A_91 = arith.constant 0 : i32
      %dma_start3A_92 = tpu.memref_slice %arg6[%add3A_8, %dma_start3A_91] : memref<10240x64xf32, #tpu.memory_space<vmem_shared>> -> memref<128x64xf32, #tpu.memory_space<vmem_shared>>
      tpu.enqueue_dma source(%arg9 : memref<128x64xf32, #tpu.memory_space<vmem>>) target(%dma_start3A_92 : memref<128x64xf32, #tpu.memory_space<vmem_shared>>) target_semaphore(%run_scoped3A : memref<!tpu.dma_semaphore, #tpu.memory_space<semaphore_mem>>)
      %dma_wait3A_93 = arith.constant 0 : i32
      %dma_wait3A_94 = tpu.memref_slice %arg6[%add3A_8, %dma_wait3A_93] : memref<10240x64xf32, #tpu.memory_space<vmem_shared>> -> memref<128x64xf32, #tpu.memory_space<vmem_shared>>
      %dma_wait3A_95 = arith.constant 0 : i32
      %dma_wait3A_96 = tpu.memref_slice %arg6[%add3A_8, %dma_wait3A_95] : memref<10240x64xf32, #tpu.memory_space<vmem_shared>> -> memref<128x64xf32, #tpu.memory_space<vmem_shared>>
      tpu.wait_dma2 semaphore(%run_scoped3A : memref<!tpu.dma_semaphore, #tpu.memory_space<semaphore_mem>>) src(%arg9 : memref<128x64xf32, #tpu.memory_space<vmem>>) dst(%dma_wait3A_96 : memref<128x64xf32, #tpu.memory_space<vmem_shared>>)
      tpu.yield
    }) : () -> ()
    %mul3A_9 = arith.constant 640 : i32
    %mul3A_10 = arith.muli %arg1, %mul3A_9 : i32
    %add3A_11 = arith.constant 128 : i32
    %add3A_12 = arith.addi %mul3A_10, %add3A_11 : i32
    "tpu.region"() ({
      %run_scoped3A = tpu.sem_alloc : memref<!tpu.dma_semaphore, #tpu.memory_space<semaphore_mem>>
      %dma_start3A_89 = arith.constant 0 : i32
      %dma_start3A_90 = tpu.memref_slice %arg6[%add3A_12, %dma_start3A_89] : memref<10240x64xf32, #tpu.memory_space<vmem_shared>> -> memref<128x64xf32, #tpu.memory_space<vmem_shared>>
      %dma_start3A_91 = arith.constant 0 : i32
      %dma_start3A_92 = tpu.memref_slice %arg6[%add3A_12, %dma_start3A_91] : memref<10240x64xf32, #tpu.memory_space<vmem_shared>> -> memref<128x64xf32, #tpu.memory_space<vmem_shared>>
      tpu.enqueue_dma source(%arg9 : memref<128x64xf32, #tpu.memory_space<vmem>>) target(%dma_start3A_92 : memref<128x64xf32, #tpu.memory_space<vmem_shared>>) target_semaphore(%run_scoped3A : memref<!tpu.dma_semaphore, #tpu.memory_space<semaphore_mem>>)
      %dma_wait3A_93 = arith.constant 0 : i32
      %dma_wait3A_94 = tpu.memref_slice %arg6[%add3A_12, %dma_wait3A_93] : memref<10240x64xf32, #tpu.memory_space<vmem_shared>> -> memref<128x64xf32, #tpu.memory_space<vmem_shared>>
      %dma_wait3A_95 = arith.constant 0 : i32
      %dma_wait3A_96 = tpu.memref_slice %arg6[%add3A_12, %dma_wait3A_95] : memref<10240x64xf32, #tpu.memory_space<vmem_shared>> -> memref<128x64xf32, #tpu.memory_space<vmem_shared>>
      tpu.wait_dma2 semaphore(%run_scoped3A : memref<!tpu.dma_semaphore, #tpu.memory_space<semaphore_mem>>) src(%arg9 : memref<128x64xf32, #tpu.memory_space<vmem>>) dst(%dma_wait3A_96 : memref<128x64xf32, #tpu.memory_space<vmem_shared>>)
      tpu.yield
    }) : () -> ()
    %mul3A_13 = arith.constant 640 : i32
    %mul3A_14 = arith.muli %arg1, %mul3A_13 : i32
    %add3A_15 = arith.constant 256 : i32
    %add3A_16 = arith.addi %mul3A_14, %add3A_15 : i32
    "tpu.region"() ({
      %run_scoped3A = tpu.sem_alloc : memref<!tpu.dma_semaphore, #tpu.memory_space<semaphore_mem>>
      %dma_start3A_89 = arith.constant 0 : i32
      %dma_start3A_90 = tpu.memref_slice %arg6[%add3A_16, %dma_start3A_89] : memref<10240x64xf32, #tpu.memory_space<vmem_shared>> -> memref<128x64xf32, #tpu.memory_space<vmem_shared>>
      %dma_start3A_91 = arith.constant 0 : i32
      %dma_start3A_92 = tpu.memref_slice %arg6[%add3A_16, %dma_start3A_91] : memref<10240x64xf32, #tpu.memory_space<vmem_shared>> -> memref<128x64xf32, #tpu.memory_space<vmem_shared>>
      tpu.enqueue_dma source(%arg9 : memref<128x64xf32, #tpu.memory_space<vmem>>) target(%dma_start3A_92 : memref<128x64xf32, #tpu.memory_space<vmem_shared>>) target_semaphore(%run_scoped3A : memref<!tpu.dma_semaphore, #tpu.memory_space<semaphore_mem>>)
      %dma_wait3A_93 = arith.constant 0 : i32
      %dma_wait3A_94 = tpu.memref_slice %arg6[%add3A_16, %dma_wait3A_93] : memref<10240x64xf32, #tpu.memory_space<vmem_shared>> -> memref<128x64xf32, #tpu.memory_space<vmem_shared>>
      %dma_wait3A_95 = arith.constant 0 : i32
      %dma_wait3A_96 = tpu.memref_slice %arg6[%add3A_16, %dma_wait3A_95] : memref<10240x64xf32, #tpu.memory_space<vmem_shared>> -> memref<128x64xf32, #tpu.memory_space<vmem_shared>>
      tpu.wait_dma2 semaphore(%run_scoped3A : memref<!tpu.dma_semaphore, #tpu.memory_space<semaphore_mem>>) src(%arg9 : memref<128x64xf32, #tpu.memory_space<vmem>>) dst(%dma_wait3A_96 : memref<128x64xf32, #tpu.memory_space<vmem_shared>>)
      tpu.yield
    }) : () -> ()
    %mul3A_17 = arith.constant 640 : i32
    %mul3A_18 = arith.muli %arg1, %mul3A_17 : i32
    %add3A_19 = arith.constant 384 : i32
    %add3A_20 = arith.addi %mul3A_18, %add3A_19 : i32
    "tpu.region"() ({
      %run_scoped3A = tpu.sem_alloc : memref<!tpu.dma_semaphore, #tpu.memory_space<semaphore_mem>>
      %dma_start3A_89 = arith.constant 0 : i32
      %dma_start3A_90 = tpu.memref_slice %arg6[%add3A_20, %dma_start3A_89] : memref<10240x64xf32, #tpu.memory_space<vmem_shared>> -> memref<128x64xf32, #tpu.memory_space<vmem_shared>>
      %dma_start3A_91 = arith.constant 0 : i32
      %dma_start3A_92 = tpu.memref_slice %arg6[%add3A_20, %dma_start3A_91] : memref<10240x64xf32, #tpu.memory_space<vmem_shared>> -> memref<128x64xf32, #tpu.memory_space<vmem_shared>>
      tpu.enqueue_dma source(%arg9 : memref<128x64xf32, #tpu.memory_space<vmem>>) target(%dma_start3A_92 : memref<128x64xf32, #tpu.memory_space<vmem_shared>>) target_semaphore(%run_scoped3A : memref<!tpu.dma_semaphore, #tpu.memory_space<semaphore_mem>>)
      %dma_wait3A_93 = arith.constant 0 : i32
      %dma_wait3A_94 = tpu.memref_slice %arg6[%add3A_20, %dma_wait3A_93] : memref<10240x64xf32, #tpu.memory_space<vmem_shared>> -> memref<128x64xf32, #tpu.memory_space<vmem_shared>>
      %dma_wait3A_95 = arith.constant 0 : i32
      %dma_wait3A_96 = tpu.memref_slice %arg6[%add3A_20, %dma_wait3A_95] : memref<10240x64xf32, #tpu.memory_space<vmem_shared>> -> memref<128x64xf32, #tpu.memory_space<vmem_shared>>
      tpu.wait_dma2 semaphore(%run_scoped3A : memref<!tpu.dma_semaphore, #tpu.memory_space<semaphore_mem>>) src(%arg9 : memref<128x64xf32, #tpu.memory_space<vmem>>) dst(%dma_wait3A_96 : memref<128x64xf32, #tpu.memory_space<vmem_shared>>)
      tpu.yield
    }) : () -> ()
    %mul3A_21 = arith.constant 640 : i32
    %mul3A_22 = arith.muli %arg1, %mul3A_21 : i32
    %add3A_23 = arith.constant 512 : i32
    %add3A_24 = arith.addi %mul3A_22, %add3A_23 : i32
    "tpu.region"() ({
      %run_scoped3A = tpu.sem_alloc : memref<!tpu.dma_semaphore, #tpu.memory_space<semaphore_mem>>
      %dma_start3A_89 = arith.constant 0 : i32
      %dma_start3A_90 = tpu.memref_slice %arg6[%add3A_24, %dma_start3A_89] : memref<10240x64xf32, #tpu.memory_space<vmem_shared>> -> memref<128x64xf32, #tpu.memory_space<vmem_shared>>
      %dma_start3A_91 = arith.constant 0 : i32
      %dma_start3A_92 = tpu.memref_slice %arg6[%add3A_24, %dma_start3A_91] : memref<10240x64xf32, #tpu.memory_space<vmem_shared>> -> memref<128x64xf32, #tpu.memory_space<vmem_shared>>
      tpu.enqueue_dma source(%arg9 : memref<128x64xf32, #tpu.memory_space<vmem>>) target(%dma_start3A_92 : memref<128x64xf32, #tpu.memory_space<vmem_shared>>) target_semaphore(%run_scoped3A : memref<!tpu.dma_semaphore, #tpu.memory_space<semaphore_mem>>)
      %dma_wait3A_93 = arith.constant 0 : i32
      %dma_wait3A_94 = tpu.memref_slice %arg6[%add3A_24, %dma_wait3A_93] : memref<10240x64xf32, #tpu.memory_space<vmem_shared>> -> memref<128x64xf32, #tpu.memory_space<vmem_shared>>
      %dma_wait3A_95 = arith.constant 0 : i32
      %dma_wait3A_96 = tpu.memref_slice %arg6[%add3A_24, %dma_wait3A_95] : memref<10240x64xf32, #tpu.memory_space<vmem_shared>> -> memref<128x64xf32, #tpu.memory_space<vmem_shared>>
      tpu.wait_dma2 semaphore(%run_scoped3A : memref<!tpu.dma_semaphore, #tpu.memory_space<semaphore_mem>>) src(%arg9 : memref<128x64xf32, #tpu.memory_space<vmem>>) dst(%dma_wait3A_96 : memref<128x64xf32, #tpu.memory_space<vmem_shared>>)
      tpu.yield
    }) : () -> ()
    %barrier3A = arith.constant 0 : index
    tpu.barrier barrier_id(%barrier3A)
    "tpu.region"() ({
      %run_scoped3A = tpu.sem_alloc : memref<!tpu.dma_semaphore, #tpu.memory_space<semaphore_mem>>
      %dma_start3A_89 = arith.constant 0 : i32
      %dma_start3A_90 = arith.constant 0 : i32
      %dma_start3A_91 = tpu.memref_slice %arg3[%add3A, %dma_start3A_89, %dma_start3A_90] : memref<32x80x128xi32, #tpu.memory_space<hbm>> -> memref<1x80x128xi32, #tpu.memory_space<hbm>>
      %dma_start3A_92 = tpu.memref_squeeze %dma_start3A_91 : memref<1x80x128xi32, #tpu.memory_space<hbm>> -> memref<80x128xi32, #tpu.memory_space<hbm>>
      %dma_start3A_93 = arith.constant 0 : i32
      %dma_start3A_94 = arith.constant 0 : i32
      %dma_start3A_95 = tpu.memref_slice %arg3[%add3A, %dma_start3A_93, %dma_start3A_94] : memref<32x80x128xi32, #tpu.memory_space<hbm>> -> memref<1x80x128xi32, #tpu.memory_space<hbm>>
      %dma_start3A_96 = tpu.memref_squeeze %dma_start3A_95 : memref<1x80x128xi32, #tpu.memory_space<hbm>> -> memref<80x128xi32, #tpu.memory_space<hbm>>
      tpu.enqueue_dma source(%dma_start3A_96 : memref<80x128xi32, #tpu.memory_space<hbm>>) target(%arg7 : memref<80x128xi32, #tpu.memory_space<vmem>>) target_semaphore(%run_scoped3A : memref<!tpu.dma_semaphore, #tpu.memory_space<semaphore_mem>>)
      %dma_wait3A_97 = arith.constant 0 : i32
      %dma_wait3A_98 = arith.constant 0 : i32
      %dma_wait3A_99 = tpu.memref_slice %arg3[%add3A, %dma_wait3A_97, %dma_wait3A_98] : memref<32x80x128xi32, #tpu.memory_space<hbm>> -> memref<1x80x128xi32, #tpu.memory_space<hbm>>
      %dma_wait3A_100 = tpu.memref_squeeze %dma_wait3A_99 : memref<1x80x128xi32, #tpu.memory_space<hbm>> -> memref<80x128xi32, #tpu.memory_space<hbm>>
      %dma_wait3A_101 = arith.constant 0 : i32
      %dma_wait3A_102 = arith.constant 0 : i32
      %dma_wait3A_103 = tpu.memref_slice %arg3[%add3A, %dma_wait3A_101, %dma_wait3A_102] : memref<32x80x128xi32, #tpu.memory_space<hbm>> -> memref<1x80x128xi32, #tpu.memory_space<hbm>>
      %dma_wait3A_104 = tpu.memref_squeeze %dma_wait3A_103 : memref<1x80x128xi32, #tpu.memory_space<hbm>> -> memref<80x128xi32, #tpu.memory_space<hbm>>
      tpu.wait_dma2 semaphore(%run_scoped3A : memref<!tpu.dma_semaphore, #tpu.memory_space<semaphore_mem>>) src(%dma_wait3A_104 : memref<80x128xi32, #tpu.memory_space<hbm>>) dst(%arg7 : memref<80x128xi32, #tpu.memory_space<vmem>>)
      tpu.yield
    }) : () -> ()
    "tpu.region"() ({
      %run_scoped3A = tpu.sem_alloc : memref<!tpu.dma_semaphore, #tpu.memory_space<semaphore_mem>>
      %dma_start3A_89 = arith.constant 0 : i32
      %dma_start3A_90 = arith.constant 0 : i32
      %dma_start3A_91 = tpu.memref_slice %arg4[%add3A, %dma_start3A_89, %dma_start3A_90] : memref<32x80x128xi32, #tpu.memory_space<hbm>> -> memref<1x80x128xi32, #tpu.memory_space<hbm>>
      %dma_start3A_92 = tpu.memref_squeeze %dma_start3A_91 : memref<1x80x128xi32, #tpu.memory_space<hbm>> -> memref<80x128xi32, #tpu.memory_space<hbm>>
      %dma_start3A_93 = arith.constant 0 : i32
      %dma_start3A_94 = arith.constant 0 : i32
      %dma_start3A_95 = tpu.memref_slice %arg4[%add3A, %dma_start3A_93, %dma_start3A_94] : memref<32x80x128xi32, #tpu.memory_space<hbm>> -> memref<1x80x128xi32, #tpu.memory_space<hbm>>
      %dma_start3A_96 = tpu.memref_squeeze %dma_start3A_95 : memref<1x80x128xi32, #tpu.memory_space<hbm>> -> memref<80x128xi32, #tpu.memory_space<hbm>>
      tpu.enqueue_dma source(%dma_start3A_96 : memref<80x128xi32, #tpu.memory_space<hbm>>) target(%arg8 : memref<80x128xi32, #tpu.memory_space<vmem>>) target_semaphore(%run_scoped3A : memref<!tpu.dma_semaphore, #tpu.memory_space<semaphore_mem>>)
      %dma_wait3A_97 = arith.constant 0 : i32
      %dma_wait3A_98 = arith.constant 0 : i32
      %dma_wait3A_99 = tpu.memref_slice %arg4[%add3A, %dma_wait3A_97, %dma_wait3A_98] : memref<32x80x128xi32, #tpu.memory_space<hbm>> -> memref<1x80x128xi32, #tpu.memory_space<hbm>>
      %dma_wait3A_100 = tpu.memref_squeeze %dma_wait3A_99 : memref<1x80x128xi32, #tpu.memory_space<hbm>> -> memref<80x128xi32, #tpu.memory_space<hbm>>
      %dma_wait3A_101 = arith.constant 0 : i32
      %dma_wait3A_102 = arith.constant 0 : i32
      %dma_wait3A_103 = tpu.memref_slice %arg4[%add3A, %dma_wait3A_101, %dma_wait3A_102] : memref<32x80x128xi32, #tpu.memory_space<hbm>> -> memref<1x80x128xi32, #tpu.memory_space<hbm>>
      %dma_wait3A_104 = tpu.memref_squeeze %dma_wait3A_103 : memref<1x80x128xi32, #tpu.memory_space<hbm>> -> memref<80x128xi32, #tpu.memory_space<hbm>>
      tpu.wait_dma2 semaphore(%run_scoped3A : memref<!tpu.dma_semaphore, #tpu.memory_space<semaphore_mem>>) src(%dma_wait3A_104 : memref<80x128xi32, #tpu.memory_space<hbm>>) dst(%arg8 : memref<80x128xi32, #tpu.memory_space<vmem>>)
      tpu.yield
    }) : () -> ()
    %dma_start3A = arith.constant 0 : i32
    %dma_start3A_25 = arith.constant 0 : i32
    %dma_start3A_26 = tpu.memref_slice %arg7[%dma_start3A, %dma_start3A_25] : memref<80x128xi32, #tpu.memory_space<vmem>> -> memref<1x128xi32, #tpu.memory_space<vmem>>
    %dma_start3A_27 = tpu.memref_squeeze %dma_start3A_26 : memref<1x128xi32, #tpu.memory_space<vmem>> -> memref<128xi32, #tpu.memory_space<vmem>>
    %dma_start3A_28 = arith.constant 0 : i32
    %dma_start3A_29 = arith.constant 0 : i32
    %dma_start3A_30 = tpu.memref_slice %arg2[%dma_start3A_28, %dma_start3A_29] : memref<10240x64xf32, #tpu.memory_space<hbm>> -> memref<10240x64xf32, #tpu.memory_space<hbm>>
    tpu.enqueue_indirect_dma source(%dma_start3A_30 : memref<10240x64xf32, #tpu.memory_space<hbm>>) target(%arg9 : memref<128x64xf32, #tpu.memory_space<vmem>>) offsets(%dma_start3A_27 : memref<128xi32, #tpu.memory_space<vmem>>) semaphore(%arg13 : memref<!tpu.dma_semaphore, #tpu.memory_space<semaphore_mem>>)
    %dma_start3A_31 = arith.constant 1 : i32
    %dma_start3A_32 = arith.constant 0 : i32
    %dma_start3A_33 = tpu.memref_slice %arg7[%dma_start3A_31, %dma_start3A_32] : memref<80x128xi32, #tpu.memory_space<vmem>> -> memref<1x128xi32, #tpu.memory_space<vmem>>
    %dma_start3A_34 = tpu.memref_squeeze %dma_start3A_33 : memref<1x128xi32, #tpu.memory_space<vmem>> -> memref<128xi32, #tpu.memory_space<vmem>>
    %dma_start3A_35 = arith.constant 0 : i32
    %dma_start3A_36 = arith.constant 0 : i32
    %dma_start3A_37 = tpu.memref_slice %arg2[%dma_start3A_35, %dma_start3A_36] : memref<10240x64xf32, #tpu.memory_space<hbm>> -> memref<10240x64xf32, #tpu.memory_space<hbm>>
    tpu.enqueue_indirect_dma source(%dma_start3A_37 : memref<10240x64xf32, #tpu.memory_space<hbm>>) target(%arg10 : memref<128x64xf32, #tpu.memory_space<vmem>>) offsets(%dma_start3A_34 : memref<128xi32, #tpu.memory_space<vmem>>) semaphore(%arg14 : memref<!tpu.dma_semaphore, #tpu.memory_space<semaphore_mem>>)
    %dma_start3A_38 = arith.constant 2 : i32
    %dma_start3A_39 = arith.constant 0 : i32
    %dma_start3A_40 = tpu.memref_slice %arg7[%dma_start3A_38, %dma_start3A_39] : memref<80x128xi32, #tpu.memory_space<vmem>> -> memref<1x128xi32, #tpu.memory_space<vmem>>
    %dma_start3A_41 = tpu.memref_squeeze %dma_start3A_40 : memref<1x128xi32, #tpu.memory_space<vmem>> -> memref<128xi32, #tpu.memory_space<vmem>>
    %dma_start3A_42 = arith.constant 0 : i32
    %dma_start3A_43 = arith.constant 0 : i32
    %dma_start3A_44 = tpu.memref_slice %arg2[%dma_start3A_42, %dma_start3A_43] : memref<10240x64xf32, #tpu.memory_space<hbm>> -> memref<10240x64xf32, #tpu.memory_space<hbm>>
    tpu.enqueue_indirect_dma source(%dma_start3A_44 : memref<10240x64xf32, #tpu.memory_space<hbm>>) target(%arg11 : memref<128x64xf32, #tpu.memory_space<vmem>>) offsets(%dma_start3A_41 : memref<128xi32, #tpu.memory_space<vmem>>) semaphore(%arg15 : memref<!tpu.dma_semaphore, #tpu.memory_space<semaphore_mem>>)
    %dma_start3A_45 = arith.constant 3 : i32
    %dma_start3A_46 = arith.constant 0 : i32
    %dma_start3A_47 = tpu.memref_slice %arg7[%dma_start3A_45, %dma_start3A_46] : memref<80x128xi32, #tpu.memory_space<vmem>> -> memref<1x128xi32, #tpu.memory_space<vmem>>
    %dma_start3A_48 = tpu.memref_squeeze %dma_start3A_47 : memref<1x128xi32, #tpu.memory_space<vmem>> -> memref<128xi32, #tpu.memory_space<vmem>>
    %dma_start3A_49 = arith.constant 0 : i32
    %dma_start3A_50 = arith.constant 0 : i32
    %dma_start3A_51 = tpu.memref_slice %arg2[%dma_start3A_49, %dma_start3A_50] : memref<10240x64xf32, #tpu.memory_space<hbm>> -> memref<10240x64xf32, #tpu.memory_space<hbm>>
    tpu.enqueue_indirect_dma source(%dma_start3A_51 : memref<10240x64xf32, #tpu.memory_space<hbm>>) target(%arg12 : memref<128x64xf32, #tpu.memory_space<vmem>>) offsets(%dma_start3A_48 : memref<128xi32, #tpu.memory_space<vmem>>) semaphore(%arg16 : memref<!tpu.dma_semaphore, #tpu.memory_space<semaphore_mem>>)
    %scan3A_52 = arith.constant 0 : i32
    %scan3A_53 = arith.constant 20 : i32
    %scan3A_54 = arith.addi %scan3A_52, %scan3A_53 : i32
    %scan3A_55 = arith.constant 1 : i32
    scf.for %scan3A_89 = %scan3A_52 to %scan3A_54 step %scan3A_55  : i32 {
      %mul3A_90 = arith.constant 4 : i32
      %mul3A_91 = arith.muli %scan3A_89, %mul3A_90 : i32
      %add3A_92 = arith.constant 0 : i32
      %add3A_93 = arith.addi %add3A_92, %mul3A_91 : i32
      %add3A_94 = arith.constant 0 : i32
      %add3A_95 = arith.addi %add3A_93, %add3A_94 : i32
      %dma_wait3A_96 = arith.constant 0 : i32
      %dma_wait3A_97 = tpu.memref_slice %arg7[%add3A_95, %dma_wait3A_96] : memref<80x128xi32, #tpu.memory_space<vmem>> -> memref<1x128xi32, #tpu.memory_space<vmem>>
      %dma_wait3A_98 = tpu.memref_squeeze %dma_wait3A_97 : memref<1x128xi32, #tpu.memory_space<vmem>> -> memref<128xi32, #tpu.memory_space<vmem>>
      %dma_wait3A_99 = arith.constant 0 : i32
      %dma_wait3A_100 = arith.constant 0 : i32
      %dma_wait3A_101 = tpu.memref_slice %arg2[%dma_wait3A_99, %dma_wait3A_100] : memref<10240x64xf32, #tpu.memory_space<hbm>> -> memref<10240x64xf32, #tpu.memory_space<hbm>>
      tpu.wait_indirect_dma semaphore(%arg13 : memref<!tpu.dma_semaphore, #tpu.memory_space<semaphore_mem>>) src(%dma_wait3A_101 : memref<10240x64xf32, #tpu.memory_space<hbm>>) dst(%arg9 : memref<128x64xf32, #tpu.memory_space<vmem>>)
      %add3A_102 = arith.constant 0 : i32
      %add3A_103 = arith.addi %add3A_93, %add3A_102 : i32
      %dma_start3A_104 = arith.constant 0 : i32
      %dma_start3A_105 = tpu.memref_slice %arg8[%add3A_103, %dma_start3A_104] : memref<80x128xi32, #tpu.memory_space<vmem>> -> memref<1x128xi32, #tpu.memory_space<vmem>>
      %dma_start3A_106 = tpu.memref_squeeze %dma_start3A_105 : memref<1x128xi32, #tpu.memory_space<vmem>> -> memref<128xi32, #tpu.memory_space<vmem>>
      %dma_start3A_107 = arith.constant 0 : i32
      %dma_start3A_108 = arith.constant 0 : i32
      %dma_start3A_109 = tpu.memref_slice %arg6[%dma_start3A_107, %dma_start3A_108] : memref<10240x64xf32, #tpu.memory_space<vmem_shared>> -> memref<10240x64xf32, #tpu.memory_space<vmem_shared>>
      tpu.enqueue_indirect_dma source(%arg9 : memref<128x64xf32, #tpu.memory_space<vmem>>) target(%dma_start3A_109 : memref<10240x64xf32, #tpu.memory_space<vmem_shared>>) offsets(%dma_start3A_106 : memref<128xi32, #tpu.memory_space<vmem>>) semaphore(%arg17 : memref<!tpu.dma_semaphore, #tpu.memory_space<semaphore_mem>>) {add = true}
      %add3A_110 = arith.constant 1 : i32
      %add3A_111 = arith.addi %add3A_93, %add3A_110 : i32
      %dma_wait3A_112 = arith.constant 0 : i32
      %dma_wait3A_113 = tpu.memref_slice %arg7[%add3A_111, %dma_wait3A_112] : memref<80x128xi32, #tpu.memory_space<vmem>> -> memref<1x128xi32, #tpu.memory_space<vmem>>
      %dma_wait3A_114 = tpu.memref_squeeze %dma_wait3A_113 : memref<1x128xi32, #tpu.memory_space<vmem>> -> memref<128xi32, #tpu.memory_space<vmem>>
      %dma_wait3A_115 = arith.constant 0 : i32
      %dma_wait3A_116 = arith.constant 0 : i32
      %dma_wait3A_117 = tpu.memref_slice %arg2[%dma_wait3A_115, %dma_wait3A_116] : memref<10240x64xf32, #tpu.memory_space<hbm>> -> memref<10240x64xf32, #tpu.memory_space<hbm>>
      tpu.wait_indirect_dma semaphore(%arg14 : memref<!tpu.dma_semaphore, #tpu.memory_space<semaphore_mem>>) src(%dma_wait3A_117 : memref<10240x64xf32, #tpu.memory_space<hbm>>) dst(%arg10 : memref<128x64xf32, #tpu.memory_space<vmem>>)
      %add3A_118 = arith.constant 1 : i32
      %add3A_119 = arith.addi %add3A_93, %add3A_118 : i32
      %dma_start3A_120 = arith.constant 0 : i32
      %dma_start3A_121 = tpu.memref_slice %arg8[%add3A_119, %dma_start3A_120] : memref<80x128xi32, #tpu.memory_space<vmem>> -> memref<1x128xi32, #tpu.memory_space<vmem>>
      %dma_start3A_122 = tpu.memref_squeeze %dma_start3A_121 : memref<1x128xi32, #tpu.memory_space<vmem>> -> memref<128xi32, #tpu.memory_space<vmem>>
      %dma_start3A_123 = arith.constant 0 : i32
      %dma_start3A_124 = arith.constant 0 : i32
      %dma_start3A_125 = tpu.memref_slice %arg6[%dma_start3A_123, %dma_start3A_124] : memref<10240x64xf32, #tpu.memory_space<vmem_shared>> -> memref<10240x64xf32, #tpu.memory_space<vmem_shared>>
      tpu.enqueue_indirect_dma source(%arg10 : memref<128x64xf32, #tpu.memory_space<vmem>>) target(%dma_start3A_125 : memref<10240x64xf32, #tpu.memory_space<vmem_shared>>) offsets(%dma_start3A_122 : memref<128xi32, #tpu.memory_space<vmem>>) semaphore(%arg18 : memref<!tpu.dma_semaphore, #tpu.memory_space<semaphore_mem>>) {add = true}
      %add3A_126 = arith.constant 2 : i32
      %add3A_127 = arith.addi %add3A_93, %add3A_126 : i32
      %dma_wait3A_128 = arith.constant 0 : i32
      %dma_wait3A_129 = tpu.memref_slice %arg7[%add3A_127, %dma_wait3A_128] : memref<80x128xi32, #tpu.memory_space<vmem>> -> memref<1x128xi32, #tpu.memory_space<vmem>>
      %dma_wait3A_130 = tpu.memref_squeeze %dma_wait3A_129 : memref<1x128xi32, #tpu.memory_space<vmem>> -> memref<128xi32, #tpu.memory_space<vmem>>
      %dma_wait3A_131 = arith.constant 0 : i32
      %dma_wait3A_132 = arith.constant 0 : i32
      %dma_wait3A_133 = tpu.memref_slice %arg2[%dma_wait3A_131, %dma_wait3A_132] : memref<10240x64xf32, #tpu.memory_space<hbm>> -> memref<10240x64xf32, #tpu.memory_space<hbm>>
      tpu.wait_indirect_dma semaphore(%arg15 : memref<!tpu.dma_semaphore, #tpu.memory_space<semaphore_mem>>) src(%dma_wait3A_133 : memref<10240x64xf32, #tpu.memory_space<hbm>>) dst(%arg11 : memref<128x64xf32, #tpu.memory_space<vmem>>)
      %add3A_134 = arith.constant 2 : i32
      %add3A_135 = arith.addi %add3A_93, %add3A_134 : i32
      %dma_start3A_136 = arith.constant 0 : i32
      %dma_start3A_137 = tpu.memref_slice %arg8[%add3A_135, %dma_start3A_136] : memref<80x128xi32, #tpu.memory_space<vmem>> -> memref<1x128xi32, #tpu.memory_space<vmem>>
      %dma_start3A_138 = tpu.memref_squeeze %dma_start3A_137 : memref<1x128xi32, #tpu.memory_space<vmem>> -> memref<128xi32, #tpu.memory_space<vmem>>
      %dma_start3A_139 = arith.constant 0 : i32
      %dma_start3A_140 = arith.constant 0 : i32
      %dma_start3A_141 = tpu.memref_slice %arg6[%dma_start3A_139, %dma_start3A_140] : memref<10240x64xf32, #tpu.memory_space<vmem_shared>> -> memref<10240x64xf32, #tpu.memory_space<vmem_shared>>
      tpu.enqueue_indirect_dma source(%arg11 : memref<128x64xf32, #tpu.memory_space<vmem>>) target(%dma_start3A_141 : memref<10240x64xf32, #tpu.memory_space<vmem_shared>>) offsets(%dma_start3A_138 : memref<128xi32, #tpu.memory_space<vmem>>) semaphore(%arg19 : memref<!tpu.dma_semaphore, #tpu.memory_space<semaphore_mem>>) {add = true}
      %add3A_142 = arith.constant 3 : i32
      %add3A_143 = arith.addi %add3A_93, %add3A_142 : i32
      %dma_wait3A_144 = arith.constant 0 : i32
      %dma_wait3A_145 = tpu.memref_slice %arg7[%add3A_143, %dma_wait3A_144] : memref<80x128xi32, #tpu.memory_space<vmem>> -> memref<1x128xi32, #tpu.memory_space<vmem>>
      %dma_wait3A_146 = tpu.memref_squeeze %dma_wait3A_145 : memref<1x128xi32, #tpu.memory_space<vmem>> -> memref<128xi32, #tpu.memory_space<vmem>>
      %dma_wait3A_147 = arith.constant 0 : i32
      %dma_wait3A_148 = arith.constant 0 : i32
      %dma_wait3A_149 = tpu.memref_slice %arg2[%dma_wait3A_147, %dma_wait3A_148] : memref<10240x64xf32, #tpu.memory_space<hbm>> -> memref<10240x64xf32, #tpu.memory_space<hbm>>
      tpu.wait_indirect_dma semaphore(%arg16 : memref<!tpu.dma_semaphore, #tpu.memory_space<semaphore_mem>>) src(%dma_wait3A_149 : memref<10240x64xf32, #tpu.memory_space<hbm>>) dst(%arg12 : memref<128x64xf32, #tpu.memory_space<vmem>>)
      %add3A_150 = arith.constant 3 : i32
      %add3A_151 = arith.addi %add3A_93, %add3A_150 : i32
      %dma_start3A_152 = arith.constant 0 : i32
      %dma_start3A_153 = tpu.memref_slice %arg8[%add3A_151, %dma_start3A_152] : memref<80x128xi32, #tpu.memory_space<vmem>> -> memref<1x128xi32, #tpu.memory_space<vmem>>
      %dma_start3A_154 = tpu.memref_squeeze %dma_start3A_153 : memref<1x128xi32, #tpu.memory_space<vmem>> -> memref<128xi32, #tpu.memory_space<vmem>>
      %dma_start3A_155 = arith.constant 0 : i32
      %dma_start3A_156 = arith.constant 0 : i32
      %dma_start3A_157 = tpu.memref_slice %arg6[%dma_start3A_155, %dma_start3A_156] : memref<10240x64xf32, #tpu.memory_space<vmem_shared>> -> memref<10240x64xf32, #tpu.memory_space<vmem_shared>>
      tpu.enqueue_indirect_dma source(%arg12 : memref<128x64xf32, #tpu.memory_space<vmem>>) target(%dma_start3A_157 : memref<10240x64xf32, #tpu.memory_space<vmem_shared>>) offsets(%dma_start3A_154 : memref<128xi32, #tpu.memory_space<vmem>>) semaphore(%arg20 : memref<!tpu.dma_semaphore, #tpu.memory_space<semaphore_mem>>) {add = true}
      %add3A_158 = arith.constant 4 : i32
      %add3A_159 = arith.addi %add3A_93, %add3A_158 : i32
      %add3A_160 = arith.constant 0 : i32
      %add3A_161 = arith.addi %add3A_159, %add3A_160 : i32
      %lt3A = arith.constant 80 : i32
      %lt3A_162 = arith.cmpi slt, %add3A_161, %lt3A : i32
      %convert_element_type3A = arith.extui %lt3A_162 : i1 to i32
      %cond3A = arith.constant 0 : i32
      %cond3A_163 = arith.cmpi ne, %convert_element_type3A, %cond3A : i32
      scf.if %cond3A_163 {
        %add3A_191 = arith.constant 0 : i32
        %add3A_192 = arith.addi %add3A_93, %add3A_191 : i32
        %dma_wait3A_193 = arith.constant 0 : i32
        %dma_wait3A_194 = tpu.memref_slice %arg8[%add3A_192, %dma_wait3A_193] : memref<80x128xi32, #tpu.memory_space<vmem>> -> memref<1x128xi32, #tpu.memory_space<vmem>>
        %dma_wait3A_195 = tpu.memref_squeeze %dma_wait3A_194 : memref<1x128xi32, #tpu.memory_space<vmem>> -> memref<128xi32, #tpu.memory_space<vmem>>
        %dma_wait3A_196 = arith.constant 0 : i32
        %dma_wait3A_197 = arith.constant 0 : i32
        %dma_wait3A_198 = tpu.memref_slice %arg6[%dma_wait3A_196, %dma_wait3A_197] : memref<10240x64xf32, #tpu.memory_space<vmem_shared>> -> memref<10240x64xf32, #tpu.memory_space<vmem_shared>>
        tpu.wait_indirect_dma semaphore(%arg17 : memref<!tpu.dma_semaphore, #tpu.memory_space<semaphore_mem>>) src(%arg9 : memref<128x64xf32, #tpu.memory_space<vmem>>) dst(%dma_wait3A_198 : memref<10240x64xf32, #tpu.memory_space<vmem_shared>>)
        %add3A_199 = arith.constant 4 : i32
        %add3A_200 = arith.addi %add3A_93, %add3A_199 : i32
        %add3A_201 = arith.constant 0 : i32
        %add3A_202 = arith.addi %add3A_200, %add3A_201 : i32
        %dma_start3A_203 = arith.constant 0 : i32
        %dma_start3A_204 = tpu.memref_slice %arg7[%add3A_202, %dma_start3A_203] : memref<80x128xi32, #tpu.memory_space<vmem>> -> memref<1x128xi32, #tpu.memory_space<vmem>>
        %dma_start3A_205 = tpu.memref_squeeze %dma_start3A_204 : memref<1x128xi32, #tpu.memory_space<vmem>> -> memref<128xi32, #tpu.memory_space<vmem>>
        %dma_start3A_206 = arith.constant 0 : i32
        %dma_start3A_207 = arith.constant 0 : i32
        %dma_start3A_208 = tpu.memref_slice %arg2[%dma_start3A_206, %dma_start3A_207] : memref<10240x64xf32, #tpu.memory_space<hbm>> -> memref<10240x64xf32, #tpu.memory_space<hbm>>
        tpu.enqueue_indirect_dma source(%dma_start3A_208 : memref<10240x64xf32, #tpu.memory_space<hbm>>) target(%arg9 : memref<128x64xf32, #tpu.memory_space<vmem>>) offsets(%dma_start3A_205 : memref<128xi32, #tpu.memory_space<vmem>>) semaphore(%arg13 : memref<!tpu.dma_semaphore, #tpu.memory_space<semaphore_mem>>)
      } else {
      }
      %add3A_164 = arith.constant 4 : i32
      %add3A_165 = arith.addi %add3A_93, %add3A_164 : i32
      %add3A_166 = arith.constant 1 : i32
      %add3A_167 = arith.addi %add3A_165, %add3A_166 : i32
      %lt3A_168 = arith.constant 80 : i32
      %lt3A_169 = arith.cmpi slt, %add3A_167, %lt3A_168 : i32
      %convert_element_type3A_170 = arith.extui %lt3A_169 : i1 to i32
      %cond3A_171 = arith.constant 0 : i32
      %cond3A_172 = arith.cmpi ne, %convert_element_type3A_170, %cond3A_171 : i32
      scf.if %cond3A_172 {
        %add3A_191 = arith.constant 1 : i32
        %add3A_192 = arith.addi %add3A_93, %add3A_191 : i32
        %dma_wait3A_193 = arith.constant 0 : i32
        %dma_wait3A_194 = tpu.memref_slice %arg8[%add3A_192, %dma_wait3A_193] : memref<80x128xi32, #tpu.memory_space<vmem>> -> memref<1x128xi32, #tpu.memory_space<vmem>>
        %dma_wait3A_195 = tpu.memref_squeeze %dma_wait3A_194 : memref<1x128xi32, #tpu.memory_space<vmem>> -> memref<128xi32, #tpu.memory_space<vmem>>
        %dma_wait3A_196 = arith.constant 0 : i32
        %dma_wait3A_197 = arith.constant 0 : i32
        %dma_wait3A_198 = tpu.memref_slice %arg6[%dma_wait3A_196, %dma_wait3A_197] : memref<10240x64xf32, #tpu.memory_space<vmem_shared>> -> memref<10240x64xf32, #tpu.memory_space<vmem_shared>>
        tpu.wait_indirect_dma semaphore(%arg18 : memref<!tpu.dma_semaphore, #tpu.memory_space<semaphore_mem>>) src(%arg10 : memref<128x64xf32, #tpu.memory_space<vmem>>) dst(%dma_wait3A_198 : memref<10240x64xf32, #tpu.memory_space<vmem_shared>>)
        %add3A_199 = arith.constant 4 : i32
        %add3A_200 = arith.addi %add3A_93, %add3A_199 : i32
        %add3A_201 = arith.constant 1 : i32
        %add3A_202 = arith.addi %add3A_200, %add3A_201 : i32
        %dma_start3A_203 = arith.constant 0 : i32
        %dma_start3A_204 = tpu.memref_slice %arg7[%add3A_202, %dma_start3A_203] : memref<80x128xi32, #tpu.memory_space<vmem>> -> memref<1x128xi32, #tpu.memory_space<vmem>>
        %dma_start3A_205 = tpu.memref_squeeze %dma_start3A_204 : memref<1x128xi32, #tpu.memory_space<vmem>> -> memref<128xi32, #tpu.memory_space<vmem>>
        %dma_start3A_206 = arith.constant 0 : i32
        %dma_start3A_207 = arith.constant 0 : i32
        %dma_start3A_208 = tpu.memref_slice %arg2[%dma_start3A_206, %dma_start3A_207] : memref<10240x64xf32, #tpu.memory_space<hbm>> -> memref<10240x64xf32, #tpu.memory_space<hbm>>
        tpu.enqueue_indirect_dma source(%dma_start3A_208 : memref<10240x64xf32, #tpu.memory_space<hbm>>) target(%arg10 : memref<128x64xf32, #tpu.memory_space<vmem>>) offsets(%dma_start3A_205 : memref<128xi32, #tpu.memory_space<vmem>>) semaphore(%arg14 : memref<!tpu.dma_semaphore, #tpu.memory_space<semaphore_mem>>)
      } else {
      }
      %add3A_173 = arith.constant 4 : i32
      %add3A_174 = arith.addi %add3A_93, %add3A_173 : i32
      %add3A_175 = arith.constant 2 : i32
      %add3A_176 = arith.addi %add3A_174, %add3A_175 : i32
      %lt3A_177 = arith.constant 80 : i32
      %lt3A_178 = arith.cmpi slt, %add3A_176, %lt3A_177 : i32
      %convert_element_type3A_179 = arith.extui %lt3A_178 : i1 to i32
      %cond3A_180 = arith.constant 0 : i32
      %cond3A_181 = arith.cmpi ne, %convert_element_type3A_179, %cond3A_180 : i32
      scf.if %cond3A_181 {
        %add3A_191 = arith.constant 2 : i32
        %add3A_192 = arith.addi %add3A_93, %add3A_191 : i32
        %dma_wait3A_193 = arith.constant 0 : i32
        %dma_wait3A_194 = tpu.memref_slice %arg8[%add3A_192, %dma_wait3A_193] : memref<80x128xi32, #tpu.memory_space<vmem>> -> memref<1x128xi32, #tpu.memory_space<vmem>>
        %dma_wait3A_195 = tpu.memref_squeeze %dma_wait3A_194 : memref<1x128xi32, #tpu.memory_space<vmem>> -> memref<128xi32, #tpu.memory_space<vmem>>
        %dma_wait3A_196 = arith.constant 0 : i32
        %dma_wait3A_197 = arith.constant 0 : i32
        %dma_wait3A_198 = tpu.memref_slice %arg6[%dma_wait3A_196, %dma_wait3A_197] : memref<10240x64xf32, #tpu.memory_space<vmem_shared>> -> memref<10240x64xf32, #tpu.memory_space<vmem_shared>>
        tpu.wait_indirect_dma semaphore(%arg19 : memref<!tpu.dma_semaphore, #tpu.memory_space<semaphore_mem>>) src(%arg11 : memref<128x64xf32, #tpu.memory_space<vmem>>) dst(%dma_wait3A_198 : memref<10240x64xf32, #tpu.memory_space<vmem_shared>>)
        %add3A_199 = arith.constant 4 : i32
        %add3A_200 = arith.addi %add3A_93, %add3A_199 : i32
        %add3A_201 = arith.constant 2 : i32
        %add3A_202 = arith.addi %add3A_200, %add3A_201 : i32
        %dma_start3A_203 = arith.constant 0 : i32
        %dma_start3A_204 = tpu.memref_slice %arg7[%add3A_202, %dma_start3A_203] : memref<80x128xi32, #tpu.memory_space<vmem>> -> memref<1x128xi32, #tpu.memory_space<vmem>>
        %dma_start3A_205 = tpu.memref_squeeze %dma_start3A_204 : memref<1x128xi32, #tpu.memory_space<vmem>> -> memref<128xi32, #tpu.memory_space<vmem>>
        %dma_start3A_206 = arith.constant 0 : i32
        %dma_start3A_207 = arith.constant 0 : i32
        %dma_start3A_208 = tpu.memref_slice %arg2[%dma_start3A_206, %dma_start3A_207] : memref<10240x64xf32, #tpu.memory_space<hbm>> -> memref<10240x64xf32, #tpu.memory_space<hbm>>
        tpu.enqueue_indirect_dma source(%dma_start3A_208 : memref<10240x64xf32, #tpu.memory_space<hbm>>) target(%arg11 : memref<128x64xf32, #tpu.memory_space<vmem>>) offsets(%dma_start3A_205 : memref<128xi32, #tpu.memory_space<vmem>>) semaphore(%arg15 : memref<!tpu.dma_semaphore, #tpu.memory_space<semaphore_mem>>)
      } else {
      }
      %add3A_182 = arith.constant 4 : i32
      %add3A_183 = arith.addi %add3A_93, %add3A_182 : i32
      %add3A_184 = arith.constant 3 : i32
      %add3A_185 = arith.addi %add3A_183, %add3A_184 : i32
      %lt3A_186 = arith.constant 80 : i32
      %lt3A_187 = arith.cmpi slt, %add3A_185, %lt3A_186 : i32
      %convert_element_type3A_188 = arith.extui %lt3A_187 : i1 to i32
      %cond3A_189 = arith.constant 0 : i32
      %cond3A_190 = arith.cmpi ne, %convert_element_type3A_188, %cond3A_189 : i32
      scf.if %cond3A_190 {
        %add3A_191 = arith.constant 3 : i32
        %add3A_192 = arith.addi %add3A_93, %add3A_191 : i32
        %dma_wait3A_193 = arith.constant 0 : i32
        %dma_wait3A_194 = tpu.memref_slice %arg8[%add3A_192, %dma_wait3A_193] : memref<80x128xi32, #tpu.memory_space<vmem>> -> memref<1x128xi32, #tpu.memory_space<vmem>>
        %dma_wait3A_195 = tpu.memref_squeeze %dma_wait3A_194 : memref<1x128xi32, #tpu.memory_space<vmem>> -> memref<128xi32, #tpu.memory_space<vmem>>
        %dma_wait3A_196 = arith.constant 0 : i32
        %dma_wait3A_197 = arith.constant 0 : i32
        %dma_wait3A_198 = tpu.memref_slice %arg6[%dma_wait3A_196, %dma_wait3A_197] : memref<10240x64xf32, #tpu.memory_space<vmem_shared>> -> memref<10240x64xf32, #tpu.memory_space<vmem_shared>>
        tpu.wait_indirect_dma semaphore(%arg20 : memref<!tpu.dma_semaphore, #tpu.memory_space<semaphore_mem>>) src(%arg12 : memref<128x64xf32, #tpu.memory_space<vmem>>) dst(%dma_wait3A_198 : memref<10240x64xf32, #tpu.memory_space<vmem_shared>>)
        %add3A_199 = arith.constant 4 : i32
        %add3A_200 = arith.addi %add3A_93, %add3A_199 : i32
        %add3A_201 = arith.constant 3 : i32
        %add3A_202 = arith.addi %add3A_200, %add3A_201 : i32
        %dma_start3A_203 = arith.constant 0 : i32
        %dma_start3A_204 = tpu.memref_slice %arg7[%add3A_202, %dma_start3A_203] : memref<80x128xi32, #tpu.memory_space<vmem>> -> memref<1x128xi32, #tpu.memory_space<vmem>>
        %dma_start3A_205 = tpu.memref_squeeze %dma_start3A_204 : memref<1x128xi32, #tpu.memory_space<vmem>> -> memref<128xi32, #tpu.memory_space<vmem>>
        %dma_start3A_206 = arith.constant 0 : i32
        %dma_start3A_207 = arith.constant 0 : i32
        %dma_start3A_208 = tpu.memref_slice %arg2[%dma_start3A_206, %dma_start3A_207] : memref<10240x64xf32, #tpu.memory_space<hbm>> -> memref<10240x64xf32, #tpu.memory_space<hbm>>
        tpu.enqueue_indirect_dma source(%dma_start3A_208 : memref<10240x64xf32, #tpu.memory_space<hbm>>) target(%arg12 : memref<128x64xf32, #tpu.memory_space<vmem>>) offsets(%dma_start3A_205 : memref<128xi32, #tpu.memory_space<vmem>>) semaphore(%arg16 : memref<!tpu.dma_semaphore, #tpu.memory_space<semaphore_mem>>)
      } else {
      }
    }
    %scan3A_56 = arith.constant 20 : i32
    %dma_wait3A = arith.constant 76 : i32
    %dma_wait3A_57 = arith.constant 0 : i32
    %dma_wait3A_58 = tpu.memref_slice %arg8[%dma_wait3A, %dma_wait3A_57] : memref<80x128xi32, #tpu.memory_space<vmem>> -> memref<1x128xi32, #tpu.memory_space<vmem>>
    %dma_wait3A_59 = tpu.memref_squeeze %dma_wait3A_58 : memref<1x128xi32, #tpu.memory_space<vmem>> -> memref<128xi32, #tpu.memory_space<vmem>>
    %dma_wait3A_60 = arith.constant 0 : i32
    %dma_wait3A_61 = arith.constant 0 : i32
    %dma_wait3A_62 = tpu.memref_slice %arg6[%dma_wait3A_60, %dma_wait3A_61] : memref<10240x64xf32, #tpu.memory_space<vmem_shared>> -> memref<10240x64xf32, #tpu.memory_space<vmem_shared>>
    tpu.wait_indirect_dma semaphore(%arg17 : memref<!tpu.dma_semaphore, #tpu.memory_space<semaphore_mem>>) src(%arg9 : memref<128x64xf32, #tpu.memory_space<vmem>>) dst(%dma_wait3A_62 : memref<10240x64xf32, #tpu.memory_space<vmem_shared>>)
    %dma_wait3A_63 = arith.constant 77 : i32
    %dma_wait3A_64 = arith.constant 0 : i32
    %dma_wait3A_65 = tpu.memref_slice %arg8[%dma_wait3A_63, %dma_wait3A_64] : memref<80x128xi32, #tpu.memory_space<vmem>> -> memref<1x128xi32, #tpu.memory_space<vmem>>
    %dma_wait3A_66 = tpu.memref_squeeze %dma_wait3A_65 : memref<1x128xi32, #tpu.memory_space<vmem>> -> memref<128xi32, #tpu.memory_space<vmem>>
    %dma_wait3A_67 = arith.constant 0 : i32
    %dma_wait3A_68 = arith.constant 0 : i32
    %dma_wait3A_69 = tpu.memref_slice %arg6[%dma_wait3A_67, %dma_wait3A_68] : memref<10240x64xf32, #tpu.memory_space<vmem_shared>> -> memref<10240x64xf32, #tpu.memory_space<vmem_shared>>
    tpu.wait_indirect_dma semaphore(%arg18 : memref<!tpu.dma_semaphore, #tpu.memory_space<semaphore_mem>>) src(%arg10 : memref<128x64xf32, #tpu.memory_space<vmem>>) dst(%dma_wait3A_69 : memref<10240x64xf32, #tpu.memory_space<vmem_shared>>)
    %dma_wait3A_70 = arith.constant 78 : i32
    %dma_wait3A_71 = arith.constant 0 : i32
    %dma_wait3A_72 = tpu.memref_slice %arg8[%dma_wait3A_70, %dma_wait3A_71] : memref<80x128xi32, #tpu.memory_space<vmem>> -> memref<1x128xi32, #tpu.memory_space<vmem>>
    %dma_wait3A_73 = tpu.memref_squeeze %dma_wait3A_72 : memref<1x128xi32, #tpu.memory_space<vmem>> -> memref<128xi32, #tpu.memory_space<vmem>>
    %dma_wait3A_74 = arith.constant 0 : i32
    %dma_wait3A_75 = arith.constant 0 : i32
    %dma_wait3A_76 = tpu.memref_slice %arg6[%dma_wait3A_74, %dma_wait3A_75] : memref<10240x64xf32, #tpu.memory_space<vmem_shared>> -> memref<10240x64xf32, #tpu.memory_space<vmem_shared>>
    tpu.wait_indirect_dma semaphore(%arg19 : memref<!tpu.dma_semaphore, #tpu.memory_space<semaphore_mem>>) src(%arg11 : memref<128x64xf32, #tpu.memory_space<vmem>>) dst(%dma_wait3A_76 : memref<10240x64xf32, #tpu.memory_space<vmem_shared>>)
    %dma_wait3A_77 = arith.constant 79 : i32
    %dma_wait3A_78 = arith.constant 0 : i32
    %dma_wait3A_79 = tpu.memref_slice %arg8[%dma_wait3A_77, %dma_wait3A_78] : memref<80x128xi32, #tpu.memory_space<vmem>> -> memref<1x128xi32, #tpu.memory_space<vmem>>
    %dma_wait3A_80 = tpu.memref_squeeze %dma_wait3A_79 : memref<1x128xi32, #tpu.memory_space<vmem>> -> memref<128xi32, #tpu.memory_space<vmem>>
    %dma_wait3A_81 = arith.constant 0 : i32
    %dma_wait3A_82 = arith.constant 0 : i32
    %dma_wait3A_83 = tpu.memref_slice %arg6[%dma_wait3A_81, %dma_wait3A_82] : memref<10240x64xf32, #tpu.memory_space<vmem_shared>> -> memref<10240x64xf32, #tpu.memory_space<vmem_shared>>
    tpu.wait_indirect_dma semaphore(%arg20 : memref<!tpu.dma_semaphore, #tpu.memory_space<semaphore_mem>>) src(%arg12 : memref<128x64xf32, #tpu.memory_space<vmem>>) dst(%dma_wait3A_83 : memref<10240x64xf32, #tpu.memory_space<vmem_shared>>)
    %barrier3A_84 = arith.constant 0 : index
    tpu.barrier barrier_id(%barrier3A_84)
    %mul3A_85 = arith.constant 640 : i32
    %mul3A_86 = arith.muli %arg1, %mul3A_85 : i32
    %mul3A_87 = arith.constant 640 : i32
    %mul3A_88 = arith.muli %arg1, %mul3A_87 : i32
    "tpu.region"() ({
      %run_scoped3A = tpu.sem_alloc : memref<!tpu.dma_semaphore, #tpu.memory_space<semaphore_mem>>
      %dma_start3A_89 = arith.constant 0 : i32
      %dma_start3A_90 = tpu.memref_slice %arg5[%arg0, %mul3A_88, %dma_start3A_89] : memref<2x10240x64xf32, #tpu.memory_space<hbm>> -> memref<1x640x64xf32, #tpu.memory_space<hbm>>
      %dma_start3A_91 = tpu.memref_squeeze %dma_start3A_90 : memref<1x640x64xf32, #tpu.memory_space<hbm>> -> memref<640x64xf32, #tpu.memory_space<hbm>>
      %dma_start3A_92 = arith.constant 0 : i32
      %dma_start3A_93 = tpu.memref_slice %arg6[%mul3A_86, %dma_start3A_92] : memref<10240x64xf32, #tpu.memory_space<vmem_shared>> -> memref<640x64xf32, #tpu.memory_space<vmem_shared>>
      tpu.enqueue_dma source(%dma_start3A_93 : memref<640x64xf32, #tpu.memory_space<vmem_shared>>) target(%dma_start3A_91 : memref<640x64xf32, #tpu.memory_space<hbm>>) target_semaphore(%run_scoped3A : memref<!tpu.dma_semaphore, #tpu.memory_space<semaphore_mem>>)
      %dma_wait3A_94 = arith.constant 0 : i32
      %dma_wait3A_95 = tpu.memref_slice %arg5[%arg0, %mul3A_88, %dma_wait3A_94] : memref<2x10240x64xf32, #tpu.memory_space<hbm>> -> memref<1x640x64xf32, #tpu.memory_space<hbm>>
      %dma_wait3A_96 = tpu.memref_squeeze %dma_wait3A_95 : memref<1x640x64xf32, #tpu.memory_space<hbm>> -> memref<640x64xf32, #tpu.memory_space<hbm>>
      %dma_wait3A_97 = arith.constant 0 : i32
      %dma_wait3A_98 = tpu.memref_slice %arg6[%mul3A_86, %dma_wait3A_97] : memref<10240x64xf32, #tpu.memory_space<vmem_shared>> -> memref<640x64xf32, #tpu.memory_space<vmem_shared>>
      tpu.wait_dma2 semaphore(%run_scoped3A : memref<!tpu.dma_semaphore, #tpu.memory_space<semaphore_mem>>) src(%dma_wait3A_98 : memref<640x64xf32, #tpu.memory_space<vmem_shared>>) dst(%dma_wait3A_96 : memref<640x64xf32, #tpu.memory_space<hbm>>)
      tpu.yield
    }) : () -> ()
    return
  }
}

#map = affine_map<(d0, d1) -> (0, 0, 0)>
#map1 = affine_map<(d0, d1) -> (0, 0)>
module attributes {stable_mosaic.version = 14 : i64} {
  func.func @body(%arg0: i32, %arg1: i32, %arg2: memref<32x80x128xi32, #tpu.memory_space<hbm>>, %arg3: memref<32x80x128xi32, #tpu.memory_space<hbm>>, %arg4: memref<2x10240xf32, #tpu.memory_space<hbm>>, %arg5: memref<2x10240xf32, #tpu.memory_space<hbm>>, %arg6: memref<10240xf32, #tpu.memory_space<vmem_shared>>, %arg7: memref<10240xf32, #tpu.memory_space<vmem_shared>>, %arg8: memref<80x128xi32, #tpu.memory_space<vmem>>, %arg9: memref<80x128xi32, #tpu.memory_space<vmem>>, %arg10: memref<128xf32, #tpu.memory_space<vmem>>, %arg11: memref<640xf32, #tpu.memory_space<vmem>>, %arg12: memref<!tpu.dma_semaphore, #tpu.memory_space<semaphore_mem>>) attributes {dimension_semantics = [#tpu.dimension_semantics<core_parallel>, #tpu.dimension_semantics<subcore_parallel>], iteration_bounds = array<i64: 2, 16>, scalar_prefetch = 0 : i64, scratch_operands = 7 : i64, tpu.core_type = #tpu.core_type<sc_vector_subcore>, window_params = [{transform_indices = #map}, {transform_indices = #map}, {transform_indices = #map1}, {transform_indices = #map1}]} {
    %mul3A = arith.constant 16 : i32
    %mul3A_0 = arith.muli %arg0, %mul3A : i32
    %add3A = arith.addi %mul3A_0, %arg1 : i32
    "tpu.region"() ({
      %run_scoped3A = tpu.sem_alloc : memref<!tpu.dma_semaphore, #tpu.memory_space<semaphore_mem>>
      %dma_start3A = arith.constant 0 : i32
      %dma_start3A_69 = arith.constant 0 : i32
      %dma_start3A_70 = tpu.memref_slice %arg2[%add3A, %dma_start3A, %dma_start3A_69] : memref<32x80x128xi32, #tpu.memory_space<hbm>> -> memref<1x80x128xi32, #tpu.memory_space<hbm>>
      %dma_start3A_71 = tpu.memref_squeeze %dma_start3A_70 : memref<1x80x128xi32, #tpu.memory_space<hbm>> -> memref<80x128xi32, #tpu.memory_space<hbm>>
      %dma_start3A_72 = arith.constant 0 : i32
      %dma_start3A_73 = arith.constant 0 : i32
      %dma_start3A_74 = tpu.memref_slice %arg2[%add3A, %dma_start3A_72, %dma_start3A_73] : memref<32x80x128xi32, #tpu.memory_space<hbm>> -> memref<1x80x128xi32, #tpu.memory_space<hbm>>
      %dma_start3A_75 = tpu.memref_squeeze %dma_start3A_74 : memref<1x80x128xi32, #tpu.memory_space<hbm>> -> memref<80x128xi32, #tpu.memory_space<hbm>>
      tpu.enqueue_dma source(%dma_start3A_75 : memref<80x128xi32, #tpu.memory_space<hbm>>) target(%arg8 : memref<80x128xi32, #tpu.memory_space<vmem>>) target_semaphore(%run_scoped3A : memref<!tpu.dma_semaphore, #tpu.memory_space<semaphore_mem>>)
      %dma_wait3A = arith.constant 0 : i32
      %dma_wait3A_76 = arith.constant 0 : i32
      %dma_wait3A_77 = tpu.memref_slice %arg2[%add3A, %dma_wait3A, %dma_wait3A_76] : memref<32x80x128xi32, #tpu.memory_space<hbm>> -> memref<1x80x128xi32, #tpu.memory_space<hbm>>
      %dma_wait3A_78 = tpu.memref_squeeze %dma_wait3A_77 : memref<1x80x128xi32, #tpu.memory_space<hbm>> -> memref<80x128xi32, #tpu.memory_space<hbm>>
      %dma_wait3A_79 = arith.constant 0 : i32
      %dma_wait3A_80 = arith.constant 0 : i32
      %dma_wait3A_81 = tpu.memref_slice %arg2[%add3A, %dma_wait3A_79, %dma_wait3A_80] : memref<32x80x128xi32, #tpu.memory_space<hbm>> -> memref<1x80x128xi32, #tpu.memory_space<hbm>>
      %dma_wait3A_82 = tpu.memref_squeeze %dma_wait3A_81 : memref<1x80x128xi32, #tpu.memory_space<hbm>> -> memref<80x128xi32, #tpu.memory_space<hbm>>
      tpu.wait_dma2 semaphore(%run_scoped3A : memref<!tpu.dma_semaphore, #tpu.memory_space<semaphore_mem>>) src(%dma_wait3A_82 : memref<80x128xi32, #tpu.memory_space<hbm>>) dst(%arg8 : memref<80x128xi32, #tpu.memory_space<vmem>>)
      tpu.yield
    }) : () -> ()
    "tpu.region"() ({
      %run_scoped3A = tpu.sem_alloc : memref<!tpu.dma_semaphore, #tpu.memory_space<semaphore_mem>>
      %dma_start3A = arith.constant 0 : i32
      %dma_start3A_69 = arith.constant 0 : i32
      %dma_start3A_70 = tpu.memref_slice %arg3[%add3A, %dma_start3A, %dma_start3A_69] : memref<32x80x128xi32, #tpu.memory_space<hbm>> -> memref<1x80x128xi32, #tpu.memory_space<hbm>>
      %dma_start3A_71 = tpu.memref_squeeze %dma_start3A_70 : memref<1x80x128xi32, #tpu.memory_space<hbm>> -> memref<80x128xi32, #tpu.memory_space<hbm>>
      %dma_start3A_72 = arith.constant 0 : i32
      %dma_start3A_73 = arith.constant 0 : i32
      %dma_start3A_74 = tpu.memref_slice %arg3[%add3A, %dma_start3A_72, %dma_start3A_73] : memref<32x80x128xi32, #tpu.memory_space<hbm>> -> memref<1x80x128xi32, #tpu.memory_space<hbm>>
      %dma_start3A_75 = tpu.memref_squeeze %dma_start3A_74 : memref<1x80x128xi32, #tpu.memory_space<hbm>> -> memref<80x128xi32, #tpu.memory_space<hbm>>
      tpu.enqueue_dma source(%dma_start3A_75 : memref<80x128xi32, #tpu.memory_space<hbm>>) target(%arg9 : memref<80x128xi32, #tpu.memory_space<vmem>>) target_semaphore(%run_scoped3A : memref<!tpu.dma_semaphore, #tpu.memory_space<semaphore_mem>>)
      %dma_wait3A = arith.constant 0 : i32
      %dma_wait3A_76 = arith.constant 0 : i32
      %dma_wait3A_77 = tpu.memref_slice %arg3[%add3A, %dma_wait3A, %dma_wait3A_76] : memref<32x80x128xi32, #tpu.memory_space<hbm>> -> memref<1x80x128xi32, #tpu.memory_space<hbm>>
      %dma_wait3A_78 = tpu.memref_squeeze %dma_wait3A_77 : memref<1x80x128xi32, #tpu.memory_space<hbm>> -> memref<80x128xi32, #tpu.memory_space<hbm>>
      %dma_wait3A_79 = arith.constant 0 : i32
      %dma_wait3A_80 = arith.constant 0 : i32
      %dma_wait3A_81 = tpu.memref_slice %arg3[%add3A, %dma_wait3A_79, %dma_wait3A_80] : memref<32x80x128xi32, #tpu.memory_space<hbm>> -> memref<1x80x128xi32, #tpu.memory_space<hbm>>
      %dma_wait3A_82 = tpu.memref_squeeze %dma_wait3A_81 : memref<1x80x128xi32, #tpu.memory_space<hbm>> -> memref<80x128xi32, #tpu.memory_space<hbm>>
      tpu.wait_dma2 semaphore(%run_scoped3A : memref<!tpu.dma_semaphore, #tpu.memory_space<semaphore_mem>>) src(%dma_wait3A_82 : memref<80x128xi32, #tpu.memory_space<hbm>>) dst(%arg9 : memref<80x128xi32, #tpu.memory_space<vmem>>)
      tpu.yield
    }) : () -> ()
    %scan3A = arith.constant 0 : i32
    %scan3A_1 = arith.constant 40 : i32
    %scan3A_2 = arith.addi %scan3A, %scan3A_1 : i32
    %scan3A_3 = arith.constant 1 : i32
    scf.for %scan3A_69 = %scan3A to %scan3A_2 step %scan3A_3  : i32 {
      %mul3A_70 = arith.constant 1 : i32
      %mul3A_71 = arith.muli %scan3A_69, %mul3A_70 : i32
      %add3A_72 = arith.constant 0 : i32
      %add3A_73 = arith.addi %add3A_72, %mul3A_71 : i32
      %broadcast_in_dim3A_74 = arith.constant 0.000000e+00 : f32
      %broadcast_in_dim3A_75 = vector.broadcast %broadcast_in_dim3A_74 : f32 to vector<16xf32>
      %mul3A_76 = arith.constant 16 : i32
      %mul3A_77 = arith.muli %add3A_73, %mul3A_76 : i32
      %swap3A_78 = arith.index_cast %mul3A_77 : i32 to index
      %swap3A_79 = tpu.vector_load %arg11[%swap3A_78] {strides = array<i32>} : memref<640xf32, #tpu.memory_space<vmem>>, vector<16xf32>,
      %swap3A_80 = vector.shape_cast %swap3A_79 : vector<16xf32> to vector<16xf32>
      %swap3A_81 = vector.shape_cast %broadcast_in_dim3A_75 : vector<16xf32> to vector<16xf32>
      tpu.vector_store %arg11[%swap3A_78], %swap3A_81 {strides = array<i32>} : memref<640xf32, #tpu.memory_space<vmem>>, vector<16xf32>,
    }
    %scan3A_4 = arith.constant 40 : i32
    %broadcast_in_dim3A = arith.constant 1.000000e+00 : f32
    %broadcast_in_dim3A_5 = vector.broadcast %broadcast_in_dim3A : f32 to vector<16xf32>
    %swap3A = arith.constant 0 : index
    %swap3A_6 = tpu.vector_load %arg10[%swap3A] {strides = array<i32>} : memref<128xf32, #tpu.memory_space<vmem>>, vector<16xf32>,
    %swap3A_7 = vector.shape_cast %swap3A_6 : vector<16xf32> to vector<16xf32>
    %swap3A_8 = vector.shape_cast %broadcast_in_dim3A_5 : vector<16xf32> to vector<16xf32>
    tpu.vector_store %arg10[%swap3A], %swap3A_8 {strides = array<i32>} : memref<128xf32, #tpu.memory_space<vmem>>, vector<16xf32>,
    %broadcast_in_dim3A_9 = arith.constant 1.000000e+00 : f32
    %broadcast_in_dim3A_10 = vector.broadcast %broadcast_in_dim3A_9 : f32 to vector<16xf32>
    %swap3A_11 = arith.constant 16 : index
    %swap3A_12 = tpu.vector_load %arg10[%swap3A_11] {strides = array<i32>} : memref<128xf32, #tpu.memory_space<vmem>>, vector<16xf32>,
    %swap3A_13 = vector.shape_cast %swap3A_12 : vector<16xf32> to vector<16xf32>
    %swap3A_14 = vector.shape_cast %broadcast_in_dim3A_10 : vector<16xf32> to vector<16xf32>
    tpu.vector_store %arg10[%swap3A_11], %swap3A_14 {strides = array<i32>} : memref<128xf32, #tpu.memory_space<vmem>>, vector<16xf32>,
    %broadcast_in_dim3A_15 = arith.constant 1.000000e+00 : f32
    %broadcast_in_dim3A_16 = vector.broadcast %broadcast_in_dim3A_15 : f32 to vector<16xf32>
    %swap3A_17 = arith.constant 32 : index
    %swap3A_18 = tpu.vector_load %arg10[%swap3A_17] {strides = array<i32>} : memref<128xf32, #tpu.memory_space<vmem>>, vector<16xf32>,
    %swap3A_19 = vector.shape_cast %swap3A_18 : vector<16xf32> to vector<16xf32>
    %swap3A_20 = vector.shape_cast %broadcast_in_dim3A_16 : vector<16xf32> to vector<16xf32>
    tpu.vector_store %arg10[%swap3A_17], %swap3A_20 {strides = array<i32>} : memref<128xf32, #tpu.memory_space<vmem>>, vector<16xf32>,
    %broadcast_in_dim3A_21 = arith.constant 1.000000e+00 : f32
    %broadcast_in_dim3A_22 = vector.broadcast %broadcast_in_dim3A_21 : f32 to vector<16xf32>
    %swap3A_23 = arith.constant 48 : index
    %swap3A_24 = tpu.vector_load %arg10[%swap3A_23] {strides = array<i32>} : memref<128xf32, #tpu.memory_space<vmem>>, vector<16xf32>,
    %swap3A_25 = vector.shape_cast %swap3A_24 : vector<16xf32> to vector<16xf32>
    %swap3A_26 = vector.shape_cast %broadcast_in_dim3A_22 : vector<16xf32> to vector<16xf32>
    tpu.vector_store %arg10[%swap3A_23], %swap3A_26 {strides = array<i32>} : memref<128xf32, #tpu.memory_space<vmem>>, vector<16xf32>,
    %broadcast_in_dim3A_27 = arith.constant 1.000000e+00 : f32
    %broadcast_in_dim3A_28 = vector.broadcast %broadcast_in_dim3A_27 : f32 to vector<16xf32>
    %swap3A_29 = arith.constant 64 : index
    %swap3A_30 = tpu.vector_load %arg10[%swap3A_29] {strides = array<i32>} : memref<128xf32, #tpu.memory_space<vmem>>, vector<16xf32>,
    %swap3A_31 = vector.shape_cast %swap3A_30 : vector<16xf32> to vector<16xf32>
    %swap3A_32 = vector.shape_cast %broadcast_in_dim3A_28 : vector<16xf32> to vector<16xf32>
    tpu.vector_store %arg10[%swap3A_29], %swap3A_32 {strides = array<i32>} : memref<128xf32, #tpu.memory_space<vmem>>, vector<16xf32>,
    %broadcast_in_dim3A_33 = arith.constant 1.000000e+00 : f32
    %broadcast_in_dim3A_34 = vector.broadcast %broadcast_in_dim3A_33 : f32 to vector<16xf32>
    %swap3A_35 = arith.constant 80 : index
    %swap3A_36 = tpu.vector_load %arg10[%swap3A_35] {strides = array<i32>} : memref<128xf32, #tpu.memory_space<vmem>>, vector<16xf32>,
    %swap3A_37 = vector.shape_cast %swap3A_36 : vector<16xf32> to vector<16xf32>
    %swap3A_38 = vector.shape_cast %broadcast_in_dim3A_34 : vector<16xf32> to vector<16xf32>
    tpu.vector_store %arg10[%swap3A_35], %swap3A_38 {strides = array<i32>} : memref<128xf32, #tpu.memory_space<vmem>>, vector<16xf32>,
    %broadcast_in_dim3A_39 = arith.constant 1.000000e+00 : f32
    %broadcast_in_dim3A_40 = vector.broadcast %broadcast_in_dim3A_39 : f32 to vector<16xf32>
    %swap3A_41 = arith.constant 96 : index
    %swap3A_42 = tpu.vector_load %arg10[%swap3A_41] {strides = array<i32>} : memref<128xf32, #tpu.memory_space<vmem>>, vector<16xf32>,
    %swap3A_43 = vector.shape_cast %swap3A_42 : vector<16xf32> to vector<16xf32>
    %swap3A_44 = vector.shape_cast %broadcast_in_dim3A_40 : vector<16xf32> to vector<16xf32>
    tpu.vector_store %arg10[%swap3A_41], %swap3A_44 {strides = array<i32>} : memref<128xf32, #tpu.memory_space<vmem>>, vector<16xf32>,
    %broadcast_in_dim3A_45 = arith.constant 1.000000e+00 : f32
    %broadcast_in_dim3A_46 = vector.broadcast %broadcast_in_dim3A_45 : f32 to vector<16xf32>
    %swap3A_47 = arith.constant 112 : index
    %swap3A_48 = tpu.vector_load %arg10[%swap3A_47] {strides = array<i32>} : memref<128xf32, #tpu.memory_space<vmem>>, vector<16xf32>,
    %swap3A_49 = vector.shape_cast %swap3A_48 : vector<16xf32> to vector<16xf32>
    %swap3A_50 = vector.shape_cast %broadcast_in_dim3A_46 : vector<16xf32> to vector<16xf32>
    tpu.vector_store %arg10[%swap3A_47], %swap3A_50 {strides = array<i32>} : memref<128xf32, #tpu.memory_space<vmem>>, vector<16xf32>,
    %mul3A_51 = arith.constant 640 : i32
    %mul3A_52 = arith.muli %arg1, %mul3A_51 : i32
    "tpu.region"() ({
      %run_scoped3A = tpu.sem_alloc : memref<!tpu.dma_semaphore, #tpu.memory_space<semaphore_mem>>
      %dma_start3A = tpu.memref_slice %arg6[%mul3A_52] : memref<10240xf32, #tpu.memory_space<vmem_shared>> -> memref<640xf32, #tpu.memory_space<vmem_shared>>
      %dma_start3A_69 = tpu.memref_slice %arg6[%mul3A_52] : memref<10240xf32, #tpu.memory_space<vmem_shared>> -> memref<640xf32, #tpu.memory_space<vmem_shared>>
      tpu.enqueue_dma source(%arg11 : memref<640xf32, #tpu.memory_space<vmem>>) target(%dma_start3A_69 : memref<640xf32, #tpu.memory_space<vmem_shared>>) target_semaphore(%run_scoped3A : memref<!tpu.dma_semaphore, #tpu.memory_space<semaphore_mem>>)
      %dma_wait3A = tpu.memref_slice %arg6[%mul3A_52] : memref<10240xf32, #tpu.memory_space<vmem_shared>> -> memref<640xf32, #tpu.memory_space<vmem_shared>>
      %dma_wait3A_70 = tpu.memref_slice %arg6[%mul3A_52] : memref<10240xf32, #tpu.memory_space<vmem_shared>> -> memref<640xf32, #tpu.memory_space<vmem_shared>>
      tpu.wait_dma2 semaphore(%run_scoped3A : memref<!tpu.dma_semaphore, #tpu.memory_space<semaphore_mem>>) src(%arg11 : memref<640xf32, #tpu.memory_space<vmem>>) dst(%dma_wait3A_70 : memref<640xf32, #tpu.memory_space<vmem_shared>>)
      tpu.yield
    }) : () -> ()
    %mul3A_53 = arith.constant 640 : i32
    %mul3A_54 = arith.muli %arg1, %mul3A_53 : i32
    "tpu.region"() ({
      %run_scoped3A = tpu.sem_alloc : memref<!tpu.dma_semaphore, #tpu.memory_space<semaphore_mem>>
      %dma_start3A = tpu.memref_slice %arg7[%mul3A_54] : memref<10240xf32, #tpu.memory_space<vmem_shared>> -> memref<640xf32, #tpu.memory_space<vmem_shared>>
      %dma_start3A_69 = tpu.memref_slice %arg7[%mul3A_54] : memref<10240xf32, #tpu.memory_space<vmem_shared>> -> memref<640xf32, #tpu.memory_space<vmem_shared>>
      tpu.enqueue_dma source(%arg11 : memref<640xf32, #tpu.memory_space<vmem>>) target(%dma_start3A_69 : memref<640xf32, #tpu.memory_space<vmem_shared>>) target_semaphore(%run_scoped3A : memref<!tpu.dma_semaphore, #tpu.memory_space<semaphore_mem>>)
      %dma_wait3A = tpu.memref_slice %arg7[%mul3A_54] : memref<10240xf32, #tpu.memory_space<vmem_shared>> -> memref<640xf32, #tpu.memory_space<vmem_shared>>
      %dma_wait3A_70 = tpu.memref_slice %arg7[%mul3A_54] : memref<10240xf32, #tpu.memory_space<vmem_shared>> -> memref<640xf32, #tpu.memory_space<vmem_shared>>
      tpu.wait_dma2 semaphore(%run_scoped3A : memref<!tpu.dma_semaphore, #tpu.memory_space<semaphore_mem>>) src(%arg11 : memref<640xf32, #tpu.memory_space<vmem>>) dst(%dma_wait3A_70 : memref<640xf32, #tpu.memory_space<vmem_shared>>)
      tpu.yield
    }) : () -> ()
    %barrier3A = arith.constant 0 : index
    tpu.barrier barrier_id(%barrier3A)
    %scan3A_55 = arith.constant 0 : i32
    %scan3A_56 = arith.constant 20 : i32
    %scan3A_57 = arith.addi %scan3A_55, %scan3A_56 : i32
    %scan3A_58 = arith.constant 1 : i32
    scf.for %scan3A_69 = %scan3A_55 to %scan3A_57 step %scan3A_58  : i32 {
      %mul3A_70 = arith.constant 4 : i32
      %mul3A_71 = arith.muli %scan3A_69, %mul3A_70 : i32
      %add3A_72 = arith.constant 0 : i32
      %add3A_73 = arith.addi %add3A_72, %mul3A_71 : i32
      %add3A_74 = arith.constant 0 : i32
      %add3A_75 = arith.addi %add3A_73, %add3A_74 : i32
      %dma_start3A = arith.constant 0 : i32
      %dma_start3A_76 = tpu.memref_slice %arg8[%add3A_75, %dma_start3A] : memref<80x128xi32, #tpu.memory_space<vmem>> -> memref<1x128xi32, #tpu.memory_space<vmem>>
      %dma_start3A_77 = tpu.memref_squeeze %dma_start3A_76 : memref<1x128xi32, #tpu.memory_space<vmem>> -> memref<128xi32, #tpu.memory_space<vmem>>
      %dma_start3A_78 = arith.constant 0 : i32
      %dma_start3A_79 = tpu.memref_slice %arg6[%dma_start3A_78] : memref<10240xf32, #tpu.memory_space<vmem_shared>> -> memref<10240xf32, #tpu.memory_space<vmem_shared>>
      tpu.enqueue_indirect_dma source(%arg10 : memref<128xf32, #tpu.memory_space<vmem>>) target(%dma_start3A_79 : memref<10240xf32, #tpu.memory_space<vmem_shared>>) offsets(%dma_start3A_77 : memref<128xi32, #tpu.memory_space<vmem>>) semaphore(%arg12 : memref<!tpu.dma_semaphore, #tpu.memory_space<semaphore_mem>>) {add = true}
      %add3A_80 = arith.constant 0 : i32
      %add3A_81 = arith.addi %add3A_73, %add3A_80 : i32
      %dma_start3A_82 = arith.constant 0 : i32
      %dma_start3A_83 = tpu.memref_slice %arg9[%add3A_81, %dma_start3A_82] : memref<80x128xi32, #tpu.memory_space<vmem>> -> memref<1x128xi32, #tpu.memory_space<vmem>>
      %dma_start3A_84 = tpu.memref_squeeze %dma_start3A_83 : memref<1x128xi32, #tpu.memory_space<vmem>> -> memref<128xi32, #tpu.memory_space<vmem>>
      %dma_start3A_85 = arith.constant 0 : i32
      %dma_start3A_86 = tpu.memref_slice %arg7[%dma_start3A_85] : memref<10240xf32, #tpu.memory_space<vmem_shared>> -> memref<10240xf32, #tpu.memory_space<vmem_shared>>
      tpu.enqueue_indirect_dma source(%arg10 : memref<128xf32, #tpu.memory_space<vmem>>) target(%dma_start3A_86 : memref<10240xf32, #tpu.memory_space<vmem_shared>>) offsets(%dma_start3A_84 : memref<128xi32, #tpu.memory_space<vmem>>) semaphore(%arg12 : memref<!tpu.dma_semaphore, #tpu.memory_space<semaphore_mem>>) {add = true}
      %add3A_87 = arith.constant 1 : i32
      %add3A_88 = arith.addi %add3A_73, %add3A_87 : i32
      %dma_start3A_89 = arith.constant 0 : i32
      %dma_start3A_90 = tpu.memref_slice %arg8[%add3A_88, %dma_start3A_89] : memref<80x128xi32, #tpu.memory_space<vmem>> -> memref<1x128xi32, #tpu.memory_space<vmem>>
      %dma_start3A_91 = tpu.memref_squeeze %dma_start3A_90 : memref<1x128xi32, #tpu.memory_space<vmem>> -> memref<128xi32, #tpu.memory_space<vmem>>
      %dma_start3A_92 = arith.constant 0 : i32
      %dma_start3A_93 = tpu.memref_slice %arg6[%dma_start3A_92] : memref<10240xf32, #tpu.memory_space<vmem_shared>> -> memref<10240xf32, #tpu.memory_space<vmem_shared>>
      tpu.enqueue_indirect_dma source(%arg10 : memref<128xf32, #tpu.memory_space<vmem>>) target(%dma_start3A_93 : memref<10240xf32, #tpu.memory_space<vmem_shared>>) offsets(%dma_start3A_91 : memref<128xi32, #tpu.memory_space<vmem>>) semaphore(%arg12 : memref<!tpu.dma_semaphore, #tpu.memory_space<semaphore_mem>>) {add = true}
      %add3A_94 = arith.constant 1 : i32
      %add3A_95 = arith.addi %add3A_73, %add3A_94 : i32
      %dma_start3A_96 = arith.constant 0 : i32
      %dma_start3A_97 = tpu.memref_slice %arg9[%add3A_95, %dma_start3A_96] : memref<80x128xi32, #tpu.memory_space<vmem>> -> memref<1x128xi32, #tpu.memory_space<vmem>>
      %dma_start3A_98 = tpu.memref_squeeze %dma_start3A_97 : memref<1x128xi32, #tpu.memory_space<vmem>> -> memref<128xi32, #tpu.memory_space<vmem>>
      %dma_start3A_99 = arith.constant 0 : i32
      %dma_start3A_100 = tpu.memref_slice %arg7[%dma_start3A_99] : memref<10240xf32, #tpu.memory_space<vmem_shared>> -> memref<10240xf32, #tpu.memory_space<vmem_shared>>
      tpu.enqueue_indirect_dma source(%arg10 : memref<128xf32, #tpu.memory_space<vmem>>) target(%dma_start3A_100 : memref<10240xf32, #tpu.memory_space<vmem_shared>>) offsets(%dma_start3A_98 : memref<128xi32, #tpu.memory_space<vmem>>) semaphore(%arg12 : memref<!tpu.dma_semaphore, #tpu.memory_space<semaphore_mem>>) {add = true}
      %add3A_101 = arith.constant 2 : i32
      %add3A_102 = arith.addi %add3A_73, %add3A_101 : i32
      %dma_start3A_103 = arith.constant 0 : i32
      %dma_start3A_104 = tpu.memref_slice %arg8[%add3A_102, %dma_start3A_103] : memref<80x128xi32, #tpu.memory_space<vmem>> -> memref<1x128xi32, #tpu.memory_space<vmem>>
      %dma_start3A_105 = tpu.memref_squeeze %dma_start3A_104 : memref<1x128xi32, #tpu.memory_space<vmem>> -> memref<128xi32, #tpu.memory_space<vmem>>
      %dma_start3A_106 = arith.constant 0 : i32
      %dma_start3A_107 = tpu.memref_slice %arg6[%dma_start3A_106] : memref<10240xf32, #tpu.memory_space<vmem_shared>> -> memref<10240xf32, #tpu.memory_space<vmem_shared>>
      tpu.enqueue_indirect_dma source(%arg10 : memref<128xf32, #tpu.memory_space<vmem>>) target(%dma_start3A_107 : memref<10240xf32, #tpu.memory_space<vmem_shared>>) offsets(%dma_start3A_105 : memref<128xi32, #tpu.memory_space<vmem>>) semaphore(%arg12 : memref<!tpu.dma_semaphore, #tpu.memory_space<semaphore_mem>>) {add = true}
      %add3A_108 = arith.constant 2 : i32
      %add3A_109 = arith.addi %add3A_73, %add3A_108 : i32
      %dma_start3A_110 = arith.constant 0 : i32
      %dma_start3A_111 = tpu.memref_slice %arg9[%add3A_109, %dma_start3A_110] : memref<80x128xi32, #tpu.memory_space<vmem>> -> memref<1x128xi32, #tpu.memory_space<vmem>>
      %dma_start3A_112 = tpu.memref_squeeze %dma_start3A_111 : memref<1x128xi32, #tpu.memory_space<vmem>> -> memref<128xi32, #tpu.memory_space<vmem>>
      %dma_start3A_113 = arith.constant 0 : i32
      %dma_start3A_114 = tpu.memref_slice %arg7[%dma_start3A_113] : memref<10240xf32, #tpu.memory_space<vmem_shared>> -> memref<10240xf32, #tpu.memory_space<vmem_shared>>
      tpu.enqueue_indirect_dma source(%arg10 : memref<128xf32, #tpu.memory_space<vmem>>) target(%dma_start3A_114 : memref<10240xf32, #tpu.memory_space<vmem_shared>>) offsets(%dma_start3A_112 : memref<128xi32, #tpu.memory_space<vmem>>) semaphore(%arg12 : memref<!tpu.dma_semaphore, #tpu.memory_space<semaphore_mem>>) {add = true}
      %add3A_115 = arith.constant 3 : i32
      %add3A_116 = arith.addi %add3A_73, %add3A_115 : i32
      %dma_start3A_117 = arith.constant 0 : i32
      %dma_start3A_118 = tpu.memref_slice %arg8[%add3A_116, %dma_start3A_117] : memref<80x128xi32, #tpu.memory_space<vmem>> -> memref<1x128xi32, #tpu.memory_space<vmem>>
      %dma_start3A_119 = tpu.memref_squeeze %dma_start3A_118 : memref<1x128xi32, #tpu.memory_space<vmem>> -> memref<128xi32, #tpu.memory_space<vmem>>
      %dma_start3A_120 = arith.constant 0 : i32
      %dma_start3A_121 = tpu.memref_slice %arg6[%dma_start3A_120] : memref<10240xf32, #tpu.memory_space<vmem_shared>> -> memref<10240xf32, #tpu.memory_space<vmem_shared>>
      tpu.enqueue_indirect_dma source(%arg10 : memref<128xf32, #tpu.memory_space<vmem>>) target(%dma_start3A_121 : memref<10240xf32, #tpu.memory_space<vmem_shared>>) offsets(%dma_start3A_119 : memref<128xi32, #tpu.memory_space<vmem>>) semaphore(%arg12 : memref<!tpu.dma_semaphore, #tpu.memory_space<semaphore_mem>>) {add = true}
      %add3A_122 = arith.constant 3 : i32
      %add3A_123 = arith.addi %add3A_73, %add3A_122 : i32
      %dma_start3A_124 = arith.constant 0 : i32
      %dma_start3A_125 = tpu.memref_slice %arg9[%add3A_123, %dma_start3A_124] : memref<80x128xi32, #tpu.memory_space<vmem>> -> memref<1x128xi32, #tpu.memory_space<vmem>>
      %dma_start3A_126 = tpu.memref_squeeze %dma_start3A_125 : memref<1x128xi32, #tpu.memory_space<vmem>> -> memref<128xi32, #tpu.memory_space<vmem>>
      %dma_start3A_127 = arith.constant 0 : i32
      %dma_start3A_128 = tpu.memref_slice %arg7[%dma_start3A_127] : memref<10240xf32, #tpu.memory_space<vmem_shared>> -> memref<10240xf32, #tpu.memory_space<vmem_shared>>
      tpu.enqueue_indirect_dma source(%arg10 : memref<128xf32, #tpu.memory_space<vmem>>) target(%dma_start3A_128 : memref<10240xf32, #tpu.memory_space<vmem_shared>>) offsets(%dma_start3A_126 : memref<128xi32, #tpu.memory_space<vmem>>) semaphore(%arg12 : memref<!tpu.dma_semaphore, #tpu.memory_space<semaphore_mem>>) {add = true}
      %add3A_129 = arith.constant 0 : i32
      %add3A_130 = arith.addi %add3A_73, %add3A_129 : i32
      %dma_wait3A = arith.constant 0 : i32
      %dma_wait3A_131 = tpu.memref_slice %arg8[%add3A_130, %dma_wait3A] : memref<80x128xi32, #tpu.memory_space<vmem>> -> memref<1x128xi32, #tpu.memory_space<vmem>>
      %dma_wait3A_132 = tpu.memref_squeeze %dma_wait3A_131 : memref<1x128xi32, #tpu.memory_space<vmem>> -> memref<128xi32, #tpu.memory_space<vmem>>
      %dma_wait3A_133 = arith.constant 0 : i32
      %dma_wait3A_134 = tpu.memref_slice %arg6[%dma_wait3A_133] : memref<10240xf32, #tpu.memory_space<vmem_shared>> -> memref<10240xf32, #tpu.memory_space<vmem_shared>>
      tpu.wait_indirect_dma semaphore(%arg12 : memref<!tpu.dma_semaphore, #tpu.memory_space<semaphore_mem>>) src(%arg10 : memref<128xf32, #tpu.memory_space<vmem>>) dst(%dma_wait3A_134 : memref<10240xf32, #tpu.memory_space<vmem_shared>>)
      %add3A_135 = arith.constant 0 : i32
      %add3A_136 = arith.addi %add3A_73, %add3A_135 : i32
      %dma_wait3A_137 = arith.constant 0 : i32
      %dma_wait3A_138 = tpu.memref_slice %arg9[%add3A_136, %dma_wait3A_137] : memref<80x128xi32, #tpu.memory_space<vmem>> -> memref<1x128xi32, #tpu.memory_space<vmem>>
      %dma_wait3A_139 = tpu.memref_squeeze %dma_wait3A_138 : memref<1x128xi32, #tpu.memory_space<vmem>> -> memref<128xi32, #tpu.memory_space<vmem>>
      %dma_wait3A_140 = arith.constant 0 : i32
      %dma_wait3A_141 = tpu.memref_slice %arg7[%dma_wait3A_140] : memref<10240xf32, #tpu.memory_space<vmem_shared>> -> memref<10240xf32, #tpu.memory_space<vmem_shared>>
      tpu.wait_indirect_dma semaphore(%arg12 : memref<!tpu.dma_semaphore, #tpu.memory_space<semaphore_mem>>) src(%arg10 : memref<128xf32, #tpu.memory_space<vmem>>) dst(%dma_wait3A_141 : memref<10240xf32, #tpu.memory_space<vmem_shared>>)
      %add3A_142 = arith.constant 1 : i32
      %add3A_143 = arith.addi %add3A_73, %add3A_142 : i32
      %dma_wait3A_144 = arith.constant 0 : i32
      %dma_wait3A_145 = tpu.memref_slice %arg8[%add3A_143, %dma_wait3A_144] : memref<80x128xi32, #tpu.memory_space<vmem>> -> memref<1x128xi32, #tpu.memory_space<vmem>>
      %dma_wait3A_146 = tpu.memref_squeeze %dma_wait3A_145 : memref<1x128xi32, #tpu.memory_space<vmem>> -> memref<128xi32, #tpu.memory_space<vmem>>
      %dma_wait3A_147 = arith.constant 0 : i32
      %dma_wait3A_148 = tpu.memref_slice %arg6[%dma_wait3A_147] : memref<10240xf32, #tpu.memory_space<vmem_shared>> -> memref<10240xf32, #tpu.memory_space<vmem_shared>>
      tpu.wait_indirect_dma semaphore(%arg12 : memref<!tpu.dma_semaphore, #tpu.memory_space<semaphore_mem>>) src(%arg10 : memref<128xf32, #tpu.memory_space<vmem>>) dst(%dma_wait3A_148 : memref<10240xf32, #tpu.memory_space<vmem_shared>>)
      %add3A_149 = arith.constant 1 : i32
      %add3A_150 = arith.addi %add3A_73, %add3A_149 : i32
      %dma_wait3A_151 = arith.constant 0 : i32
      %dma_wait3A_152 = tpu.memref_slice %arg9[%add3A_150, %dma_wait3A_151] : memref<80x128xi32, #tpu.memory_space<vmem>> -> memref<1x128xi32, #tpu.memory_space<vmem>>
      %dma_wait3A_153 = tpu.memref_squeeze %dma_wait3A_152 : memref<1x128xi32, #tpu.memory_space<vmem>> -> memref<128xi32, #tpu.memory_space<vmem>>
      %dma_wait3A_154 = arith.constant 0 : i32
      %dma_wait3A_155 = tpu.memref_slice %arg7[%dma_wait3A_154] : memref<10240xf32, #tpu.memory_space<vmem_shared>> -> memref<10240xf32, #tpu.memory_space<vmem_shared>>
      tpu.wait_indirect_dma semaphore(%arg12 : memref<!tpu.dma_semaphore, #tpu.memory_space<semaphore_mem>>) src(%arg10 : memref<128xf32, #tpu.memory_space<vmem>>) dst(%dma_wait3A_155 : memref<10240xf32, #tpu.memory_space<vmem_shared>>)
      %add3A_156 = arith.constant 2 : i32
      %add3A_157 = arith.addi %add3A_73, %add3A_156 : i32
      %dma_wait3A_158 = arith.constant 0 : i32
      %dma_wait3A_159 = tpu.memref_slice %arg8[%add3A_157, %dma_wait3A_158] : memref<80x128xi32, #tpu.memory_space<vmem>> -> memref<1x128xi32, #tpu.memory_space<vmem>>
      %dma_wait3A_160 = tpu.memref_squeeze %dma_wait3A_159 : memref<1x128xi32, #tpu.memory_space<vmem>> -> memref<128xi32, #tpu.memory_space<vmem>>
      %dma_wait3A_161 = arith.constant 0 : i32
      %dma_wait3A_162 = tpu.memref_slice %arg6[%dma_wait3A_161] : memref<10240xf32, #tpu.memory_space<vmem_shared>> -> memref<10240xf32, #tpu.memory_space<vmem_shared>>
      tpu.wait_indirect_dma semaphore(%arg12 : memref<!tpu.dma_semaphore, #tpu.memory_space<semaphore_mem>>) src(%arg10 : memref<128xf32, #tpu.memory_space<vmem>>) dst(%dma_wait3A_162 : memref<10240xf32, #tpu.memory_space<vmem_shared>>)
      %add3A_163 = arith.constant 2 : i32
      %add3A_164 = arith.addi %add3A_73, %add3A_163 : i32
      %dma_wait3A_165 = arith.constant 0 : i32
      %dma_wait3A_166 = tpu.memref_slice %arg9[%add3A_164, %dma_wait3A_165] : memref<80x128xi32, #tpu.memory_space<vmem>> -> memref<1x128xi32, #tpu.memory_space<vmem>>
      %dma_wait3A_167 = tpu.memref_squeeze %dma_wait3A_166 : memref<1x128xi32, #tpu.memory_space<vmem>> -> memref<128xi32, #tpu.memory_space<vmem>>
      %dma_wait3A_168 = arith.constant 0 : i32
      %dma_wait3A_169 = tpu.memref_slice %arg7[%dma_wait3A_168] : memref<10240xf32, #tpu.memory_space<vmem_shared>> -> memref<10240xf32, #tpu.memory_space<vmem_shared>>
      tpu.wait_indirect_dma semaphore(%arg12 : memref<!tpu.dma_semaphore, #tpu.memory_space<semaphore_mem>>) src(%arg10 : memref<128xf32, #tpu.memory_space<vmem>>) dst(%dma_wait3A_169 : memref<10240xf32, #tpu.memory_space<vmem_shared>>)
      %add3A_170 = arith.constant 3 : i32
      %add3A_171 = arith.addi %add3A_73, %add3A_170 : i32
      %dma_wait3A_172 = arith.constant 0 : i32
      %dma_wait3A_173 = tpu.memref_slice %arg8[%add3A_171, %dma_wait3A_172] : memref<80x128xi32, #tpu.memory_space<vmem>> -> memref<1x128xi32, #tpu.memory_space<vmem>>
      %dma_wait3A_174 = tpu.memref_squeeze %dma_wait3A_173 : memref<1x128xi32, #tpu.memory_space<vmem>> -> memref<128xi32, #tpu.memory_space<vmem>>
      %dma_wait3A_175 = arith.constant 0 : i32
      %dma_wait3A_176 = tpu.memref_slice %arg6[%dma_wait3A_175] : memref<10240xf32, #tpu.memory_space<vmem_shared>> -> memref<10240xf32, #tpu.memory_space<vmem_shared>>
      tpu.wait_indirect_dma semaphore(%arg12 : memref<!tpu.dma_semaphore, #tpu.memory_space<semaphore_mem>>) src(%arg10 : memref<128xf32, #tpu.memory_space<vmem>>) dst(%dma_wait3A_176 : memref<10240xf32, #tpu.memory_space<vmem_shared>>)
      %add3A_177 = arith.constant 3 : i32
      %add3A_178 = arith.addi %add3A_73, %add3A_177 : i32
      %dma_wait3A_179 = arith.constant 0 : i32
      %dma_wait3A_180 = tpu.memref_slice %arg9[%add3A_178, %dma_wait3A_179] : memref<80x128xi32, #tpu.memory_space<vmem>> -> memref<1x128xi32, #tpu.memory_space<vmem>>
      %dma_wait3A_181 = tpu.memref_squeeze %dma_wait3A_180 : memref<1x128xi32, #tpu.memory_space<vmem>> -> memref<128xi32, #tpu.memory_space<vmem>>
      %dma_wait3A_182 = arith.constant 0 : i32
      %dma_wait3A_183 = tpu.memref_slice %arg7[%dma_wait3A_182] : memref<10240xf32, #tpu.memory_space<vmem_shared>> -> memref<10240xf32, #tpu.memory_space<vmem_shared>>
      tpu.wait_indirect_dma semaphore(%arg12 : memref<!tpu.dma_semaphore, #tpu.memory_space<semaphore_mem>>) src(%arg10 : memref<128xf32, #tpu.memory_space<vmem>>) dst(%dma_wait3A_183 : memref<10240xf32, #tpu.memory_space<vmem_shared>>)
    }
    %scan3A_59 = arith.constant 20 : i32
    %barrier3A_60 = arith.constant 0 : index
    tpu.barrier barrier_id(%barrier3A_60)
    %mul3A_61 = arith.constant 640 : i32
    %mul3A_62 = arith.muli %arg1, %mul3A_61 : i32
    %mul3A_63 = arith.constant 640 : i32
    %mul3A_64 = arith.muli %arg1, %mul3A_63 : i32
    "tpu.region"() ({
      %run_scoped3A = tpu.sem_alloc : memref<!tpu.dma_semaphore, #tpu.memory_space<semaphore_mem>>
      %dma_start3A = tpu.memref_slice %arg4[%arg0, %mul3A_64] : memref<2x10240xf32, #tpu.memory_space<hbm>> -> memref<1x640xf32, #tpu.memory_space<hbm>>
      %dma_start3A_69 = tpu.memref_squeeze %dma_start3A : memref<1x640xf32, #tpu.memory_space<hbm>> -> memref<640xf32, #tpu.memory_space<hbm>>
      %dma_start3A_70 = tpu.memref_slice %arg6[%mul3A_62] : memref<10240xf32, #tpu.memory_space<vmem_shared>> -> memref<640xf32, #tpu.memory_space<vmem_shared>>
      tpu.enqueue_dma source(%dma_start3A_70 : memref<640xf32, #tpu.memory_space<vmem_shared>>) target(%dma_start3A_69 : memref<640xf32, #tpu.memory_space<hbm>>) target_semaphore(%run_scoped3A : memref<!tpu.dma_semaphore, #tpu.memory_space<semaphore_mem>>)
      %dma_wait3A = tpu.memref_slice %arg4[%arg0, %mul3A_64] : memref<2x10240xf32, #tpu.memory_space<hbm>> -> memref<1x640xf32, #tpu.memory_space<hbm>>
      %dma_wait3A_71 = tpu.memref_squeeze %dma_wait3A : memref<1x640xf32, #tpu.memory_space<hbm>> -> memref<640xf32, #tpu.memory_space<hbm>>
      %dma_wait3A_72 = tpu.memref_slice %arg6[%mul3A_62] : memref<10240xf32, #tpu.memory_space<vmem_shared>> -> memref<640xf32, #tpu.memory_space<vmem_shared>>
      tpu.wait_dma2 semaphore(%run_scoped3A : memref<!tpu.dma_semaphore, #tpu.memory_space<semaphore_mem>>) src(%dma_wait3A_72 : memref<640xf32, #tpu.memory_space<vmem_shared>>) dst(%dma_wait3A_71 : memref<640xf32, #tpu.memory_space<hbm>>)
      tpu.yield
    }) : () -> ()
    %mul3A_65 = arith.constant 640 : i32
    %mul3A_66 = arith.muli %arg1, %mul3A_65 : i32
    %mul3A_67 = arith.constant 640 : i32
    %mul3A_68 = arith.muli %arg1, %mul3A_67 : i32
    "tpu.region"() ({
      %run_scoped3A = tpu.sem_alloc : memref<!tpu.dma_semaphore, #tpu.memory_space<semaphore_mem>>
      %dma_start3A = tpu.memref_slice %arg5[%arg0, %mul3A_68] : memref<2x10240xf32, #tpu.memory_space<hbm>> -> memref<1x640xf32, #tpu.memory_space<hbm>>
      %dma_start3A_69 = tpu.memref_squeeze %dma_start3A : memref<1x640xf32, #tpu.memory_space<hbm>> -> memref<640xf32, #tpu.memory_space<hbm>>
      %dma_start3A_70 = tpu.memref_slice %arg7[%mul3A_66] : memref<10240xf32, #tpu.memory_space<vmem_shared>> -> memref<640xf32, #tpu.memory_space<vmem_shared>>
      tpu.enqueue_dma source(%dma_start3A_70 : memref<640xf32, #tpu.memory_space<vmem_shared>>) target(%dma_start3A_69 : memref<640xf32, #tpu.memory_space<hbm>>) target_semaphore(%run_scoped3A : memref<!tpu.dma_semaphore, #tpu.memory_space<semaphore_mem>>)
      %dma_wait3A = tpu.memref_slice %arg5[%arg0, %mul3A_68] : memref<2x10240xf32, #tpu.memory_space<hbm>> -> memref<1x640xf32, #tpu.memory_space<hbm>>
      %dma_wait3A_71 = tpu.memref_squeeze %dma_wait3A : memref<1x640xf32, #tpu.memory_space<hbm>> -> memref<640xf32, #tpu.memory_space<hbm>>
      %dma_wait3A_72 = tpu.memref_slice %arg7[%mul3A_66] : memref<10240xf32, #tpu.memory_space<vmem_shared>> -> memref<640xf32, #tpu.memory_space<vmem_shared>>
      tpu.wait_dma2 semaphore(%run_scoped3A : memref<!tpu.dma_semaphore, #tpu.memory_space<semaphore_mem>>) src(%dma_wait3A_72 : memref<640xf32, #tpu.memory_space<vmem_shared>>) dst(%dma_wait3A_71 : memref<640xf32, #tpu.memory_space<hbm>>)
      tpu.yield
    }) : () -> ()
    return
  }
}

#map = affine_map<(d0, d1) -> (0, 0)>
#map1 = affine_map<(d0, d1) -> (0, 0, 0)>
module attributes {stable_mosaic.version = 14 : i64} {
  func.func @body(%arg0: i32, %arg1: i32, %arg2: memref<10240x128xf32, #tpu.memory_space<hbm>>, %arg3: memref<32x80x128xi32, #tpu.memory_space<hbm>>, %arg4: memref<32x80x128xi32, #tpu.memory_space<hbm>>, %arg5: memref<2x10240x128xf32, #tpu.memory_space<hbm>>, %arg6: memref<10240x128xf32, #tpu.memory_space<vmem_shared>>, %arg7: memref<40x128xi32, #tpu.memory_space<vmem>>, %arg8: memref<40x128xi32, #tpu.memory_space<vmem>>, %arg9: memref<128x128xf32, #tpu.memory_space<vmem>>, %arg10: memref<128x128xf32, #tpu.memory_space<vmem>>, %arg11: memref<!tpu.dma_semaphore, #tpu.memory_space<semaphore_mem>>, %arg12: memref<!tpu.dma_semaphore, #tpu.memory_space<semaphore_mem>>, %arg13: memref<!tpu.dma_semaphore, #tpu.memory_space<semaphore_mem>>, %arg14: memref<!tpu.dma_semaphore, #tpu.memory_space<semaphore_mem>>) attributes {dimension_semantics = [#tpu.dimension_semantics<core_parallel>, #tpu.dimension_semantics<subcore_parallel>], iteration_bounds = array<i64: 2, 16>, scalar_prefetch = 0 : i64, scratch_operands = 9 : i64, tpu.core_type = #tpu.core_type<sc_vector_subcore>, window_params = [{transform_indices = #map}, {transform_indices = #map1}, {transform_indices = #map1}, {transform_indices = #map1}]} {
    %mul3A = arith.constant 16 : i32
    %mul3A_0 = arith.muli %arg0, %mul3A : i32
    %add3A = arith.addi %mul3A_0, %arg1 : i32
    %scan3A = arith.constant 0 : i32
    %scan3A_1 = arith.constant 128 : i32
    %scan3A_2 = arith.addi %scan3A, %scan3A_1 : i32
    %scan3A_3 = arith.constant 1 : i32
    scf.for %scan3A_53 = %scan3A to %scan3A_2 step %scan3A_3  : i32 {
      %mul3A_54 = arith.constant 1 : i32
      %mul3A_55 = arith.muli %scan3A_53, %mul3A_54 : i32
      %add3A_56 = arith.constant 0 : i32
      %add3A_57 = arith.addi %add3A_56, %mul3A_55 : i32
      %broadcast_in_dim3A = arith.constant 0.000000e+00 : f32
      %broadcast_in_dim3A_58 = vector.broadcast %broadcast_in_dim3A : f32 to vector<16xf32>
      %swap3A = arith.index_cast %add3A_57 : i32 to index
      %swap3A_59 = arith.constant 0 : index
      %swap3A_60 = tpu.vector_load %arg9[%swap3A, %swap3A_59] {strides = array<i32>} : memref<128x128xf32, #tpu.memory_space<vmem>>, vector<1x16xf32>,
      %swap3A_61 = vector.shape_cast %swap3A_60 : vector<1x16xf32> to vector<16xf32>
      %swap3A_62 = vector.shape_cast %broadcast_in_dim3A_58 : vector<16xf32> to vector<1x16xf32>
      tpu.vector_store %arg9[%swap3A, %swap3A_59], %swap3A_62 {strides = array<i32>} : memref<128x128xf32, #tpu.memory_space<vmem>>, vector<1x16xf32>,
      %broadcast_in_dim3A_63 = arith.constant 0.000000e+00 : f32
      %broadcast_in_dim3A_64 = vector.broadcast %broadcast_in_dim3A_63 : f32 to vector<16xf32>
      %swap3A_65 = arith.index_cast %add3A_57 : i32 to index
      %swap3A_66 = arith.constant 16 : index
      %swap3A_67 = tpu.vector_load %arg9[%swap3A_65, %swap3A_66] {strides = array<i32>} : memref<128x128xf32, #tpu.memory_space<vmem>>, vector<1x16xf32>,
      %swap3A_68 = vector.shape_cast %swap3A_67 : vector<1x16xf32> to vector<16xf32>
      %swap3A_69 = vector.shape_cast %broadcast_in_dim3A_64 : vector<16xf32> to vector<1x16xf32>
      tpu.vector_store %arg9[%swap3A_65, %swap3A_66], %swap3A_69 {strides = array<i32>} : memref<128x128xf32, #tpu.memory_space<vmem>>, vector<1x16xf32>,
      %broadcast_in_dim3A_70 = arith.constant 0.000000e+00 : f32
      %broadcast_in_dim3A_71 = vector.broadcast %broadcast_in_dim3A_70 : f32 to vector<16xf32>
      %swap3A_72 = arith.index_cast %add3A_57 : i32 to index
      %swap3A_73 = arith.constant 32 : index
      %swap3A_74 = tpu.vector_load %arg9[%swap3A_72, %swap3A_73] {strides = array<i32>} : memref<128x128xf32, #tpu.memory_space<vmem>>, vector<1x16xf32>,
      %swap3A_75 = vector.shape_cast %swap3A_74 : vector<1x16xf32> to vector<16xf32>
      %swap3A_76 = vector.shape_cast %broadcast_in_dim3A_71 : vector<16xf32> to vector<1x16xf32>
      tpu.vector_store %arg9[%swap3A_72, %swap3A_73], %swap3A_76 {strides = array<i32>} : memref<128x128xf32, #tpu.memory_space<vmem>>, vector<1x16xf32>,
      %broadcast_in_dim3A_77 = arith.constant 0.000000e+00 : f32
      %broadcast_in_dim3A_78 = vector.broadcast %broadcast_in_dim3A_77 : f32 to vector<16xf32>
      %swap3A_79 = arith.index_cast %add3A_57 : i32 to index
      %swap3A_80 = arith.constant 48 : index
      %swap3A_81 = tpu.vector_load %arg9[%swap3A_79, %swap3A_80] {strides = array<i32>} : memref<128x128xf32, #tpu.memory_space<vmem>>, vector<1x16xf32>,
      %swap3A_82 = vector.shape_cast %swap3A_81 : vector<1x16xf32> to vector<16xf32>
      %swap3A_83 = vector.shape_cast %broadcast_in_dim3A_78 : vector<16xf32> to vector<1x16xf32>
      tpu.vector_store %arg9[%swap3A_79, %swap3A_80], %swap3A_83 {strides = array<i32>} : memref<128x128xf32, #tpu.memory_space<vmem>>, vector<1x16xf32>,
      %broadcast_in_dim3A_84 = arith.constant 0.000000e+00 : f32
      %broadcast_in_dim3A_85 = vector.broadcast %broadcast_in_dim3A_84 : f32 to vector<16xf32>
      %swap3A_86 = arith.index_cast %add3A_57 : i32 to index
      %swap3A_87 = arith.constant 64 : index
      %swap3A_88 = tpu.vector_load %arg9[%swap3A_86, %swap3A_87] {strides = array<i32>} : memref<128x128xf32, #tpu.memory_space<vmem>>, vector<1x16xf32>,
      %swap3A_89 = vector.shape_cast %swap3A_88 : vector<1x16xf32> to vector<16xf32>
      %swap3A_90 = vector.shape_cast %broadcast_in_dim3A_85 : vector<16xf32> to vector<1x16xf32>
      tpu.vector_store %arg9[%swap3A_86, %swap3A_87], %swap3A_90 {strides = array<i32>} : memref<128x128xf32, #tpu.memory_space<vmem>>, vector<1x16xf32>,
      %broadcast_in_dim3A_91 = arith.constant 0.000000e+00 : f32
      %broadcast_in_dim3A_92 = vector.broadcast %broadcast_in_dim3A_91 : f32 to vector<16xf32>
      %swap3A_93 = arith.index_cast %add3A_57 : i32 to index
      %swap3A_94 = arith.constant 80 : index
      %swap3A_95 = tpu.vector_load %arg9[%swap3A_93, %swap3A_94] {strides = array<i32>} : memref<128x128xf32, #tpu.memory_space<vmem>>, vector<1x16xf32>,
      %swap3A_96 = vector.shape_cast %swap3A_95 : vector<1x16xf32> to vector<16xf32>
      %swap3A_97 = vector.shape_cast %broadcast_in_dim3A_92 : vector<16xf32> to vector<1x16xf32>
      tpu.vector_store %arg9[%swap3A_93, %swap3A_94], %swap3A_97 {strides = array<i32>} : memref<128x128xf32, #tpu.memory_space<vmem>>, vector<1x16xf32>,
      %broadcast_in_dim3A_98 = arith.constant 0.000000e+00 : f32
      %broadcast_in_dim3A_99 = vector.broadcast %broadcast_in_dim3A_98 : f32 to vector<16xf32>
      %swap3A_100 = arith.index_cast %add3A_57 : i32 to index
      %swap3A_101 = arith.constant 96 : index
      %swap3A_102 = tpu.vector_load %arg9[%swap3A_100, %swap3A_101] {strides = array<i32>} : memref<128x128xf32, #tpu.memory_space<vmem>>, vector<1x16xf32>,
      %swap3A_103 = vector.shape_cast %swap3A_102 : vector<1x16xf32> to vector<16xf32>
      %swap3A_104 = vector.shape_cast %broadcast_in_dim3A_99 : vector<16xf32> to vector<1x16xf32>
      tpu.vector_store %arg9[%swap3A_100, %swap3A_101], %swap3A_104 {strides = array<i32>} : memref<128x128xf32, #tpu.memory_space<vmem>>, vector<1x16xf32>,
      %broadcast_in_dim3A_105 = arith.constant 0.000000e+00 : f32
      %broadcast_in_dim3A_106 = vector.broadcast %broadcast_in_dim3A_105 : f32 to vector<16xf32>
      %swap3A_107 = arith.index_cast %add3A_57 : i32 to index
      %swap3A_108 = arith.constant 112 : index
      %swap3A_109 = tpu.vector_load %arg9[%swap3A_107, %swap3A_108] {strides = array<i32>} : memref<128x128xf32, #tpu.memory_space<vmem>>, vector<1x16xf32>,
      %swap3A_110 = vector.shape_cast %swap3A_109 : vector<1x16xf32> to vector<16xf32>
      %swap3A_111 = vector.shape_cast %broadcast_in_dim3A_106 : vector<16xf32> to vector<1x16xf32>
      tpu.vector_store %arg9[%swap3A_107, %swap3A_108], %swap3A_111 {strides = array<i32>} : memref<128x128xf32, #tpu.memory_space<vmem>>, vector<1x16xf32>,
    }
    %scan3A_4 = arith.constant 128 : i32
    %mul3A_5 = arith.constant 640 : i32
    %mul3A_6 = arith.muli %arg1, %mul3A_5 : i32
    %add3A_7 = arith.constant 0 : i32
    %add3A_8 = arith.addi %mul3A_6, %add3A_7 : i32
    "tpu.region"() ({
      %run_scoped3A = tpu.sem_alloc : memref<!tpu.dma_semaphore, #tpu.memory_space<semaphore_mem>>
      %dma_start3A_53 = arith.constant 0 : i32
      %dma_start3A_54 = tpu.memref_slice %arg6[%add3A_8, %dma_start3A_53] : memref<10240x128xf32, #tpu.memory_space<vmem_shared>> -> memref<128x128xf32, #tpu.memory_space<vmem_shared>>
      %dma_start3A_55 = arith.constant 0 : i32
      %dma_start3A_56 = tpu.memref_slice %arg6[%add3A_8, %dma_start3A_55] : memref<10240x128xf32, #tpu.memory_space<vmem_shared>> -> memref<128x128xf32, #tpu.memory_space<vmem_shared>>
      tpu.enqueue_dma source(%arg9 : memref<128x128xf32, #tpu.memory_space<vmem>>) target(%dma_start3A_56 : memref<128x128xf32, #tpu.memory_space<vmem_shared>>) target_semaphore(%run_scoped3A : memref<!tpu.dma_semaphore, #tpu.memory_space<semaphore_mem>>)
      %dma_wait3A = arith.constant 0 : i32
      %dma_wait3A_57 = tpu.memref_slice %arg6[%add3A_8, %dma_wait3A] : memref<10240x128xf32, #tpu.memory_space<vmem_shared>> -> memref<128x128xf32, #tpu.memory_space<vmem_shared>>
      %dma_wait3A_58 = arith.constant 0 : i32
      %dma_wait3A_59 = tpu.memref_slice %arg6[%add3A_8, %dma_wait3A_58] : memref<10240x128xf32, #tpu.memory_space<vmem_shared>> -> memref<128x128xf32, #tpu.memory_space<vmem_shared>>
      tpu.wait_dma2 semaphore(%run_scoped3A : memref<!tpu.dma_semaphore, #tpu.memory_space<semaphore_mem>>) src(%arg9 : memref<128x128xf32, #tpu.memory_space<vmem>>) dst(%dma_wait3A_59 : memref<128x128xf32, #tpu.memory_space<vmem_shared>>)
      tpu.yield
    }) : () -> ()
    %mul3A_9 = arith.constant 640 : i32
    %mul3A_10 = arith.muli %arg1, %mul3A_9 : i32
    %add3A_11 = arith.constant 128 : i32
    %add3A_12 = arith.addi %mul3A_10, %add3A_11 : i32
    "tpu.region"() ({
      %run_scoped3A = tpu.sem_alloc : memref<!tpu.dma_semaphore, #tpu.memory_space<semaphore_mem>>
      %dma_start3A_53 = arith.constant 0 : i32
      %dma_start3A_54 = tpu.memref_slice %arg6[%add3A_12, %dma_start3A_53] : memref<10240x128xf32, #tpu.memory_space<vmem_shared>> -> memref<128x128xf32, #tpu.memory_space<vmem_shared>>
      %dma_start3A_55 = arith.constant 0 : i32
      %dma_start3A_56 = tpu.memref_slice %arg6[%add3A_12, %dma_start3A_55] : memref<10240x128xf32, #tpu.memory_space<vmem_shared>> -> memref<128x128xf32, #tpu.memory_space<vmem_shared>>
      tpu.enqueue_dma source(%arg9 : memref<128x128xf32, #tpu.memory_space<vmem>>) target(%dma_start3A_56 : memref<128x128xf32, #tpu.memory_space<vmem_shared>>) target_semaphore(%run_scoped3A : memref<!tpu.dma_semaphore, #tpu.memory_space<semaphore_mem>>)
      %dma_wait3A = arith.constant 0 : i32
      %dma_wait3A_57 = tpu.memref_slice %arg6[%add3A_12, %dma_wait3A] : memref<10240x128xf32, #tpu.memory_space<vmem_shared>> -> memref<128x128xf32, #tpu.memory_space<vmem_shared>>
      %dma_wait3A_58 = arith.constant 0 : i32
      %dma_wait3A_59 = tpu.memref_slice %arg6[%add3A_12, %dma_wait3A_58] : memref<10240x128xf32, #tpu.memory_space<vmem_shared>> -> memref<128x128xf32, #tpu.memory_space<vmem_shared>>
      tpu.wait_dma2 semaphore(%run_scoped3A : memref<!tpu.dma_semaphore, #tpu.memory_space<semaphore_mem>>) src(%arg9 : memref<128x128xf32, #tpu.memory_space<vmem>>) dst(%dma_wait3A_59 : memref<128x128xf32, #tpu.memory_space<vmem_shared>>)
      tpu.yield
    }) : () -> ()
    %mul3A_13 = arith.constant 640 : i32
    %mul3A_14 = arith.muli %arg1, %mul3A_13 : i32
    %add3A_15 = arith.constant 256 : i32
    %add3A_16 = arith.addi %mul3A_14, %add3A_15 : i32
    "tpu.region"() ({
      %run_scoped3A = tpu.sem_alloc : memref<!tpu.dma_semaphore, #tpu.memory_space<semaphore_mem>>
      %dma_start3A_53 = arith.constant 0 : i32
      %dma_start3A_54 = tpu.memref_slice %arg6[%add3A_16, %dma_start3A_53] : memref<10240x128xf32, #tpu.memory_space<vmem_shared>> -> memref<128x128xf32, #tpu.memory_space<vmem_shared>>
      %dma_start3A_55 = arith.constant 0 : i32
      %dma_start3A_56 = tpu.memref_slice %arg6[%add3A_16, %dma_start3A_55] : memref<10240x128xf32, #tpu.memory_space<vmem_shared>> -> memref<128x128xf32, #tpu.memory_space<vmem_shared>>
      tpu.enqueue_dma source(%arg9 : memref<128x128xf32, #tpu.memory_space<vmem>>) target(%dma_start3A_56 : memref<128x128xf32, #tpu.memory_space<vmem_shared>>) target_semaphore(%run_scoped3A : memref<!tpu.dma_semaphore, #tpu.memory_space<semaphore_mem>>)
      %dma_wait3A = arith.constant 0 : i32
      %dma_wait3A_57 = tpu.memref_slice %arg6[%add3A_16, %dma_wait3A] : memref<10240x128xf32, #tpu.memory_space<vmem_shared>> -> memref<128x128xf32, #tpu.memory_space<vmem_shared>>
      %dma_wait3A_58 = arith.constant 0 : i32
      %dma_wait3A_59 = tpu.memref_slice %arg6[%add3A_16, %dma_wait3A_58] : memref<10240x128xf32, #tpu.memory_space<vmem_shared>> -> memref<128x128xf32, #tpu.memory_space<vmem_shared>>
      tpu.wait_dma2 semaphore(%run_scoped3A : memref<!tpu.dma_semaphore, #tpu.memory_space<semaphore_mem>>) src(%arg9 : memref<128x128xf32, #tpu.memory_space<vmem>>) dst(%dma_wait3A_59 : memref<128x128xf32, #tpu.memory_space<vmem_shared>>)
      tpu.yield
    }) : () -> ()
    %mul3A_17 = arith.constant 640 : i32
    %mul3A_18 = arith.muli %arg1, %mul3A_17 : i32
    %add3A_19 = arith.constant 384 : i32
    %add3A_20 = arith.addi %mul3A_18, %add3A_19 : i32
    "tpu.region"() ({
      %run_scoped3A = tpu.sem_alloc : memref<!tpu.dma_semaphore, #tpu.memory_space<semaphore_mem>>
      %dma_start3A_53 = arith.constant 0 : i32
      %dma_start3A_54 = tpu.memref_slice %arg6[%add3A_20, %dma_start3A_53] : memref<10240x128xf32, #tpu.memory_space<vmem_shared>> -> memref<128x128xf32, #tpu.memory_space<vmem_shared>>
      %dma_start3A_55 = arith.constant 0 : i32
      %dma_start3A_56 = tpu.memref_slice %arg6[%add3A_20, %dma_start3A_55] : memref<10240x128xf32, #tpu.memory_space<vmem_shared>> -> memref<128x128xf32, #tpu.memory_space<vmem_shared>>
      tpu.enqueue_dma source(%arg9 : memref<128x128xf32, #tpu.memory_space<vmem>>) target(%dma_start3A_56 : memref<128x128xf32, #tpu.memory_space<vmem_shared>>) target_semaphore(%run_scoped3A : memref<!tpu.dma_semaphore, #tpu.memory_space<semaphore_mem>>)
      %dma_wait3A = arith.constant 0 : i32
      %dma_wait3A_57 = tpu.memref_slice %arg6[%add3A_20, %dma_wait3A] : memref<10240x128xf32, #tpu.memory_space<vmem_shared>> -> memref<128x128xf32, #tpu.memory_space<vmem_shared>>
      %dma_wait3A_58 = arith.constant 0 : i32
      %dma_wait3A_59 = tpu.memref_slice %arg6[%add3A_20, %dma_wait3A_58] : memref<10240x128xf32, #tpu.memory_space<vmem_shared>> -> memref<128x128xf32, #tpu.memory_space<vmem_shared>>
      tpu.wait_dma2 semaphore(%run_scoped3A : memref<!tpu.dma_semaphore, #tpu.memory_space<semaphore_mem>>) src(%arg9 : memref<128x128xf32, #tpu.memory_space<vmem>>) dst(%dma_wait3A_59 : memref<128x128xf32, #tpu.memory_space<vmem_shared>>)
      tpu.yield
    }) : () -> ()
    %mul3A_21 = arith.constant 640 : i32
    %mul3A_22 = arith.muli %arg1, %mul3A_21 : i32
    %add3A_23 = arith.constant 512 : i32
    %add3A_24 = arith.addi %mul3A_22, %add3A_23 : i32
    "tpu.region"() ({
      %run_scoped3A = tpu.sem_alloc : memref<!tpu.dma_semaphore, #tpu.memory_space<semaphore_mem>>
      %dma_start3A_53 = arith.constant 0 : i32
      %dma_start3A_54 = tpu.memref_slice %arg6[%add3A_24, %dma_start3A_53] : memref<10240x128xf32, #tpu.memory_space<vmem_shared>> -> memref<128x128xf32, #tpu.memory_space<vmem_shared>>
      %dma_start3A_55 = arith.constant 0 : i32
      %dma_start3A_56 = tpu.memref_slice %arg6[%add3A_24, %dma_start3A_55] : memref<10240x128xf32, #tpu.memory_space<vmem_shared>> -> memref<128x128xf32, #tpu.memory_space<vmem_shared>>
      tpu.enqueue_dma source(%arg9 : memref<128x128xf32, #tpu.memory_space<vmem>>) target(%dma_start3A_56 : memref<128x128xf32, #tpu.memory_space<vmem_shared>>) target_semaphore(%run_scoped3A : memref<!tpu.dma_semaphore, #tpu.memory_space<semaphore_mem>>)
      %dma_wait3A = arith.constant 0 : i32
      %dma_wait3A_57 = tpu.memref_slice %arg6[%add3A_24, %dma_wait3A] : memref<10240x128xf32, #tpu.memory_space<vmem_shared>> -> memref<128x128xf32, #tpu.memory_space<vmem_shared>>
      %dma_wait3A_58 = arith.constant 0 : i32
      %dma_wait3A_59 = tpu.memref_slice %arg6[%add3A_24, %dma_wait3A_58] : memref<10240x128xf32, #tpu.memory_space<vmem_shared>> -> memref<128x128xf32, #tpu.memory_space<vmem_shared>>
      tpu.wait_dma2 semaphore(%run_scoped3A : memref<!tpu.dma_semaphore, #tpu.memory_space<semaphore_mem>>) src(%arg9 : memref<128x128xf32, #tpu.memory_space<vmem>>) dst(%dma_wait3A_59 : memref<128x128xf32, #tpu.memory_space<vmem_shared>>)
      tpu.yield
    }) : () -> ()
    %barrier3A = arith.constant 0 : index
    tpu.barrier barrier_id(%barrier3A)
    "tpu.region"() ({
      %run_scoped3A = tpu.sem_alloc : memref<!tpu.dma_semaphore, #tpu.memory_space<semaphore_mem>>
      %dma_start3A_53 = arith.constant 0 : i32
      %dma_start3A_54 = arith.constant 0 : i32
      %dma_start3A_55 = tpu.memref_slice %arg3[%add3A, %dma_start3A_53, %dma_start3A_54] : memref<32x80x128xi32, #tpu.memory_space<hbm>> -> memref<1x40x128xi32, #tpu.memory_space<hbm>>
      %dma_start3A_56 = tpu.memref_squeeze %dma_start3A_55 : memref<1x40x128xi32, #tpu.memory_space<hbm>> -> memref<40x128xi32, #tpu.memory_space<hbm>>
      %dma_start3A_57 = arith.constant 0 : i32
      %dma_start3A_58 = arith.constant 0 : i32
      %dma_start3A_59 = tpu.memref_slice %arg3[%add3A, %dma_start3A_57, %dma_start3A_58] : memref<32x80x128xi32, #tpu.memory_space<hbm>> -> memref<1x40x128xi32, #tpu.memory_space<hbm>>
      %dma_start3A_60 = tpu.memref_squeeze %dma_start3A_59 : memref<1x40x128xi32, #tpu.memory_space<hbm>> -> memref<40x128xi32, #tpu.memory_space<hbm>>
      tpu.enqueue_dma source(%dma_start3A_60 : memref<40x128xi32, #tpu.memory_space<hbm>>) target(%arg7 : memref<40x128xi32, #tpu.memory_space<vmem>>) target_semaphore(%run_scoped3A : memref<!tpu.dma_semaphore, #tpu.memory_space<semaphore_mem>>)
      %dma_wait3A = arith.constant 0 : i32
      %dma_wait3A_61 = arith.constant 0 : i32
      %dma_wait3A_62 = tpu.memref_slice %arg3[%add3A, %dma_wait3A, %dma_wait3A_61] : memref<32x80x128xi32, #tpu.memory_space<hbm>> -> memref<1x40x128xi32, #tpu.memory_space<hbm>>
      %dma_wait3A_63 = tpu.memref_squeeze %dma_wait3A_62 : memref<1x40x128xi32, #tpu.memory_space<hbm>> -> memref<40x128xi32, #tpu.memory_space<hbm>>
      %dma_wait3A_64 = arith.constant 0 : i32
      %dma_wait3A_65 = arith.constant 0 : i32
      %dma_wait3A_66 = tpu.memref_slice %arg3[%add3A, %dma_wait3A_64, %dma_wait3A_65] : memref<32x80x128xi32, #tpu.memory_space<hbm>> -> memref<1x40x128xi32, #tpu.memory_space<hbm>>
      %dma_wait3A_67 = tpu.memref_squeeze %dma_wait3A_66 : memref<1x40x128xi32, #tpu.memory_space<hbm>> -> memref<40x128xi32, #tpu.memory_space<hbm>>
      tpu.wait_dma2 semaphore(%run_scoped3A : memref<!tpu.dma_semaphore, #tpu.memory_space<semaphore_mem>>) src(%dma_wait3A_67 : memref<40x128xi32, #tpu.memory_space<hbm>>) dst(%arg7 : memref<40x128xi32, #tpu.memory_space<vmem>>)
      tpu.yield
    }) : () -> ()
    "tpu.region"() ({
      %run_scoped3A = tpu.sem_alloc : memref<!tpu.dma_semaphore, #tpu.memory_space<semaphore_mem>>
      %dma_start3A_53 = arith.constant 0 : i32
      %dma_start3A_54 = arith.constant 0 : i32
      %dma_start3A_55 = tpu.memref_slice %arg4[%add3A, %dma_start3A_53, %dma_start3A_54] : memref<32x80x128xi32, #tpu.memory_space<hbm>> -> memref<1x40x128xi32, #tpu.memory_space<hbm>>
      %dma_start3A_56 = tpu.memref_squeeze %dma_start3A_55 : memref<1x40x128xi32, #tpu.memory_space<hbm>> -> memref<40x128xi32, #tpu.memory_space<hbm>>
      %dma_start3A_57 = arith.constant 0 : i32
      %dma_start3A_58 = arith.constant 0 : i32
      %dma_start3A_59 = tpu.memref_slice %arg4[%add3A, %dma_start3A_57, %dma_start3A_58] : memref<32x80x128xi32, #tpu.memory_space<hbm>> -> memref<1x40x128xi32, #tpu.memory_space<hbm>>
      %dma_start3A_60 = tpu.memref_squeeze %dma_start3A_59 : memref<1x40x128xi32, #tpu.memory_space<hbm>> -> memref<40x128xi32, #tpu.memory_space<hbm>>
      tpu.enqueue_dma source(%dma_start3A_60 : memref<40x128xi32, #tpu.memory_space<hbm>>) target(%arg8 : memref<40x128xi32, #tpu.memory_space<vmem>>) target_semaphore(%run_scoped3A : memref<!tpu.dma_semaphore, #tpu.memory_space<semaphore_mem>>)
      %dma_wait3A = arith.constant 0 : i32
      %dma_wait3A_61 = arith.constant 0 : i32
      %dma_wait3A_62 = tpu.memref_slice %arg4[%add3A, %dma_wait3A, %dma_wait3A_61] : memref<32x80x128xi32, #tpu.memory_space<hbm>> -> memref<1x40x128xi32, #tpu.memory_space<hbm>>
      %dma_wait3A_63 = tpu.memref_squeeze %dma_wait3A_62 : memref<1x40x128xi32, #tpu.memory_space<hbm>> -> memref<40x128xi32, #tpu.memory_space<hbm>>
      %dma_wait3A_64 = arith.constant 0 : i32
      %dma_wait3A_65 = arith.constant 0 : i32
      %dma_wait3A_66 = tpu.memref_slice %arg4[%add3A, %dma_wait3A_64, %dma_wait3A_65] : memref<32x80x128xi32, #tpu.memory_space<hbm>> -> memref<1x40x128xi32, #tpu.memory_space<hbm>>
      %dma_wait3A_67 = tpu.memref_squeeze %dma_wait3A_66 : memref<1x40x128xi32, #tpu.memory_space<hbm>> -> memref<40x128xi32, #tpu.memory_space<hbm>>
      tpu.wait_dma2 semaphore(%run_scoped3A : memref<!tpu.dma_semaphore, #tpu.memory_space<semaphore_mem>>) src(%dma_wait3A_67 : memref<40x128xi32, #tpu.memory_space<hbm>>) dst(%arg8 : memref<40x128xi32, #tpu.memory_space<vmem>>)
      tpu.yield
    }) : () -> ()
    %dma_start3A = arith.constant 0 : i32
    %dma_start3A_25 = arith.constant 0 : i32
    %dma_start3A_26 = tpu.memref_slice %arg7[%dma_start3A, %dma_start3A_25] : memref<40x128xi32, #tpu.memory_space<vmem>> -> memref<1x128xi32, #tpu.memory_space<vmem>>
    %dma_start3A_27 = tpu.memref_squeeze %dma_start3A_26 : memref<1x128xi32, #tpu.memory_space<vmem>> -> memref<128xi32, #tpu.memory_space<vmem>>
    %dma_start3A_28 = arith.constant 0 : i32
    %dma_start3A_29 = arith.constant 0 : i32
    %dma_start3A_30 = tpu.memref_slice %arg2[%dma_start3A_28, %dma_start3A_29] : memref<10240x128xf32, #tpu.memory_space<hbm>> -> memref<10240x128xf32, #tpu.memory_space<hbm>>
    tpu.enqueue_indirect_dma source(%dma_start3A_30 : memref<10240x128xf32, #tpu.memory_space<hbm>>) target(%arg9 : memref<128x128xf32, #tpu.memory_space<vmem>>) offsets(%dma_start3A_27 : memref<128xi32, #tpu.memory_space<vmem>>) semaphore(%arg11 : memref<!tpu.dma_semaphore, #tpu.memory_space<semaphore_mem>>)
    %scan3A_31 = arith.constant 0 : i32
    %scan3A_32 = arith.constant 20 : i32
    %scan3A_33 = arith.addi %scan3A_31, %scan3A_32 : i32
    %scan3A_34 = arith.constant 1 : i32
    scf.for %scan3A_53 = %scan3A_31 to %scan3A_33 step %scan3A_34  : i32 {
      %mul3A_54 = arith.constant 2 : i32
      %mul3A_55 = arith.muli %scan3A_53, %mul3A_54 : i32
      %add3A_56 = arith.constant 0 : i32
      %add3A_57 = arith.addi %add3A_56, %mul3A_55 : i32
      %add3A_58 = arith.constant 1 : i32
      %add3A_59 = arith.addi %add3A_57, %add3A_58 : i32
      %dma_start3A_60 = arith.constant 0 : i32
      %dma_start3A_61 = tpu.memref_slice %arg7[%add3A_59, %dma_start3A_60] : memref<40x128xi32, #tpu.memory_space<vmem>> -> memref<1x128xi32, #tpu.memory_space<vmem>>
      %dma_start3A_62 = tpu.memref_squeeze %dma_start3A_61 : memref<1x128xi32, #tpu.memory_space<vmem>> -> memref<128xi32, #tpu.memory_space<vmem>>
      %dma_start3A_63 = arith.constant 0 : i32
      %dma_start3A_64 = arith.constant 0 : i32
      %dma_start3A_65 = tpu.memref_slice %arg2[%dma_start3A_63, %dma_start3A_64] : memref<10240x128xf32, #tpu.memory_space<hbm>> -> memref<10240x128xf32, #tpu.memory_space<hbm>>
      tpu.enqueue_indirect_dma source(%dma_start3A_65 : memref<10240x128xf32, #tpu.memory_space<hbm>>) target(%arg10 : memref<128x128xf32, #tpu.memory_space<vmem>>) offsets(%dma_start3A_62 : memref<128xi32, #tpu.memory_space<vmem>>) semaphore(%arg12 : memref<!tpu.dma_semaphore, #tpu.memory_space<semaphore_mem>>)
      %dma_wait3A = arith.constant 0 : i32
      %dma_wait3A_66 = tpu.memref_slice %arg7[%add3A_57, %dma_wait3A] : memref<40x128xi32, #tpu.memory_space<vmem>> -> memref<1x128xi32, #tpu.memory_space<vmem>>
      %dma_wait3A_67 = tpu.memref_squeeze %dma_wait3A_66 : memref<1x128xi32, #tpu.memory_space<vmem>> -> memref<128xi32, #tpu.memory_space<vmem>>
      %dma_wait3A_68 = arith.constant 0 : i32
      %dma_wait3A_69 = arith.constant 0 : i32
      %dma_wait3A_70 = tpu.memref_slice %arg2[%dma_wait3A_68, %dma_wait3A_69] : memref<10240x128xf32, #tpu.memory_space<hbm>> -> memref<10240x128xf32, #tpu.memory_space<hbm>>
      tpu.wait_indirect_dma semaphore(%arg11 : memref<!tpu.dma_semaphore, #tpu.memory_space<semaphore_mem>>) src(%dma_wait3A_70 : memref<10240x128xf32, #tpu.memory_space<hbm>>) dst(%arg9 : memref<128x128xf32, #tpu.memory_space<vmem>>)
      "tpu.region"() ({
        %run_scoped3A = tpu.sem_alloc : memref<!tpu.dma_semaphore, #tpu.memory_space<semaphore_mem>>
        %dma_start3A_85 = arith.constant 0 : i32
        %dma_start3A_86 = tpu.memref_slice %arg8[%add3A_57, %dma_start3A_85] : memref<40x128xi32, #tpu.memory_space<vmem>> -> memref<1x128xi32, #tpu.memory_space<vmem>>
        %dma_start3A_87 = tpu.memref_squeeze %dma_start3A_86 : memref<1x128xi32, #tpu.memory_space<vmem>> -> memref<128xi32, #tpu.memory_space<vmem>>
        %dma_start3A_88 = arith.constant 0 : i32
        %dma_start3A_89 = arith.constant 0 : i32
        %dma_start3A_90 = tpu.memref_slice %arg6[%dma_start3A_88, %dma_start3A_89] : memref<10240x128xf32, #tpu.memory_space<vmem_shared>> -> memref<10240x128xf32, #tpu.memory_space<vmem_shared>>
        tpu.enqueue_indirect_dma source(%arg9 : memref<128x128xf32, #tpu.memory_space<vmem>>) target(%dma_start3A_90 : memref<10240x128xf32, #tpu.memory_space<vmem_shared>>) offsets(%dma_start3A_87 : memref<128xi32, #tpu.memory_space<vmem>>) semaphore(%run_scoped3A : memref<!tpu.dma_semaphore, #tpu.memory_space<semaphore_mem>>) {add = true}
        %dma_wait3A_91 = arith.constant 0 : i32
        %dma_wait3A_92 = tpu.memref_slice %arg8[%add3A_57, %dma_wait3A_91] : memref<40x128xi32, #tpu.memory_space<vmem>> -> memref<1x128xi32, #tpu.memory_space<vmem>>
        %dma_wait3A_93 = tpu.memref_squeeze %dma_wait3A_92 : memref<1x128xi32, #tpu.memory_space<vmem>> -> memref<128xi32, #tpu.memory_space<vmem>>
        %dma_wait3A_94 = arith.constant 0 : i32
        %dma_wait3A_95 = arith.constant 0 : i32
        %dma_wait3A_96 = tpu.memref_slice %arg6[%dma_wait3A_94, %dma_wait3A_95] : memref<10240x128xf32, #tpu.memory_space<vmem_shared>> -> memref<10240x128xf32, #tpu.memory_space<vmem_shared>>
        tpu.wait_indirect_dma semaphore(%run_scoped3A : memref<!tpu.dma_semaphore, #tpu.memory_space<semaphore_mem>>) src(%arg9 : memref<128x128xf32, #tpu.memory_space<vmem>>) dst(%dma_wait3A_96 : memref<10240x128xf32, #tpu.memory_space<vmem_shared>>)
        tpu.yield
      }) : () -> ()
      %add3A_71 = arith.constant 2 : i32
      %add3A_72 = arith.addi %add3A_57, %add3A_71 : i32
      %lt3A = arith.constant 40 : i32
      %lt3A_73 = arith.cmpi slt, %add3A_72, %lt3A : i32
      %convert_element_type3A = arith.extui %lt3A_73 : i1 to i32
      %cond3A = arith.constant 0 : i32
      %cond3A_74 = arith.cmpi ne, %convert_element_type3A, %cond3A : i32
      scf.if %cond3A_74 {
        %add3A_85 = arith.constant 2 : i32
        %add3A_86 = arith.addi %add3A_57, %add3A_85 : i32
        %dma_start3A_87 = arith.constant 0 : i32
        %dma_start3A_88 = tpu.memref_slice %arg7[%add3A_86, %dma_start3A_87] : memref<40x128xi32, #tpu.memory_space<vmem>> -> memref<1x128xi32, #tpu.memory_space<vmem>>
        %dma_start3A_89 = tpu.memref_squeeze %dma_start3A_88 : memref<1x128xi32, #tpu.memory_space<vmem>> -> memref<128xi32, #tpu.memory_space<vmem>>
        %dma_start3A_90 = arith.constant 0 : i32
        %dma_start3A_91 = arith.constant 0 : i32
        %dma_start3A_92 = tpu.memref_slice %arg2[%dma_start3A_90, %dma_start3A_91] : memref<10240x128xf32, #tpu.memory_space<hbm>> -> memref<10240x128xf32, #tpu.memory_space<hbm>>
        tpu.enqueue_indirect_dma source(%dma_start3A_92 : memref<10240x128xf32, #tpu.memory_space<hbm>>) target(%arg9 : memref<128x128xf32, #tpu.memory_space<vmem>>) offsets(%dma_start3A_89 : memref<128xi32, #tpu.memory_space<vmem>>) semaphore(%arg11 : memref<!tpu.dma_semaphore, #tpu.memory_space<semaphore_mem>>)
      } else {
      }
      %add3A_75 = arith.constant 1 : i32
      %add3A_76 = arith.addi %add3A_57, %add3A_75 : i32
      %dma_wait3A_77 = arith.constant 0 : i32
      %dma_wait3A_78 = tpu.memref_slice %arg7[%add3A_76, %dma_wait3A_77] : memref<40x128xi32, #tpu.memory_space<vmem>> -> memref<1x128xi32, #tpu.memory_space<vmem>>
      %dma_wait3A_79 = tpu.memref_squeeze %dma_wait3A_78 : memref<1x128xi32, #tpu.memory_space<vmem>> -> memref<128xi32, #tpu.memory_space<vmem>>
      %dma_wait3A_80 = arith.constant 0 : i32
      %dma_wait3A_81 = arith.constant 0 : i32
      %dma_wait3A_82 = tpu.memref_slice %arg2[%dma_wait3A_80, %dma_wait3A_81] : memref<10240x128xf32, #tpu.memory_space<hbm>> -> memref<10240x128xf32, #tpu.memory_space<hbm>>
      tpu.wait_indirect_dma semaphore(%arg12 : memref<!tpu.dma_semaphore, #tpu.memory_space<semaphore_mem>>) src(%dma_wait3A_82 : memref<10240x128xf32, #tpu.memory_space<hbm>>) dst(%arg10 : memref<128x128xf32, #tpu.memory_space<vmem>>)
      %add3A_83 = arith.constant 1 : i32
      %add3A_84 = arith.addi %add3A_57, %add3A_83 : i32
      "tpu.region"() ({
        %run_scoped3A = tpu.sem_alloc : memref<!tpu.dma_semaphore, #tpu.memory_space<semaphore_mem>>
        %dma_start3A_85 = arith.constant 0 : i32
        %dma_start3A_86 = tpu.memref_slice %arg8[%add3A_84, %dma_start3A_85] : memref<40x128xi32, #tpu.memory_space<vmem>> -> memref<1x128xi32, #tpu.memory_space<vmem>>
        %dma_start3A_87 = tpu.memref_squeeze %dma_start3A_86 : memref<1x128xi32, #tpu.memory_space<vmem>> -> memref<128xi32, #tpu.memory_space<vmem>>
        %dma_start3A_88 = arith.constant 0 : i32
        %dma_start3A_89 = arith.constant 0 : i32
        %dma_start3A_90 = tpu.memref_slice %arg6[%dma_start3A_88, %dma_start3A_89] : memref<10240x128xf32, #tpu.memory_space<vmem_shared>> -> memref<10240x128xf32, #tpu.memory_space<vmem_shared>>
        tpu.enqueue_indirect_dma source(%arg10 : memref<128x128xf32, #tpu.memory_space<vmem>>) target(%dma_start3A_90 : memref<10240x128xf32, #tpu.memory_space<vmem_shared>>) offsets(%dma_start3A_87 : memref<128xi32, #tpu.memory_space<vmem>>) semaphore(%run_scoped3A : memref<!tpu.dma_semaphore, #tpu.memory_space<semaphore_mem>>) {add = true}
        %dma_wait3A_91 = arith.constant 0 : i32
        %dma_wait3A_92 = tpu.memref_slice %arg8[%add3A_84, %dma_wait3A_91] : memref<40x128xi32, #tpu.memory_space<vmem>> -> memref<1x128xi32, #tpu.memory_space<vmem>>
        %dma_wait3A_93 = tpu.memref_squeeze %dma_wait3A_92 : memref<1x128xi32, #tpu.memory_space<vmem>> -> memref<128xi32, #tpu.memory_space<vmem>>
        %dma_wait3A_94 = arith.constant 0 : i32
        %dma_wait3A_95 = arith.constant 0 : i32
        %dma_wait3A_96 = tpu.memref_slice %arg6[%dma_wait3A_94, %dma_wait3A_95] : memref<10240x128xf32, #tpu.memory_space<vmem_shared>> -> memref<10240x128xf32, #tpu.memory_space<vmem_shared>>
        tpu.wait_indirect_dma semaphore(%run_scoped3A : memref<!tpu.dma_semaphore, #tpu.memory_space<semaphore_mem>>) src(%arg10 : memref<128x128xf32, #tpu.memory_space<vmem>>) dst(%dma_wait3A_96 : memref<10240x128xf32, #tpu.memory_space<vmem_shared>>)
        tpu.yield
      }) : () -> ()
    }
    %scan3A_35 = arith.constant 20 : i32
    "tpu.region"() ({
      %run_scoped3A = tpu.sem_alloc : memref<!tpu.dma_semaphore, #tpu.memory_space<semaphore_mem>>
      %dma_start3A_53 = arith.constant 40 : i32
      %dma_start3A_54 = arith.constant 0 : i32
      %dma_start3A_55 = tpu.memref_slice %arg3[%add3A, %dma_start3A_53, %dma_start3A_54] : memref<32x80x128xi32, #tpu.memory_space<hbm>> -> memref<1x40x128xi32, #tpu.memory_space<hbm>>
      %dma_start3A_56 = tpu.memref_squeeze %dma_start3A_55 : memref<1x40x128xi32, #tpu.memory_space<hbm>> -> memref<40x128xi32, #tpu.memory_space<hbm>>
      %dma_start3A_57 = arith.constant 40 : i32
      %dma_start3A_58 = arith.constant 0 : i32
      %dma_start3A_59 = tpu.memref_slice %arg3[%add3A, %dma_start3A_57, %dma_start3A_58] : memref<32x80x128xi32, #tpu.memory_space<hbm>> -> memref<1x40x128xi32, #tpu.memory_space<hbm>>
      %dma_start3A_60 = tpu.memref_squeeze %dma_start3A_59 : memref<1x40x128xi32, #tpu.memory_space<hbm>> -> memref<40x128xi32, #tpu.memory_space<hbm>>
      tpu.enqueue_dma source(%dma_start3A_60 : memref<40x128xi32, #tpu.memory_space<hbm>>) target(%arg7 : memref<40x128xi32, #tpu.memory_space<vmem>>) target_semaphore(%run_scoped3A : memref<!tpu.dma_semaphore, #tpu.memory_space<semaphore_mem>>)
      %dma_wait3A = arith.constant 40 : i32
      %dma_wait3A_61 = arith.constant 0 : i32
      %dma_wait3A_62 = tpu.memref_slice %arg3[%add3A, %dma_wait3A, %dma_wait3A_61] : memref<32x80x128xi32, #tpu.memory_space<hbm>> -> memref<1x40x128xi32, #tpu.memory_space<hbm>>
      %dma_wait3A_63 = tpu.memref_squeeze %dma_wait3A_62 : memref<1x40x128xi32, #tpu.memory_space<hbm>> -> memref<40x128xi32, #tpu.memory_space<hbm>>
      %dma_wait3A_64 = arith.constant 40 : i32
      %dma_wait3A_65 = arith.constant 0 : i32
      %dma_wait3A_66 = tpu.memref_slice %arg3[%add3A, %dma_wait3A_64, %dma_wait3A_65] : memref<32x80x128xi32, #tpu.memory_space<hbm>> -> memref<1x40x128xi32, #tpu.memory_space<hbm>>
      %dma_wait3A_67 = tpu.memref_squeeze %dma_wait3A_66 : memref<1x40x128xi32, #tpu.memory_space<hbm>> -> memref<40x128xi32, #tpu.memory_space<hbm>>
      tpu.wait_dma2 semaphore(%run_scoped3A : memref<!tpu.dma_semaphore, #tpu.memory_space<semaphore_mem>>) src(%dma_wait3A_67 : memref<40x128xi32, #tpu.memory_space<hbm>>) dst(%arg7 : memref<40x128xi32, #tpu.memory_space<vmem>>)
      tpu.yield
    }) : () -> ()
    "tpu.region"() ({
      %run_scoped3A = tpu.sem_alloc : memref<!tpu.dma_semaphore, #tpu.memory_space<semaphore_mem>>
      %dma_start3A_53 = arith.constant 40 : i32
      %dma_start3A_54 = arith.constant 0 : i32
      %dma_start3A_55 = tpu.memref_slice %arg4[%add3A, %dma_start3A_53, %dma_start3A_54] : memref<32x80x128xi32, #tpu.memory_space<hbm>> -> memref<1x40x128xi32, #tpu.memory_space<hbm>>
      %dma_start3A_56 = tpu.memref_squeeze %dma_start3A_55 : memref<1x40x128xi32, #tpu.memory_space<hbm>> -> memref<40x128xi32, #tpu.memory_space<hbm>>
      %dma_start3A_57 = arith.constant 40 : i32
      %dma_start3A_58 = arith.constant 0 : i32
      %dma_start3A_59 = tpu.memref_slice %arg4[%add3A, %dma_start3A_57, %dma_start3A_58] : memref<32x80x128xi32, #tpu.memory_space<hbm>> -> memref<1x40x128xi32, #tpu.memory_space<hbm>>
      %dma_start3A_60 = tpu.memref_squeeze %dma_start3A_59 : memref<1x40x128xi32, #tpu.memory_space<hbm>> -> memref<40x128xi32, #tpu.memory_space<hbm>>
      tpu.enqueue_dma source(%dma_start3A_60 : memref<40x128xi32, #tpu.memory_space<hbm>>) target(%arg8 : memref<40x128xi32, #tpu.memory_space<vmem>>) target_semaphore(%run_scoped3A : memref<!tpu.dma_semaphore, #tpu.memory_space<semaphore_mem>>)
      %dma_wait3A = arith.constant 40 : i32
      %dma_wait3A_61 = arith.constant 0 : i32
      %dma_wait3A_62 = tpu.memref_slice %arg4[%add3A, %dma_wait3A, %dma_wait3A_61] : memref<32x80x128xi32, #tpu.memory_space<hbm>> -> memref<1x40x128xi32, #tpu.memory_space<hbm>>
      %dma_wait3A_63 = tpu.memref_squeeze %dma_wait3A_62 : memref<1x40x128xi32, #tpu.memory_space<hbm>> -> memref<40x128xi32, #tpu.memory_space<hbm>>
      %dma_wait3A_64 = arith.constant 40 : i32
      %dma_wait3A_65 = arith.constant 0 : i32
      %dma_wait3A_66 = tpu.memref_slice %arg4[%add3A, %dma_wait3A_64, %dma_wait3A_65] : memref<32x80x128xi32, #tpu.memory_space<hbm>> -> memref<1x40x128xi32, #tpu.memory_space<hbm>>
      %dma_wait3A_67 = tpu.memref_squeeze %dma_wait3A_66 : memref<1x40x128xi32, #tpu.memory_space<hbm>> -> memref<40x128xi32, #tpu.memory_space<hbm>>
      tpu.wait_dma2 semaphore(%run_scoped3A : memref<!tpu.dma_semaphore, #tpu.memory_space<semaphore_mem>>) src(%dma_wait3A_67 : memref<40x128xi32, #tpu.memory_space<hbm>>) dst(%arg8 : memref<40x128xi32, #tpu.memory_space<vmem>>)
      tpu.yield
    }) : () -> ()
    %dma_start3A_36 = arith.constant 0 : i32
    %dma_start3A_37 = arith.constant 0 : i32
    %dma_start3A_38 = tpu.memref_slice %arg7[%dma_start3A_36, %dma_start3A_37] : memref<40x128xi32, #tpu.memory_space<vmem>> -> memref<1x128xi32, #tpu.memory_space<vmem>>
    %dma_start3A_39 = tpu.memref_squeeze %dma_start3A_38 : memref<1x128xi32, #tpu.memory_space<vmem>> -> memref<128xi32, #tpu.memory_space<vmem>>
    %dma_start3A_40 = arith.constant 0 : i32
    %dma_start3A_41 = arith.constant 0 : i32
    %dma_start3A_42 = tpu.memref_slice %arg2[%dma_start3A_40, %dma_start3A_41] : memref<10240x128xf32, #tpu.memory_space<hbm>> -> memref<10240x128xf32, #tpu.memory_space<hbm>>
    tpu.enqueue_indirect_dma source(%dma_start3A_42 : memref<10240x128xf32, #tpu.memory_space<hbm>>) target(%arg9 : memref<128x128xf32, #tpu.memory_space<vmem>>) offsets(%dma_start3A_39 : memref<128xi32, #tpu.memory_space<vmem>>) semaphore(%arg11 : memref<!tpu.dma_semaphore, #tpu.memory_space<semaphore_mem>>)
    %scan3A_43 = arith.constant 0 : i32
    %scan3A_44 = arith.constant 20 : i32
    %scan3A_45 = arith.addi %scan3A_43, %scan3A_44 : i32
    %scan3A_46 = arith.constant 1 : i32
    scf.for %scan3A_53 = %scan3A_43 to %scan3A_45 step %scan3A_46  : i32 {
      %mul3A_54 = arith.constant 2 : i32
      %mul3A_55 = arith.muli %scan3A_53, %mul3A_54 : i32
      %add3A_56 = arith.constant 0 : i32
      %add3A_57 = arith.addi %add3A_56, %mul3A_55 : i32
      %add3A_58 = arith.constant 1 : i32
      %add3A_59 = arith.addi %add3A_57, %add3A_58 : i32
      %dma_start3A_60 = arith.constant 0 : i32
      %dma_start3A_61 = tpu.memref_slice %arg7[%add3A_59, %dma_start3A_60] : memref<40x128xi32, #tpu.memory_space<vmem>> -> memref<1x128xi32, #tpu.memory_space<vmem>>
      %dma_start3A_62 = tpu.memref_squeeze %dma_start3A_61 : memref<1x128xi32, #tpu.memory_space<vmem>> -> memref<128xi32, #tpu.memory_space<vmem>>
      %dma_start3A_63 = arith.constant 0 : i32
      %dma_start3A_64 = arith.constant 0 : i32
      %dma_start3A_65 = tpu.memref_slice %arg2[%dma_start3A_63, %dma_start3A_64] : memref<10240x128xf32, #tpu.memory_space<hbm>> -> memref<10240x128xf32, #tpu.memory_space<hbm>>
      tpu.enqueue_indirect_dma source(%dma_start3A_65 : memref<10240x128xf32, #tpu.memory_space<hbm>>) target(%arg10 : memref<128x128xf32, #tpu.memory_space<vmem>>) offsets(%dma_start3A_62 : memref<128xi32, #tpu.memory_space<vmem>>) semaphore(%arg12 : memref<!tpu.dma_semaphore, #tpu.memory_space<semaphore_mem>>)
      %dma_wait3A = arith.constant 0 : i32
      %dma_wait3A_66 = tpu.memref_slice %arg7[%add3A_57, %dma_wait3A] : memref<40x128xi32, #tpu.memory_space<vmem>> -> memref<1x128xi32, #tpu.memory_space<vmem>>
      %dma_wait3A_67 = tpu.memref_squeeze %dma_wait3A_66 : memref<1x128xi32, #tpu.memory_space<vmem>> -> memref<128xi32, #tpu.memory_space<vmem>>
      %dma_wait3A_68 = arith.constant 0 : i32
      %dma_wait3A_69 = arith.constant 0 : i32
      %dma_wait3A_70 = tpu.memref_slice %arg2[%dma_wait3A_68, %dma_wait3A_69] : memref<10240x128xf32, #tpu.memory_space<hbm>> -> memref<10240x128xf32, #tpu.memory_space<hbm>>
      tpu.wait_indirect_dma semaphore(%arg11 : memref<!tpu.dma_semaphore, #tpu.memory_space<semaphore_mem>>) src(%dma_wait3A_70 : memref<10240x128xf32, #tpu.memory_space<hbm>>) dst(%arg9 : memref<128x128xf32, #tpu.memory_space<vmem>>)
      "tpu.region"() ({
        %run_scoped3A = tpu.sem_alloc : memref<!tpu.dma_semaphore, #tpu.memory_space<semaphore_mem>>
        %dma_start3A_85 = arith.constant 0 : i32
        %dma_start3A_86 = tpu.memref_slice %arg8[%add3A_57, %dma_start3A_85] : memref<40x128xi32, #tpu.memory_space<vmem>> -> memref<1x128xi32, #tpu.memory_space<vmem>>
        %dma_start3A_87 = tpu.memref_squeeze %dma_start3A_86 : memref<1x128xi32, #tpu.memory_space<vmem>> -> memref<128xi32, #tpu.memory_space<vmem>>
        %dma_start3A_88 = arith.constant 0 : i32
        %dma_start3A_89 = arith.constant 0 : i32
        %dma_start3A_90 = tpu.memref_slice %arg6[%dma_start3A_88, %dma_start3A_89] : memref<10240x128xf32, #tpu.memory_space<vmem_shared>> -> memref<10240x128xf32, #tpu.memory_space<vmem_shared>>
        tpu.enqueue_indirect_dma source(%arg9 : memref<128x128xf32, #tpu.memory_space<vmem>>) target(%dma_start3A_90 : memref<10240x128xf32, #tpu.memory_space<vmem_shared>>) offsets(%dma_start3A_87 : memref<128xi32, #tpu.memory_space<vmem>>) semaphore(%run_scoped3A : memref<!tpu.dma_semaphore, #tpu.memory_space<semaphore_mem>>) {add = true}
        %dma_wait3A_91 = arith.constant 0 : i32
        %dma_wait3A_92 = tpu.memref_slice %arg8[%add3A_57, %dma_wait3A_91] : memref<40x128xi32, #tpu.memory_space<vmem>> -> memref<1x128xi32, #tpu.memory_space<vmem>>
        %dma_wait3A_93 = tpu.memref_squeeze %dma_wait3A_92 : memref<1x128xi32, #tpu.memory_space<vmem>> -> memref<128xi32, #tpu.memory_space<vmem>>
        %dma_wait3A_94 = arith.constant 0 : i32
        %dma_wait3A_95 = arith.constant 0 : i32
        %dma_wait3A_96 = tpu.memref_slice %arg6[%dma_wait3A_94, %dma_wait3A_95] : memref<10240x128xf32, #tpu.memory_space<vmem_shared>> -> memref<10240x128xf32, #tpu.memory_space<vmem_shared>>
        tpu.wait_indirect_dma semaphore(%run_scoped3A : memref<!tpu.dma_semaphore, #tpu.memory_space<semaphore_mem>>) src(%arg9 : memref<128x128xf32, #tpu.memory_space<vmem>>) dst(%dma_wait3A_96 : memref<10240x128xf32, #tpu.memory_space<vmem_shared>>)
        tpu.yield
      }) : () -> ()
      %add3A_71 = arith.constant 2 : i32
      %add3A_72 = arith.addi %add3A_57, %add3A_71 : i32
      %lt3A = arith.constant 40 : i32
      %lt3A_73 = arith.cmpi slt, %add3A_72, %lt3A : i32
      %convert_element_type3A = arith.extui %lt3A_73 : i1 to i32
      %cond3A = arith.constant 0 : i32
      %cond3A_74 = arith.cmpi ne, %convert_element_type3A, %cond3A : i32
      scf.if %cond3A_74 {
        %add3A_85 = arith.constant 2 : i32
        %add3A_86 = arith.addi %add3A_57, %add3A_85 : i32
        %dma_start3A_87 = arith.constant 0 : i32
        %dma_start3A_88 = tpu.memref_slice %arg7[%add3A_86, %dma_start3A_87] : memref<40x128xi32, #tpu.memory_space<vmem>> -> memref<1x128xi32, #tpu.memory_space<vmem>>
        %dma_start3A_89 = tpu.memref_squeeze %dma_start3A_88 : memref<1x128xi32, #tpu.memory_space<vmem>> -> memref<128xi32, #tpu.memory_space<vmem>>
        %dma_start3A_90 = arith.constant 0 : i32
        %dma_start3A_91 = arith.constant 0 : i32
        %dma_start3A_92 = tpu.memref_slice %arg2[%dma_start3A_90, %dma_start3A_91] : memref<10240x128xf32, #tpu.memory_space<hbm>> -> memref<10240x128xf32, #tpu.memory_space<hbm>>
        tpu.enqueue_indirect_dma source(%dma_start3A_92 : memref<10240x128xf32, #tpu.memory_space<hbm>>) target(%arg9 : memref<128x128xf32, #tpu.memory_space<vmem>>) offsets(%dma_start3A_89 : memref<128xi32, #tpu.memory_space<vmem>>) semaphore(%arg11 : memref<!tpu.dma_semaphore, #tpu.memory_space<semaphore_mem>>)
      } else {
      }
      %add3A_75 = arith.constant 1 : i32
      %add3A_76 = arith.addi %add3A_57, %add3A_75 : i32
      %dma_wait3A_77 = arith.constant 0 : i32
      %dma_wait3A_78 = tpu.memref_slice %arg7[%add3A_76, %dma_wait3A_77] : memref<40x128xi32, #tpu.memory_space<vmem>> -> memref<1x128xi32, #tpu.memory_space<vmem>>
      %dma_wait3A_79 = tpu.memref_squeeze %dma_wait3A_78 : memref<1x128xi32, #tpu.memory_space<vmem>> -> memref<128xi32, #tpu.memory_space<vmem>>
      %dma_wait3A_80 = arith.constant 0 : i32
      %dma_wait3A_81 = arith.constant 0 : i32
      %dma_wait3A_82 = tpu.memref_slice %arg2[%dma_wait3A_80, %dma_wait3A_81] : memref<10240x128xf32, #tpu.memory_space<hbm>> -> memref<10240x128xf32, #tpu.memory_space<hbm>>
      tpu.wait_indirect_dma semaphore(%arg12 : memref<!tpu.dma_semaphore, #tpu.memory_space<semaphore_mem>>) src(%dma_wait3A_82 : memref<10240x128xf32, #tpu.memory_space<hbm>>) dst(%arg10 : memref<128x128xf32, #tpu.memory_space<vmem>>)
      %add3A_83 = arith.constant 1 : i32
      %add3A_84 = arith.addi %add3A_57, %add3A_83 : i32
      "tpu.region"() ({
        %run_scoped3A = tpu.sem_alloc : memref<!tpu.dma_semaphore, #tpu.memory_space<semaphore_mem>>
        %dma_start3A_85 = arith.constant 0 : i32
        %dma_start3A_86 = tpu.memref_slice %arg8[%add3A_84, %dma_start3A_85] : memref<40x128xi32, #tpu.memory_space<vmem>> -> memref<1x128xi32, #tpu.memory_space<vmem>>
        %dma_start3A_87 = tpu.memref_squeeze %dma_start3A_86 : memref<1x128xi32, #tpu.memory_space<vmem>> -> memref<128xi32, #tpu.memory_space<vmem>>
        %dma_start3A_88 = arith.constant 0 : i32
        %dma_start3A_89 = arith.constant 0 : i32
        %dma_start3A_90 = tpu.memref_slice %arg6[%dma_start3A_88, %dma_start3A_89] : memref<10240x128xf32, #tpu.memory_space<vmem_shared>> -> memref<10240x128xf32, #tpu.memory_space<vmem_shared>>
        tpu.enqueue_indirect_dma source(%arg10 : memref<128x128xf32, #tpu.memory_space<vmem>>) target(%dma_start3A_90 : memref<10240x128xf32, #tpu.memory_space<vmem_shared>>) offsets(%dma_start3A_87 : memref<128xi32, #tpu.memory_space<vmem>>) semaphore(%run_scoped3A : memref<!tpu.dma_semaphore, #tpu.memory_space<semaphore_mem>>) {add = true}
        %dma_wait3A_91 = arith.constant 0 : i32
        %dma_wait3A_92 = tpu.memref_slice %arg8[%add3A_84, %dma_wait3A_91] : memref<40x128xi32, #tpu.memory_space<vmem>> -> memref<1x128xi32, #tpu.memory_space<vmem>>
        %dma_wait3A_93 = tpu.memref_squeeze %dma_wait3A_92 : memref<1x128xi32, #tpu.memory_space<vmem>> -> memref<128xi32, #tpu.memory_space<vmem>>
        %dma_wait3A_94 = arith.constant 0 : i32
        %dma_wait3A_95 = arith.constant 0 : i32
        %dma_wait3A_96 = tpu.memref_slice %arg6[%dma_wait3A_94, %dma_wait3A_95] : memref<10240x128xf32, #tpu.memory_space<vmem_shared>> -> memref<10240x128xf32, #tpu.memory_space<vmem_shared>>
        tpu.wait_indirect_dma semaphore(%run_scoped3A : memref<!tpu.dma_semaphore, #tpu.memory_space<semaphore_mem>>) src(%arg10 : memref<128x128xf32, #tpu.memory_space<vmem>>) dst(%dma_wait3A_96 : memref<10240x128xf32, #tpu.memory_space<vmem_shared>>)
        tpu.yield
      }) : () -> ()
    }
    %scan3A_47 = arith.constant 20 : i32
    %barrier3A_48 = arith.constant 0 : index
    tpu.barrier barrier_id(%barrier3A_48)
    %mul3A_49 = arith.constant 640 : i32
    %mul3A_50 = arith.muli %arg1, %mul3A_49 : i32
    %mul3A_51 = arith.constant 640 : i32
    %mul3A_52 = arith.muli %arg1, %mul3A_51 : i32
    "tpu.region"() ({
      %run_scoped3A = tpu.sem_alloc : memref<!tpu.dma_semaphore, #tpu.memory_space<semaphore_mem>>
      %dma_start3A_53 = arith.constant 0 : i32
      %dma_start3A_54 = tpu.memref_slice %arg5[%arg0, %mul3A_52, %dma_start3A_53] : memref<2x10240x128xf32, #tpu.memory_space<hbm>> -> memref<1x640x128xf32, #tpu.memory_space<hbm>>
      %dma_start3A_55 = tpu.memref_squeeze %dma_start3A_54 : memref<1x640x128xf32, #tpu.memory_space<hbm>> -> memref<640x128xf32, #tpu.memory_space<hbm>>
      %dma_start3A_56 = arith.constant 0 : i32
      %dma_start3A_57 = tpu.memref_slice %arg6[%mul3A_50, %dma_start3A_56] : memref<10240x128xf32, #tpu.memory_space<vmem_shared>> -> memref<640x128xf32, #tpu.memory_space<vmem_shared>>
      tpu.enqueue_dma source(%dma_start3A_57 : memref<640x128xf32, #tpu.memory_space<vmem_shared>>) target(%dma_start3A_55 : memref<640x128xf32, #tpu.memory_space<hbm>>) target_semaphore(%run_scoped3A : memref<!tpu.dma_semaphore, #tpu.memory_space<semaphore_mem>>)
      %dma_wait3A = arith.constant 0 : i32
      %dma_wait3A_58 = tpu.memref_slice %arg5[%arg0, %mul3A_52, %dma_wait3A] : memref<2x10240x128xf32, #tpu.memory_space<hbm>> -> memref<1x640x128xf32, #tpu.memory_space<hbm>>
      %dma_wait3A_59 = tpu.memref_squeeze %dma_wait3A_58 : memref<1x640x128xf32, #tpu.memory_space<hbm>> -> memref<640x128xf32, #tpu.memory_space<hbm>>
      %dma_wait3A_60 = arith.constant 0 : i32
      %dma_wait3A_61 = tpu.memref_slice %arg6[%mul3A_50, %dma_wait3A_60] : memref<10240x128xf32, #tpu.memory_space<vmem_shared>> -> memref<640x128xf32, #tpu.memory_space<vmem_shared>>
      tpu.wait_dma2 semaphore(%run_scoped3A : memref<!tpu.dma_semaphore, #tpu.memory_space<semaphore_mem>>) src(%dma_wait3A_61 : memref<640x128xf32, #tpu.memory_space<vmem_shared>>) dst(%dma_wait3A_59 : memref<640x128xf32, #tpu.memory_space<hbm>>)
      tpu.yield
    }) : () -> ()
    return
  }
}

module attributes {stable_mosaic.version = 14 : i64} {
  func.func @body(%arg0: i32, %arg1: memref<2048x128xf32, #tpu.memory_space<vmem>>, %arg2: memref<128x128xf32, #tpu.memory_space<vmem>>, %arg3: memref<2x2048xf32, #tpu.memory_space<vmem>>, %arg4: memref<2048x128xf32, #tpu.memory_space<vmem>>) attributes {dimension_semantics = [#tpu.dimension_semantics<arbitrary>], iteration_bounds = array<i64: 5>, scalar_prefetch = 0 : i64, scratch_operands = 0 : i64, tpu.core_type = #tpu.core_type<tc>, window_params = [{transform_indices = @transform_0, window_bounds = array<i64: 2048, 128>}, {pipeline_mode = #tpu.pipeline_mode<synchronous>, transform_indices = @transform_1, window_bounds = array<i64: 128, 128>}, {transform_indices = @transform_2, window_bounds = array<i64: 2, 2048>}, {transform_indices = @transform_3, window_bounds = array<i64: 2048, 128>}]} {
    %get3A = arith.constant 0 : index
    %get3A_0 = arith.constant 0 : index
    %get3A_1 = vector.load %arg1[%get3A, %get3A_0] : memref<2048x128xf32, #tpu.memory_space<vmem>>, vector<2048x128xf32>
    %get3A_2 = arith.constant 0 : index
    %get3A_3 = arith.constant 0 : index
    %get3A_4 = vector.load %arg2[%get3A_2, %get3A_3] : memref<128x128xf32, #tpu.memory_space<vmem>>, vector<128x128xf32>
    %dot_general3A = arith.constant dense<0.000000e+00> : vector<2048x128xf32>
    %dot_general3A_5 = tpu.matmul %get3A_1, %get3A_4, %dot_general3A {dimension_numbers = #tpu.dot_dimension_numbers<[1], [0], [0], [1], [0, 0, 1, 1], [], []>, transpose_lhs_hint = false} : vector<2048x128xf32>, vector<128x128xf32>, vector<2048x128xf32> -> vector<2048x128xf32>
    %get3A_6 = arith.constant 0 : index
    %get3A_7 = arith.constant 0 : index
    %get3A_8 = vector.load %arg3[%get3A_6, %get3A_7] : memref<2x2048xf32, #tpu.memory_space<vmem>>, vector<1x2048xf32>
    %get3A_9 = vector.shape_cast %get3A_8 : vector<1x2048xf32> to vector<2048xf32>
    %get3A_10 = arith.constant 1 : index
    %get3A_11 = arith.constant 0 : index
    %get3A_12 = vector.load %arg3[%get3A_10, %get3A_11] : memref<2x2048xf32, #tpu.memory_space<vmem>>, vector<1x2048xf32>
    %get3A_13 = vector.shape_cast %get3A_12 : vector<1x2048xf32> to vector<2048xf32>
    %add3A = arith.addf %get3A_9, %get3A_13 : vector<2048xf32>
    %max3A = arith.constant 1.000000e+00 : f32
    %max3A_14 = vector.broadcast %max3A : f32 to vector<2048xf32>
    %max3A_15 = arith.maximumf %add3A, %max3A_14 : vector<2048xf32>
    %rsqrt3A = math.rsqrt %max3A_15 : vector<2048xf32>
    %broadcast_in_dim3A = vector.shape_cast %rsqrt3A : vector<2048xf32> to vector<2048x1xf32>
    %mul3A = vector.broadcast %broadcast_in_dim3A : vector<2048x1xf32> to vector<2048x128xf32>
    %mul3A_16 = arith.mulf %dot_general3A_5, %mul3A : vector<2048x128xf32>
    %swap3A = arith.constant 0 : index
    %swap3A_17 = arith.constant 0 : index
    %swap3A_18 = vector.load %arg4[%swap3A, %swap3A_17] : memref<2048x128xf32, #tpu.memory_space<vmem>>, vector<2048x128xf32>
    tpu.vector_store %arg4[%swap3A, %swap3A_17], %mul3A_16 {strides = array<i32>} : memref<2048x128xf32, #tpu.memory_space<vmem>>, vector<2048x128xf32>,
    return
  }
  func.func @transform_0(%arg0: i32) -> (i32, i32) {
    %c0_i32 = arith.constant 0 : i32
    %c0_i32_0 = arith.constant 0 : i32
    return %arg0, %c0_i32 : i32, i32
  }
  func.func @transform_1(%arg0: i32) -> (i32, i32) {
    %c0_i32 = arith.constant 0 : i32
    %c0_i32_0 = arith.constant 0 : i32
    %c0_i32_1 = arith.constant 0 : i32
    return %c0_i32, %c0_i32_0 : i32, i32
  }
  func.func @transform_2(%arg0: i32) -> (i32, i32) {
    %c0_i32 = arith.constant 0 : i32
    %c0_i32_0 = arith.constant 0 : i32
    return %c0_i32, %arg0 : i32, i32
  }
  func.func @transform_3(%arg0: i32) -> (i32, i32) {
    %c0_i32 = arith.constant 0 : i32
    %c0_i32_0 = arith.constant 0 : i32
    return %arg0, %c0_i32 : i32, i32
  }
}

module attributes {stable_mosaic.version = 14 : i64} {
  func.func @body(%arg0: i32, %arg1: memref<2x2048x128xf32, #tpu.memory_space<vmem>>, %arg2: memref<2x2048xf32, #tpu.memory_space<vmem>>, %arg3: memref<2x2048xf32, #tpu.memory_space<vmem>>, %arg4: memref<1x128xf32, #tpu.memory_space<vmem>>, %arg5: memref<128x64xf32, #tpu.memory_space<vmem>>, %arg6: memref<2048x64xf32, #tpu.memory_space<vmem>>) attributes {dimension_semantics = [#tpu.dimension_semantics<arbitrary>], iteration_bounds = array<i64: 5>, scalar_prefetch = 0 : i64, scratch_operands = 0 : i64, tpu.core_type = #tpu.core_type<tc>, window_params = [{transform_indices = @transform_0, window_bounds = array<i64: 2, 2048, 128>}, {transform_indices = @transform_1, window_bounds = array<i64: 2, 2048>}, {transform_indices = @transform_2, window_bounds = array<i64: 2, 2048>}, {pipeline_mode = #tpu.pipeline_mode<synchronous>, transform_indices = @transform_3, window_bounds = array<i64: 1, 128>}, {pipeline_mode = #tpu.pipeline_mode<synchronous>, transform_indices = @transform_4, window_bounds = array<i64: 128, 64>}, {transform_indices = @transform_5, window_bounds = array<i64: 2048, 64>}]} {
    %get3A = arith.constant 0 : index
    %get3A_0 = arith.constant 0 : index
    %get3A_1 = arith.constant 0 : index
    %get3A_2 = vector.load %arg1[%get3A, %get3A_0, %get3A_1] : memref<2x2048x128xf32, #tpu.memory_space<vmem>>, vector<1x2048x128xf32>
    %get3A_3 = vector.shape_cast %get3A_2 : vector<1x2048x128xf32> to vector<2048x128xf32>
    %get3A_4 = arith.constant 1 : index
    %get3A_5 = arith.constant 0 : index
    %get3A_6 = arith.constant 0 : index
    %get3A_7 = vector.load %arg1[%get3A_4, %get3A_5, %get3A_6] : memref<2x2048x128xf32, #tpu.memory_space<vmem>>, vector<1x2048x128xf32>
    %get3A_8 = vector.shape_cast %get3A_7 : vector<1x2048x128xf32> to vector<2048x128xf32>
    %add3A = arith.addf %get3A_3, %get3A_8 : vector<2048x128xf32>
    %get3A_9 = arith.constant 0 : index
    %get3A_10 = arith.constant 0 : index
    %get3A_11 = vector.load %arg3[%get3A_9, %get3A_10] : memref<2x2048xf32, #tpu.memory_space<vmem>>, vector<1x2048xf32>
    %get3A_12 = vector.shape_cast %get3A_11 : vector<1x2048xf32> to vector<2048xf32>
    %get3A_13 = arith.constant 1 : index
    %get3A_14 = arith.constant 0 : index
    %get3A_15 = vector.load %arg3[%get3A_13, %get3A_14] : memref<2x2048xf32, #tpu.memory_space<vmem>>, vector<1x2048xf32>
    %get3A_16 = vector.shape_cast %get3A_15 : vector<1x2048xf32> to vector<2048xf32>
    %add3A_17 = arith.addf %get3A_12, %get3A_16 : vector<2048xf32>
    %max3A = arith.constant 1.000000e+00 : f32
    %max3A_18 = vector.broadcast %max3A : f32 to vector<2048xf32>
    %max3A_19 = arith.maximumf %add3A_17, %max3A_18 : vector<2048xf32>
    %rsqrt3A = math.rsqrt %max3A_19 : vector<2048xf32>
    %broadcast_in_dim3A = vector.shape_cast %rsqrt3A : vector<2048xf32> to vector<2048x1xf32>
    %mul3A = vector.broadcast %broadcast_in_dim3A : vector<2048x1xf32> to vector<2048x128xf32>
    %mul3A_20 = arith.mulf %add3A, %mul3A : vector<2048x128xf32>
    %get3A_21 = arith.constant 0 : index
    %get3A_22 = arith.constant 0 : index
    %get3A_23 = vector.load %arg4[%get3A_21, %get3A_22] : memref<1x128xf32, #tpu.memory_space<vmem>>, vector<1x128xf32>
    %add3A_24 = vector.broadcast %get3A_23 : vector<1x128xf32> to vector<2048x128xf32>
    %add3A_25 = arith.addf %mul3A_20, %add3A_24 : vector<2048x128xf32>
    %max3A_26 = arith.constant 0.000000e+00 : f32
    %max3A_27 = vector.broadcast %max3A_26 : f32 to vector<2048x128xf32>
    %max3A_28 = arith.maximumf %add3A_25, %max3A_27 : vector<2048x128xf32>
    %get3A_29 = arith.constant 0 : index
    %get3A_30 = arith.constant 0 : index
    %get3A_31 = vector.load %arg2[%get3A_29, %get3A_30] : memref<2x2048xf32, #tpu.memory_space<vmem>>, vector<1x2048xf32>
    %get3A_32 = vector.shape_cast %get3A_31 : vector<1x2048xf32> to vector<2048xf32>
    %get3A_33 = arith.constant 1 : index
    %get3A_34 = arith.constant 0 : index
    %get3A_35 = vector.load %arg2[%get3A_33, %get3A_34] : memref<2x2048xf32, #tpu.memory_space<vmem>>, vector<1x2048xf32>
    %get3A_36 = vector.shape_cast %get3A_35 : vector<1x2048xf32> to vector<2048xf32>
    %add3A_37 = arith.addf %get3A_32, %get3A_36 : vector<2048xf32>
    %max3A_38 = arith.constant 1.000000e+00 : f32
    %max3A_39 = vector.broadcast %max3A_38 : f32 to vector<2048xf32>
    %max3A_40 = arith.maximumf %add3A_37, %max3A_39 : vector<2048xf32>
    %rsqrt3A_41 = math.rsqrt %max3A_40 : vector<2048xf32>
    %broadcast_in_dim3A_42 = vector.shape_cast %rsqrt3A_41 : vector<2048xf32> to vector<2048x1xf32>
    %mul3A_43 = vector.broadcast %broadcast_in_dim3A_42 : vector<2048x1xf32> to vector<2048x128xf32>
    %mul3A_44 = arith.mulf %max3A_28, %mul3A_43 : vector<2048x128xf32>
    %get3A_45 = arith.constant 0 : index
    %get3A_46 = arith.constant 0 : index
    %get3A_47 = vector.load %arg5[%get3A_45, %get3A_46] : memref<128x64xf32, #tpu.memory_space<vmem>>, vector<128x64xf32>
    %dot_general3A = arith.constant dense<0.000000e+00> : vector<2048x64xf32>
    %dot_general3A_48 = tpu.matmul %mul3A_44, %get3A_47, %dot_general3A {dimension_numbers = #tpu.dot_dimension_numbers<[1], [0], [0], [1], [0, 0, 1, 1], [], []>, transpose_lhs_hint = false} : vector<2048x128xf32>, vector<128x64xf32>, vector<2048x64xf32> -> vector<2048x64xf32>
    %swap3A = arith.constant 0 : index
    %swap3A_49 = arith.constant 0 : index
    %swap3A_50 = vector.load %arg6[%swap3A, %swap3A_49] : memref<2048x64xf32, #tpu.memory_space<vmem>>, vector<2048x64xf32>
    tpu.vector_store %arg6[%swap3A, %swap3A_49], %dot_general3A_48 {strides = array<i32>} : memref<2048x64xf32, #tpu.memory_space<vmem>>, vector<2048x64xf32>,
    return
  }
  func.func @transform_0(%arg0: i32) -> (i32, i32, i32) {
    %c0_i32 = arith.constant 0 : i32
    %c0_i32_0 = arith.constant 0 : i32
    %c0_i32_1 = arith.constant 0 : i32
    return %c0_i32, %arg0, %c0_i32_0 : i32, i32, i32
  }
  func.func @transform_1(%arg0: i32) -> (i32, i32) {
    %c0_i32 = arith.constant 0 : i32
    %c0_i32_0 = arith.constant 0 : i32
    return %c0_i32, %arg0 : i32, i32
  }
  func.func @transform_2(%arg0: i32) -> (i32, i32) {
    %c0_i32 = arith.constant 0 : i32
    %c0_i32_0 = arith.constant 0 : i32
    return %c0_i32, %arg0 : i32, i32
  }
  func.func @transform_3(%arg0: i32) -> (i32, i32) {
    %c0_i32 = arith.constant 0 : i32
    %c0_i32_0 = arith.constant 0 : i32
    %c0_i32_1 = arith.constant 0 : i32
    return %c0_i32, %c0_i32_0 : i32, i32
  }
  func.func @transform_4(%arg0: i32) -> (i32, i32) {
    %c0_i32 = arith.constant 0 : i32
    %c0_i32_0 = arith.constant 0 : i32
    %c0_i32_1 = arith.constant 0 : i32
    return %c0_i32, %c0_i32_0 : i32, i32
  }
  func.func @transform_5(%arg0: i32) -> (i32, i32) {
    %c0_i32 = arith.constant 0 : i32
    %c0_i32_0 = arith.constant 0 : i32
    return %arg0, %c0_i32 : i32, i32
  }
}

module attributes {stable_mosaic.version = 14 : i64} {
  func.func @body(%arg0: i32, %arg1: memref<2x2048x64xf32, #tpu.memory_space<vmem>>, %arg2: memref<2x2048xf32, #tpu.memory_space<vmem>>, %arg3: memref<1x64xf32, #tpu.memory_space<vmem>>, %arg4: memref<2048x64xf32, #tpu.memory_space<vmem>>) attributes {dimension_semantics = [#tpu.dimension_semantics<arbitrary>], iteration_bounds = array<i64: 5>, scalar_prefetch = 0 : i64, scratch_operands = 0 : i64, tpu.core_type = #tpu.core_type<tc>, window_params = [{transform_indices = @transform_0, window_bounds = array<i64: 2, 2048, 64>}, {transform_indices = @transform_1, window_bounds = array<i64: 2, 2048>}, {pipeline_mode = #tpu.pipeline_mode<synchronous>, transform_indices = @transform_2, window_bounds = array<i64: 1, 64>}, {transform_indices = @transform_3, window_bounds = array<i64: 2048, 64>}]} {
    %get3A = arith.constant 0 : index
    %get3A_0 = arith.constant 0 : index
    %get3A_1 = arith.constant 0 : index
    %get3A_2 = vector.load %arg1[%get3A, %get3A_0, %get3A_1] : memref<2x2048x64xf32, #tpu.memory_space<vmem>>, vector<1x2048x64xf32>
    %get3A_3 = vector.shape_cast %get3A_2 : vector<1x2048x64xf32> to vector<2048x64xf32>
    %get3A_4 = arith.constant 1 : index
    %get3A_5 = arith.constant 0 : index
    %get3A_6 = arith.constant 0 : index
    %get3A_7 = vector.load %arg1[%get3A_4, %get3A_5, %get3A_6] : memref<2x2048x64xf32, #tpu.memory_space<vmem>>, vector<1x2048x64xf32>
    %get3A_8 = vector.shape_cast %get3A_7 : vector<1x2048x64xf32> to vector<2048x64xf32>
    %add3A = arith.addf %get3A_3, %get3A_8 : vector<2048x64xf32>
    %get3A_9 = arith.constant 0 : index
    %get3A_10 = arith.constant 0 : index
    %get3A_11 = vector.load %arg2[%get3A_9, %get3A_10] : memref<2x2048xf32, #tpu.memory_space<vmem>>, vector<1x2048xf32>
    %get3A_12 = vector.shape_cast %get3A_11 : vector<1x2048xf32> to vector<2048xf32>
    %get3A_13 = arith.constant 1 : index
    %get3A_14 = arith.constant 0 : index
    %get3A_15 = vector.load %arg2[%get3A_13, %get3A_14] : memref<2x2048xf32, #tpu.memory_space<vmem>>, vector<1x2048xf32>
    %get3A_16 = vector.shape_cast %get3A_15 : vector<1x2048xf32> to vector<2048xf32>
    %add3A_17 = arith.addf %get3A_12, %get3A_16 : vector<2048xf32>
    %max3A = arith.constant 1.000000e+00 : f32
    %max3A_18 = vector.broadcast %max3A : f32 to vector<2048xf32>
    %max3A_19 = arith.maximumf %add3A_17, %max3A_18 : vector<2048xf32>
    %rsqrt3A = math.rsqrt %max3A_19 : vector<2048xf32>
    %broadcast_in_dim3A = vector.shape_cast %rsqrt3A : vector<2048xf32> to vector<2048x1xf32>
    %mul3A = vector.broadcast %broadcast_in_dim3A : vector<2048x1xf32> to vector<2048x64xf32>
    %mul3A_20 = arith.mulf %add3A, %mul3A : vector<2048x64xf32>
    %get3A_21 = arith.constant 0 : index
    %get3A_22 = arith.constant 0 : index
    %get3A_23 = vector.load %arg3[%get3A_21, %get3A_22] : memref<1x64xf32, #tpu.memory_space<vmem>>, vector<1x64xf32>
    %add3A_24 = vector.broadcast %get3A_23 : vector<1x64xf32> to vector<2048x64xf32>
    %add3A_25 = arith.addf %mul3A_20, %add3A_24 : vector<2048x64xf32>
    %reduce_max3A = arith.constant dense<0xFF800000> : vector<2048xf32>
    %reduce_max3A_26 = vector.multi_reduction <maximumf>, %add3A_25, %reduce_max3A [1] : vector<2048x64xf32> to vector<2048xf32>
    %broadcast_in_dim3A_27 = vector.shape_cast %reduce_max3A_26 : vector<2048xf32> to vector<2048x1xf32>
    %sub3A = vector.broadcast %broadcast_in_dim3A_27 : vector<2048x1xf32> to vector<2048x64xf32>
    %sub3A_28 = arith.subf %add3A_25, %sub3A : vector<2048x64xf32>
    %exp3A = math.exp %sub3A_28 : vector<2048x64xf32>
    %reduce_sum3A = arith.constant dense<0.000000e+00> : vector<2048xf32>
    %reduce_sum3A_29 = vector.multi_reduction <add>, %exp3A, %reduce_sum3A [1] : vector<2048x64xf32> to vector<2048xf32>
    %broadcast_in_dim3A_30 = vector.shape_cast %reduce_sum3A_29 : vector<2048xf32> to vector<2048x1xf32>
    %div3A = vector.broadcast %broadcast_in_dim3A_30 : vector<2048x1xf32> to vector<2048x64xf32>
    %div3A_31 = arith.divf %exp3A, %div3A : vector<2048x64xf32>
    %swap3A = arith.constant 0 : index
    %swap3A_32 = arith.constant 0 : index
    %swap3A_33 = vector.load %arg4[%swap3A, %swap3A_32] : memref<2048x64xf32, #tpu.memory_space<vmem>>, vector<2048x64xf32>
    tpu.vector_store %arg4[%swap3A, %swap3A_32], %div3A_31 {strides = array<i32>} : memref<2048x64xf32, #tpu.memory_space<vmem>>, vector<2048x64xf32>,
    return
  }
  func.func @transform_0(%arg0: i32) -> (i32, i32, i32) {
    %c0_i32 = arith.constant 0 : i32
    %c0_i32_0 = arith.constant 0 : i32
    %c0_i32_1 = arith.constant 0 : i32
    return %c0_i32, %arg0, %c0_i32_0 : i32, i32, i32
  }
  func.func @transform_1(%arg0: i32) -> (i32, i32) {
    %c0_i32 = arith.constant 0 : i32
    %c0_i32_0 = arith.constant 0 : i32
    return %c0_i32, %arg0 : i32, i32
  }
  func.func @transform_2(%arg0: i32) -> (i32, i32) {
    %c0_i32 = arith.constant 0 : i32
    %c0_i32_0 = arith.constant 0 : i32
    %c0_i32_1 = arith.constant 0 : i32
    return %c0_i32, %c0_i32_0 : i32, i32
  }
  func.func @transform_3(%arg0: i32) -> (i32, i32) {
    %c0_i32 = arith.constant 0 : i32
    %c0_i32_0 = arith.constant 0 : i32
    return %arg0, %c0_i32 : i32, i32
  }
}

</mosaic_0001>

<sc_bundles>
// kernel: kernel.11.cloned.1.call-start
scs
__scs_entry_jumppad:
0x0: {  	(pc) =	sbr.rel $0x88, $3  }
0x1: {  	(tag) =	ssettag $0x0;
	lr =	simm.s32 $0x1  }
0x2: {  	[smem:$0x3F9B] =	sst lr;
	_ =	strace $0xD0000000  }
0x3: {  	_ = 	snop  }
0x4: {  	_ = 	snop  }
0x5: {  	_ = 	snop  }
0x6: {  	_ = 	snop  }
0x7: {  	_ = 	snop  }
__scs_overlays_trampoline_lowered:
0x8: {  	[smem:$0x3FAA] =	sst s0  }
0x9: {  	[smem:$0x3FAB] =	sst s1  }
0xa: {  	[smem:$0x3FAC] =	sst s2  }
0xb: {  	[smem:$0x3FAD] =	sst s3  }
0xc: {  	[smem:$0x3FAE] =	sst s4  }
0xd: {  	[smem:$0x3FAF] =	sst s5  }
0xe: {  	[smem:$0x3FB0] =	sst s6  }
0xf: {  	[smem:$0x3FB1] =	sst s7  }
0x10: {  	[smem:$0x3FB2] =	sst s8  }
0x11: {  	[smem:$0x3FB3] =	sst s9;
	s0 =	simm.s32 @!p0 $0x0  }
0x12: {  	s1 =	sld [smem:$0x3F99];
	s0 =	simm.s32 @p0 $0x1  }
0x13: {  	[smem:$0x3FB4] =	sst s0;
	s0 =	simm.s32 @!p1 $0x0  }
0x14: {  	s2 =	sld [smem:$0x3F98];
	s0 =	simm.s32 @p1 $0x1  }
0x15: {  	[smem:$0x3FB5] =	sst s0;
	s0 =	simm.s32 @!p2 $0x0  }
0x16: {  	s3 =	sld [smem:$0x3FDB];
	s0 =	simm.s32 @p2 $0x1  }
0x17: {  	s4 =	simm.s32 $0x1BF5;
	[smem:$0x3FB7] =	sst s0  }
0x18: {  	s0 =	sld [smem:$0x3F9A];
	_ =	swait.ge [sflag:s4], $0x0  }
0x19: {  	s7 =	sld [smem:$0x3F9B]  }
0x1a: {  	s8 =	sadd.s32 $0xFFFFE003, lr  }
0x1b: {  	s9 =	sadd.s32 $0xFFFFFEF7, lr;
	s5 =	simm.s32 $0xFFFFFFFF;
	p2 =	slt.u32 s8, $0xFFFFF086  }
0x1c: {  	p1 =	slt.u32 s9, $0xF7A;
	s5 =	simm.s32 @!p2 $0x0  }
0x1d: {  	s5 =	simm.s32 @p1 $0x1;
	p0 =	seq.s32 s7, s2  }
0x1e: {  	s7 =	smul.u32 @!p0 $0xF7A, s2;
	p2 =	seq.s32 @!p0 s5, $0x0  }
0x1f: {  	s9 =	smul.u32 $0xF7A, s1;
	s8 =	simm.s32 @!p0 $0x1BF5;
	p2 =	por !p2, p0  }
0x20: {  	[sflag:s8] =	ssyncset.s32 @!p0 $0xFFFFF086;
	s6 =	sadd.s32 @!p0 s3, s7;
	s7 =	simm.s32 @!p0 $0x108  }
0x21: {  	s3 =	sadd.s32 s3, s9;
	s6 =	sadd.s32 @!p0 $0x88, s6;
	s7 =	simm.s32 @p2 $0x1082  }
0x22: {  	[simem:s7], [sflag:s8] =	dma.local @!p0 [hbm:s6], $0xF7A  }
0x23: {  	s9 =	sor.u32 $0xD0000000, s2;
	s6 =	simm.s32 $0x108;
	_ =	swait.ge @!p0 [sflag:s8], $0x0  }
0x24: {  	s3 =	sadd.s32 $0x88, s3;
	s6 =	simm.s32 @!p1 $0x1082;
	[sflag:s4] =	ssyncset.s32 $0xFFFFF086  }
0x25: {  	[simem:s6], [sflag:s4] =	dma.local [hbm:s3], $0xF7A  }
0x26: {  	[smem:$0x3F9B] =	sst s1;
	(tag) =	ssettag s2;
	_ =	strace s9  }
0x27: {  	s1 =	sld [smem:$0x3FAB]  }
0x28: {  	s2 =	sld [smem:$0x3FAC]  }
0x29: {  	s4 =	sld [smem:$0x3FAE]  }
0x2a: {  	p0 =	seq.s32 s5, $0x0;
	s5 =	sld [smem:$0x3FAF]  }
0x2b: {  	s6 =	sld [smem:$0x3FB0]  }
0x2c: {  	s7 =	sld [smem:$0x3FB1]  }
0x2d: {  	s3 =	simm.s32 $0x108;
	s8 =	sld [smem:$0x3FB2]  }
0x2e: {  	s3 =	simm.s32 @!p0 $0x1082;
	s9 =	sld [smem:$0x3FB3]  }
0x2f: {  	lr =	sadd.s32 s0, s3;
	s0 =	sld [smem:$0x3FAA]  }
0x30: {  	s3 =	sld [smem:$0x3FAD]  }
0x31: {  	[smem:$0x3FB6] =	sst s10  }
0x32: {  	s10 =	sld [smem:$0x3FB4];
	_ =	sdelay $0x3  }
0x33: {  	p0 =	seq.s32 s10, $0x1;
	s10 =	sld [smem:$0x3FB6];
	_ =	sdelay $0x3  }
0x34: {  	[smem:$0x3FB6] =	sst s10  }
0x35: {  	s10 =	sld [smem:$0x3FB5];
	_ =	sdelay $0x3  }
0x36: {  	p1 =	seq.s32 s10, $0x1;
	s10 =	sld [smem:$0x3FB6];
	_ =	sdelay $0x3  }
0x37: {  	[smem:$0x3FB6] =	sst s10  }
0x38: {  	s10 =	sld [smem:$0x3FB7]  }
0x39: {  	_ = 	snop;
	(pc) =	sbr.ind lr, $3  }
0x3a: {  	_ = 	snop  }
0x3b: {  	_ = 	snop  }
0x3c: {  	p2 =	seq.s32 s10, $0x1;
	s10 =	sld [smem:$0x3FB6]  }
0x3d: {  	_ =	shalt  }
0x3e: {  	_ =	shalt  }
0x3f: {  	_ =	shalt  }
0x40: {  	_ =	shalt  }
0x41: {  	_ =	shalt  }
0x42: {  	_ =	shalt  }
0x43: {  	_ =	shalt  }
0x44: {  	_ =	shalt  }
0x45: {  	_ =	shalt  }
0x46: {  	_ =	shalt  }
0x47: {  	_ =	shalt  }
0x48: {  	_ =	shalt  }
0x49: {  	_ =	shalt  }
0x4a: {  	_ =	shalt  }
0x4b: {  	_ =	shalt  }
0x4c: {  	_ =	shalt  }
0x4d: {  	_ =	shalt  }
0x4e: {  	_ =	shalt  }
0x4f: {  	_ =	shalt  }
0x50: {  	_ =	shalt  }
0x51: {  	_ =	shalt  }
0x52: {  	_ =	shalt  }
0x53: {  	_ =	shalt  }
0x54: {  	_ =	shalt  }
0x55: {  	_ =	shalt  }
0x56: {  	_ =	shalt  }
0x57: {  	_ =	shalt  }
0x58: {  	_ =	shalt  }
0x59: {  	_ =	shalt  }
0x5a: {  	_ =	shalt  }
0x5b: {  	_ =	shalt  }
0x5c: {  	_ =	shalt  }
0x5d: {  	_ =	shalt  }
0x5e: {  	_ =	shalt  }
0x5f: {  	_ =	shalt  }
0x60: {  	_ =	shalt  }
0x61: {  	_ =	shalt  }
0x62: {  	_ =	shalt  }
0x63: {  	_ =	shalt  }
0x64: {  	_ =	shalt  }
0x65: {  	_ =	shalt  }
0x66: {  	_ =	shalt  }
0x67: {  	_ =	shalt  }
0x68: {  	_ =	shalt  }
0x69: {  	_ =	shalt  }
0x6a: {  	_ =	shalt  }
0x6b: {  	_ =	shalt  }
0x6c: {  	_ =	shalt  }
0x6d: {  	_ =	shalt  }
0x6e: {  	_ =	shalt  }
0x6f: {  	_ =	shalt  }
0x70: {  	_ =	shalt  }
0x71: {  	_ =	shalt  }
0x72: {  	_ =	shalt  }
0x73: {  	_ =	shalt  }
0x74: {  	_ =	shalt  }
0x75: {  	_ =	shalt  }
0x76: {  	_ =	shalt  }
0x77: {  	_ =	shalt  }
0x78: {  	_ =	shalt  }
0x79: {  	_ =	shalt  }
0x7a: {  	_ =	shalt  }
0x7b: {  	_ =	shalt  }
0x7c: {  	_ =	shalt  }
0x7d: {  	_ =	shalt  }
0x7e: {  	_ =	shalt  }
0x7f: {  	_ =	shalt  }
0x80: {  	_ =	shalt  }
0x81: {  	_ =	shalt  }
0x82: {  	_ =	shalt  }
0x83: {  	_ =	shalt  }
0x84: {  	_ =	shalt  }
0x85: {  	_ =	shalt  }
0x86: {  	_ =	shalt  }
0x87: {  	_ =	shalt  }
.Lfunc_end0:
.L_simem_size_0:
called_computation.1_lowered:
.L_overlay_start_0:
0x88: {  	s2 =	sld [smem:$0x3FD9]  }
0x89: {  	s3 =	sld [smem:$0x3FFE];
	_ =	sdelay $0x1  }
0x8a: {  	s1 =	srdreg.scid  }
0x8b: {  	s0 =	sand.u32 $0x1, s1  }
0x8c: {  	s17 =	sshll.u32 s0, $0xA;
	s2 =	sadd.s32 s3, s2  }
0x8d: {  	s2 =	sadd.s32 s2, s17  }
0x8e: {  	[smem:$0x3FC2] =	sst s2  }
0x8f: {  	_ = 	snop  }
0x90: {  	s2 =	sld [smem:$0x3FD0];
	(tm) =	ssettm $0x1  }
0x91: {  	s18 =	sld [smem:$0x3FFB];
	_ =	sdelay $0x3  }
0x92: {  	_ =	strace s18  }
0x93: {  	s3 =	sld [smem:$0x3FFC];
	_ =	sdelay $0x3  }
0x94: {  	_ =	strace s3  }
0x95: {  	s3 =	sld [smem:$0x3FFD];
	_ =	sdelay $0x3  }
0x96: {  	_ =	strace s3  }
0x97: {  	_ =	strace $0x8FFFFFFF  }
0x98: {  	s19 =	sld [smem:$0x3FDB];
	_ =	sdelay $0x1  }
0x99: {  	s4 =	simm.s32 $_scs_section_size  }
0x9a: {  	s5 =	simm.s32 $_size__tile_overlayer_lowered;
	s6 =	simm.s32 $_tile_overlayer_lowered  }
0x9b: {  	s22 =	simm.s32 $0x1BFF;
	s21 =	sshll.u32 s6, $0x1;
	s3 =	sadd.s32 s4, s19  }
0x9c: {  	s7 =	simm.s32 $0x0;
	s20 =	sshll.u32 s5, $0x1;
	s5 =	sadd.s32 s21, s3  }
0x9d: {  	[timem:s7], [sflag:s22] =	dma.local [hbm:s5], s20  }
0x9e: {  	_ =	swait.ge [sflag:s22], s20  }
0x9f: {  	s4 =	ssub.s32 $0x0, s20;
	[sflag:s22] =	ssyncset.done $0x0  }
0xa0: {  	[sflag:s22] =	ssyncadd.s32 s4;
	_ =	sdelay $0x1  }
0xa1: {  	s23 =	simm.s32 $0x1B8B  }
0xa2: {  	_ =	swait.ge [sflag:s23], $0x1  }
0xa3: {  	[sflag:s23] =	ssyncset.done $0x0  }
0xa4: {  	s25 =	simm.s32 $0x1B8E;
	s24 =	sld [smem:$0x3FFE];
	[sflag:s23] =	ssyncadd.s32 $0xFFFFFFFF  }
0xa5: {  	s26 =	simm.s32 $execute0_lowered;
	[smem:$0x3FD2] =	sst s25  }
0xa6: {  	s5 =	sshll.u32 s26, $0x1;
	_ =	strace $0x80000049;
	[dreg:$0x1] =	wrdreg $0xFFFFFFFF  }
0xa7: {  	s28 =	simm.s32 $_size_execute0_lowered;
	s3 =	sadd.s32 s3, s5;
	[dreg:$0x0] =	wrdreg $0x0  }
0xa8: {  	s5 =	sshll.u32 s28, $0x1;
	[dreg:$0x2] =	wrdreg s3  }
0xa9: {  	[dreg:$0x3] =	wrdreg s5  }
0xaa: {  	[dreg:$0x4] =	wrdreg $0xC0  }
0xab: {  	_ =	task [dreg:s7], $0x5FFFF  }
0xac: {  	[dreg:$0x1] =	wrdreg $0xFFFFFFFF  }
0xad: {  	[dreg:$0x0] =	wrdreg $0x60  }
0xae: {  	[dreg:$0x2] =	wrdreg s24  }
0xaf: {  	[dreg:$0x3] =	wrdreg s2  }
0xb0: {  	[dreg:$0x4] =	wrdreg $0x0  }
0xb1: {  	[dreg:$0x5] =	wrdreg $0x9  }
0xb2: {  	_ =	task.clear_ibuf [dreg:s7], $0x6FFFF;
	_ =	strace $0x90000049  }
0xb3: {  	s29 =	simm.s32 $0x9;
	_ =	strace $0x8000004B  }
0xb4: {  	_ =	swait.ge [sflag:s29], $0x1  }
0xb5: {  	[sflag:s29] =	ssyncadd.s32 $0xFFFFFFFF  }
0xb6: {  	_ =	strace $0x9000004B  }
0xb7: {  	_ =	sfence  }
0xb8: {  	s30 =	sld [smem:$0x0];
	_ =	sdelay $0x2  }
0xb9: {  	s31 =	sshll.u32 s1, $0xD;
	s1 =	sshrl.u32 s1, $0x2  }
0xba: {  	s3 =	sand.u32 $0x4000, s31;
	s1 =	sadd.s32 s1, s30  }
0xbb: {  	s0 =	sor.u32 s3, s0;
	s1 =	sshll.u32 s1, $0x11  }
0xbc: {  	s0 =	sor.u32 s1, s0  }
0xbd: {  	s0 =	sadd.s32 $0x8F2B, s0  }
0xbe: {  	[sflag:s0] =	ssyncadd.remote.s32 $0x1  }
0xbf: {  	_ =	sfence.sel $0xFFFF  }
0xc0: {  	[dreg:$0x0] =	wrdreg $0xFFFFFFFF;
	(pc) =	sbr.abs _section_cstart, $3  }
0xc1: {  	[dreg:$0x1] =	wrdreg $0xFFFFFFFF  }
0xc2: {  	_ =	task.clear_ibuf [dreg:s7], $0x2FFFF;
	_ =	strace $0x9FFFFFFF  }
0xc3: {  	(tm) =	ssettm $0x7FFFFFFF  }
tec
execute0_lowered:
.L_overlay_start_1:
0x0: {  	(tag) =	ssettag $0x1  }
0x1: {  	s5 =	rddreg [dreg:$0x0]  }
0x2: {  	s13 =	rddreg [dreg:$0x1];
	s0 =	srdreg.scid  }
0x3: {  	s2 =	rddreg [dreg:$0x2];
	s1 =	stileid.u32;
	s3 =	simm.s32 $0x0  }
0x4: {  	s17 =	simm.s32 $0x3;
	s18 =	simm.s32 $0x14000;
	s19 =	simm.s32 $0x15400  }
0x5: {  	s20 =	simm.s32 $0x80;
	s21 =	simm.s32 $0x1A800;
	s22 =	simm.s32 $0x1  }
0x6: {  	s23 =	simm.s32 $0x2;
	s24 =	simm.s32 $0x15380;
	s25 =	simm.s32 $0x16700  }
0x7: {  	s26 =	simm.s32 $0x16780;
	s6 =	sand.u32 $0x1, s0;
	s7 =	smul.u32 $0x14000, s1  }
0x8: {  	[smem:$0x7FF] =	sst s3;
	s8 =	smul.u32 $0x50000, s1;
	s12 =	sadd.s32 $0x2000, s5  }
0x9: {  	s4 =	smul.u32 $0x140000, s6;
	_ =	strace $0x8000004A;
	s28 =	sshll.u32 s6, $0x4  }
0xa: {  	s6 =	ssub.s32 $0x2, s6;
	s29 =	sor.u32 s1, s28;
	s30 =	sshrl.u32 s8, $0x2  }
0xb: {  	s31 =	sshrl.u32 s6, $0x1;
	s7 =	sadd.s32 s7, s4;
	s4 =	sadd.s32 $0xD400, s5  }
0xc: {  	s10 =	smul.u32 $0x2800, s29;
	s15 =	ssub.s32 s6, s31;
	s7 =	sshrl.u32 s7, $0x3  }
0xd: {  	s15 =	smax.u32 s15, $0x1;
	s14 =	sadd.s32 s7, s5;
	s5 =	sadd.s32 s30, s2  }
0xe: {  	s16 =	sshrl.u32 s10, $0x3;
	s6 =	sadd.s32 $0x4000, s5;
	s7 =	sadd.s32 $0x8000, s5  }
0xf: {  	s8 =	sadd.s32 $0xC000, s5;
	s9 =	sadd.s32 $0x10000, s5;
	s10 =	sadd.s32 s12, s16  }
0x10: {  	s11 =	sadd.s32 s13, s16;
	s16 =	sadd.s32 $0x280, s16;
	s14 =	sadd.s32 $0x35400, s14  }
0x11: {  	v0 =	vimm.f32 $0.0e+00;
	s12 =	sadd.s32 s12, s16;
	s13 =	sadd.s32 s13, s16;
	s16 =	simm.s32 $0x16800  }
.LBB2_1:
0x12: {  	s28 =	simm.s32 $0x0;
	s29 =	simm.s32 $0x200  }
.LBB2_2:
0x13: {  	p0 =	sne.s32 s29, $0xFE00;
	[tilespmem:s28+$0x16870] =	vst v0  }
0x14: {  	[tilespmem:s28+$0x16800] =	vst v0  }
0x15: {  	[tilespmem:s28+$0x16810] =	vst v0  }
.Ltmp0:
0x16: {  	[tilespmem:s28+$0x16820] =	vst v0;
	(pc) =	sbr.rel @p0 .LBB2_2-.Ltmp0, $4  }
0x17: {  	[tilespmem:s28+$0x16830] =	vst v0  }
0x18: {  	[tilespmem:s28+$0x16840] =	vst v0  }
0x19: {  	[tilespmem:s28+$0x16850] =	vst v0  }
0x1a: {  	[tilespmem:s28+$0x16860] =	vst v0;
	s28 =	sshra.s32 s29, $0x2;
	s29 =	sadd.s32 $0x200, s29  }
0x1b: {  	[tilespmem:s28+$0x16870] =	vst v0  }
0x1c: {  	[tilespmem:s28+$0x16800] =	vst v0  }
0x1d: {  	[tilespmem:s28+$0x16810] =	vst v0  }
0x1e: {  	[tilespmem:s28+$0x16820] =	vst v0  }
0x1f: {  	[tilespmem:s28+$0x16830] =	vst v0  }
0x20: {  	[tilespmem:s28+$0x16840] =	vst v0  }
0x21: {  	[tilespmem:s28+$0x16850] =	vst v0  }
0x22: {  	[tilespmem:s28+$0x16860] =	vst v0  }
0x23: {  	[spmem:s5] =	stream.linear.scatter [tilespmem:s16], [sflag:$0x3], $0x4000, $0x38;
	[tilespmem:$0x1E800] =	vst v63  }
0x24: {  	_ =	swait.ge [sflag:s17], $0x4000  }
0x25: {  	[sflag:s17] =	ssyncset.done $0x0  }
0x26: {  	[sflag:s17] =	ssyncadd.s32 $0xFFFFC000  }
0x27: {  	[spmem:s6] =	stream.linear.scatter [tilespmem:s16], [sflag:$0x3], $0x4000, $0x38;
	[tilespmem:$0x1E800] =	vst v63  }
0x28: {  	_ =	swait.ge [sflag:s17], $0x4000  }
0x29: {  	[sflag:s17] =	ssyncset.done $0x0  }
0x2a: {  	[sflag:s17] =	ssyncadd.s32 $0xFFFFC000  }
0x2b: {  	[spmem:s7] =	stream.linear.scatter [tilespmem:s16], [sflag:$0x3], $0x4000, $0x38;
	[tilespmem:$0x1E800] =	vst v63  }
0x2c: {  	_ =	swait.ge [sflag:s17], $0x4000  }
0x2d: {  	[sflag:s17] =	ssyncset.done $0x0  }
0x2e: {  	[sflag:s17] =	ssyncadd.s32 $0xFFFFC000  }
0x2f: {  	[spmem:s8] =	stream.linear.scatter [tilespmem:s16], [sflag:$0x3], $0x4000, $0x38;
	[tilespmem:$0x1E800] =	vst v63  }
0x30: {  	_ =	swait.ge [sflag:s17], $0x4000  }
0x31: {  	[sflag:s17] =	ssyncset.done $0x0  }
0x32: {  	[sflag:s17] =	ssyncadd.s32 $0xFFFFC000  }
0x33: {  	[spmem:s9] =	stream.linear.scatter [tilespmem:s16], [sflag:$0x3], $0x4000, $0x38;
	[tilespmem:$0x1E800] =	vst v63  }
0x34: {  	_ =	swait.ge [sflag:s17], $0x4000  }
0x35: {  	[sflag:s17] =	ssyncset.done $0x0  }
0x36: {  	[sflag:s17] =	ssyncadd.s32 $0xFFFFC000  }
0x37: {  	s28 =	simm.s32 $0x0;
	[bflag:$0x0] =	sbarrier.arrive $0xFFFF  }
0x38: {  	[tilespmem:s18], [sflag:$0x3] =	stream.linear.gather [hbm4b:s10+s28], $0x1400, $0x38;
	[tilespmem:$0x1E800] =	vst v63  }
0x39: {  	_ =	swait.ge [sflag:s17], $0x1400  }
0x3a: {  	[sflag:s17] =	ssyncset.done $0x0  }
0x3b: {  	[sflag:s17] =	ssyncadd.s32 $0xFFFFEC00  }
0x3c: {  	[tilespmem:s19], [sflag:$0x3] =	stream.linear.gather [hbm4b:s11+s28], $0x1400, $0x38;
	[tilespmem:$0x1E800] =	vst v63  }
0x3d: {  	_ =	swait.ge [sflag:s17], $0x1400  }
0x3e: {  	[sflag:s17] =	ssyncset.done $0x0  }
0x3f: {  	[sflag:s17] =	ssyncadd.s32 $0xFFFFEC00  }
0x40: {  	[tilespmem:s16], [sflag:$0x1] =	stream.indirect.gather [hbm4b:s4+s20], $0x80, s18, s20, $0xb8;
	[tilespmem:$0x1E800] =	vst v63  }
0x41: {  	s28 =	simm.s32 $0x14080  }
0x42: {  	[tilespmem:s21], [sflag:$0x2] =	stream.indirect.gather [hbm4b:s4+s20], $0x80, s28, s20, $0xb8;
	[tilespmem:$0x1E800] =	vst v63  }
0x43: {  	_ =	swait.ge [sflag:s22], $0x4000  }
0x44: {  	[sflag:s22] =	ssyncset.done $0x0  }
0x45: {  	s28 =	simm.s32 $0x15400;
	[sflag:s22] =	ssyncadd.s32 $0xFFFFC000  }
0x46: {  	[spmem:s2] =	stream.indirect.scatter.add.f32 [tilespmem:s16], [sflag:$0x3], $0x80, s28, s20, $0xb8;
	[tilespmem:$0x1E800] =	vst v63  }
0x47: {  	_ =	swait.ge [sflag:s17], $0x4000  }
0x48: {  	[sflag:s17] =	ssyncset.done $0x0  }
0x49: {  	s28 =	simm.s32 $0x14100;
	[sflag:s17] =	ssyncadd.s32 $0xFFFFC000  }
0x4a: {  	[tilespmem:s16], [sflag:$0x1] =	stream.indirect.gather [hbm4b:s4+s20], $0x80, s28, s20, $0xb8;
	[tilespmem:$0x1E800] =	vst v63  }
0x4b: {  	_ =	swait.ge [sflag:s23], $0x4000  }
0x4c: {  	[sflag:s23] =	ssyncset.done $0x0  }
0x4d: {  	s28 =	simm.s32 $0x15480;
	[sflag:s23] =	ssyncadd.s32 $0xFFFFC000  }
0x4e: {  	[spmem:s2] =	stream.indirect.scatter.add.f32 [tilespmem:s21], [sflag:$0x3], $0x80, s28, s20, $0xb8;
	[tilespmem:$0x1E800] =	vst v63  }
0x4f: {  	_ =	swait.ge [sflag:s17], $0x4000  }
0x50: {  	s29 =	simm.s32 $0x800;
	s28 =	simm.s32 $0x100;
	[sflag:s17] =	ssyncset.done $0x0  }
.LBB2_4:
0x51: {  	s30 =	sadd.s32 $0x14080, s28  }
0x52: {  	[sflag:s17] =	ssyncadd.s32 $0xFFFFC000;
	s31 =	smov.u32 s29;
	s0 =	sadd.s32 $0x400, s29  }
0x53: {  	[tilespmem:s21], [sflag:$0x2] =	stream.indirect.gather [hbm4b:s4+s20], $0x80, s30, s20, $0xb8;
	[tilespmem:$0x1E800] =	vst v63  }
0x54: {  	p0 =	sne.s32 s29, $0x4800;
	_ =	swait.ge [sflag:s22], $0x4000  }
0x55: {  	[sflag:s22] =	ssyncset.done $0x0  }
0x56: {  	s29 =	sadd.s32 $0x15400, s28;
	[sflag:s22] =	ssyncadd.s32 $0xFFFFC000  }
0x57: {  	[spmem:s2] =	stream.indirect.scatter.add.f32 [tilespmem:s16], [sflag:$0x3], $0x80, s29, s20, $0xb8;
	[tilespmem:$0x1E800] =	vst v63  }
0x58: {  	_ =	swait.ge [sflag:s17], $0x4000  }
0x59: {  	[sflag:s17] =	ssyncset.done $0x0  }
0x5a: {  	s29 =	sadd.s32 $0x14100, s28;
	[sflag:s17] =	ssyncadd.s32 $0xFFFFC000  }
0x5b: {  	[tilespmem:s16], [sflag:$0x1] =	stream.indirect.gather [hbm4b:s4+s20], $0x80, s29, s20, $0xb8;
	[tilespmem:$0x1E800] =	vst v63  }
0x5c: {  	_ =	swait.ge [sflag:s23], $0x4000  }
.Ltmp1:
0x5d: {  	[sflag:s23] =	ssyncset.done $0x0;
	(pc) =	sbr.rel @p0 .LBB2_4-.Ltmp1, $4  }
0x5e: {  	s28 =	sadd.s32 $0x15480, s28;
	[sflag:s23] =	ssyncadd.s32 $0xFFFFC000  }
0x5f: {  	[spmem:s2] =	stream.indirect.scatter.add.f32 [tilespmem:s21], [sflag:$0x3], $0x80, s28, s20, $0xb8;
	[tilespmem:$0x1E800] =	vst v63  }
0x60: {  	_ =	swait.ge [sflag:s17], $0x4000  }
0x61: {  	s29 =	smov.u32 s0;
	s28 =	sshra.s32 s31, $0x2;
	[sflag:s17] =	ssyncset.done $0x0  }
0x62: {  	s0 =	sadd.s32 $0x14080, s28;
	[sflag:s17] =	ssyncadd.s32 $0xFFFFC000  }
0x63: {  	[tilespmem:s21], [sflag:$0x2] =	stream.indirect.gather [hbm4b:s4+s20], $0x80, s0, s20, $0xb8;
	[tilespmem:$0x1E800] =	vst v63  }
0x64: {  	_ =	swait.ge [sflag:s22], $0x4000  }
0x65: {  	[sflag:s22] =	ssyncset.done $0x0  }
0x66: {  	s30 =	sadd.s32 $0x15400, s28;
	[sflag:s22] =	ssyncadd.s32 $0xFFFFC000  }
0x67: {  	[spmem:s2] =	stream.indirect.scatter.add.f32 [tilespmem:s16], [sflag:$0x3], $0x80, s30, s20, $0xb8;
	[tilespmem:$0x1E800] =	vst v63  }
0x68: {  	_ =	swait.ge [sflag:s17], $0x4000  }
0x69: {  	[sflag:s17] =	ssyncset.done $0x0  }
0x6a: {  	s31 =	sadd.s32 $0x14100, s28;
	[sflag:s17] =	ssyncadd.s32 $0xFFFFC000  }
0x6b: {  	[tilespmem:s16], [sflag:$0x1] =	stream.indirect.gather [hbm4b:s4+s20], $0x80, s31, s20, $0xb8;
	[tilespmem:$0x1E800] =	vst v63  }
0x6c: {  	_ =	swait.ge [sflag:s23], $0x4000  }
0x6d: {  	[sflag:s23] =	ssyncset.done $0x0  }
0x6e: {  	s30 =	sadd.s32 $0x15480, s28;
	[sflag:s23] =	ssyncadd.s32 $0xFFFFC000  }
0x6f: {  	[spmem:s2] =	stream.indirect.scatter.add.f32 [tilespmem:s21], [sflag:$0x3], $0x80, s30, s20, $0xb8;
	[tilespmem:$0x1E800] =	vst v63  }
0x70: {  	_ =	swait.ge [sflag:s17], $0x4000  }
0x71: {  	[sflag:s17] =	ssyncset.done $0x0  }
0x72: {  	[sflag:s17] =	ssyncadd.s32 $0xFFFFC000  }
0x73: {  	[tilespmem:s21], [sflag:$0x2] =	stream.indirect.gather [hbm4b:s4+s20], $0x80, s24, s20, $0xb8;
	[tilespmem:$0x1E800] =	vst v63  }
0x74: {  	_ =	swait.ge [sflag:s22], $0x4000  }
0x75: {  	[sflag:s22] =	ssyncset.done $0x0  }
0x76: {  	[sflag:s22] =	ssyncadd.s32 $0xFFFFC000  }
0x77: {  	[spmem:s2] =	stream.indirect.scatter.add.f32 [tilespmem:s16], [sflag:$0x3], $0x80, s25, s20, $0xb8;
	[tilespmem:$0x1E800] =	vst v63  }
0x78: {  	_ =	swait.ge [sflag:s17], $0x4000  }
0x79: {  	[sflag:s17] =	ssyncset.done $0x0  }
0x7a: {  	[sflag:s17] =	ssyncadd.s32 $0xFFFFC000  }
0x7b: {  	_ =	swait.ge [sflag:s23], $0x4000  }
0x7c: {  	[sflag:s23] =	ssyncset.done $0x0  }
0x7d: {  	[sflag:s23] =	ssyncadd.s32 $0xFFFFC000  }
0x7e: {  	[spmem:s2] =	stream.indirect.scatter.add.f32 [tilespmem:s21], [sflag:$0x3], $0x80, s26, s20, $0xb8;
	[tilespmem:$0x1E800] =	vst v63  }
0x7f: {  	_ =	swait.ge [sflag:s17], $0x4000  }
0x80: {  	[sflag:s17] =	ssyncset.done $0x0  }
0x81: {  	s31 =	simm.s32 $0x0;
	[sflag:s17] =	ssyncadd.s32 $0xFFFFC000  }
0x82: {  	[tilespmem:s18], [sflag:$0x3] =	stream.linear.gather [hbm4b:s12+s31], $0x1400, $0x38;
	[tilespmem:$0x1E800] =	vst v63  }
0x83: {  	_ =	swait.ge [sflag:s17], $0x1400  }
0x84: {  	[sflag:s17] =	ssyncset.done $0x0  }
0x85: {  	[sflag:s17] =	ssyncadd.s32 $0xFFFFEC00  }
0x86: {  	[tilespmem:s19], [sflag:$0x3] =	stream.linear.gather [hbm4b:s13+s31], $0x1400, $0x38;
	[tilespmem:$0x1E800] =	vst v63  }
0x87: {  	_ =	swait.ge [sflag:s17], $0x1400  }
0x88: {  	[sflag:s17] =	ssyncset.done $0x0  }
0x89: {  	[sflag:s17] =	ssyncadd.s32 $0xFFFFEC00  }
0x8a: {  	[tilespmem:s16], [sflag:$0x1] =	stream.indirect.gather [hbm4b:s4+s20], $0x80, s18, s20, $0xb8;
	[tilespmem:$0x1E800] =	vst v63  }
0x8b: {  	s30 =	simm.s32 $0x14080  }
0x8c: {  	[tilespmem:s21], [sflag:$0x2] =	stream.indirect.gather [hbm4b:s4+s20], $0x80, s30, s20, $0xb8;
	[tilespmem:$0x1E800] =	vst v63  }
0x8d: {  	_ =	swait.ge [sflag:s22], $0x4000  }
0x8e: {  	[sflag:s22] =	ssyncset.done $0x0  }
0x8f: {  	s31 =	simm.s32 $0x15400;
	[sflag:s22] =	ssyncadd.s32 $0xFFFFC000  }
0x90: {  	[spmem:s2] =	stream.indirect.scatter.add.f32 [tilespmem:s16], [sflag:$0x3], $0x80, s31, s20, $0xb8;
	[tilespmem:$0x1E800] =	vst v63  }
0x91: {  	_ =	swait.ge [sflag:s17], $0x4000  }
0x92: {  	[sflag:s17] =	ssyncset.done $0x0  }
0x93: {  	s30 =	simm.s32 $0x14100;
	[sflag:s17] =	ssyncadd.s32 $0xFFFFC000  }
0x94: {  	[tilespmem:s16], [sflag:$0x1] =	stream.indirect.gather [hbm4b:s4+s20], $0x80, s30, s20, $0xb8;
	[tilespmem:$0x1E800] =	vst v63  }
0x95: {  	_ =	swait.ge [sflag:s23], $0x4000  }
0x96: {  	[sflag:s23] =	ssyncset.done $0x0  }
0x97: {  	s31 =	simm.s32 $0x15480;
	[sflag:s23] =	ssyncadd.s32 $0xFFFFC000  }
0x98: {  	[spmem:s2] =	stream.indirect.scatter.add.f32 [tilespmem:s21], [sflag:$0x3], $0x80, s31, s20, $0xb8;
	[tilespmem:$0x1E800] =	vst v63  }
0x99: {  	_ =	swait.ge [sflag:s17], $0x4000  }
0x9a: {  	s29 =	simm.s32 $0x800;
	s28 =	simm.s32 $0x100;
	[sflag:s17] =	ssyncset.done $0x0  }
.LBB2_6:
0x9b: {  	s0 =	sadd.s32 $0x14080, s28  }
0x9c: {  	[sflag:s17] =	ssyncadd.s32 $0xFFFFC000;
	s30 =	smov.u32 s29;
	s31 =	sadd.s32 $0x400, s29  }
0x9d: {  	[tilespmem:s21], [sflag:$0x2] =	stream.indirect.gather [hbm4b:s4+s20], $0x80, s0, s20, $0xb8;
	[tilespmem:$0x1E800] =	vst v63  }
0x9e: {  	p0 =	sne.s32 s29, $0x4800;
	_ =	swait.ge [sflag:s22], $0x4000  }
0x9f: {  	[sflag:s22] =	ssyncset.done $0x0  }
0xa0: {  	s0 =	sadd.s32 $0x15400, s28;
	[sflag:s22] =	ssyncadd.s32 $0xFFFFC000  }
0xa1: {  	[spmem:s2] =	stream.indirect.scatter.add.f32 [tilespmem:s16], [sflag:$0x3], $0x80, s0, s20, $0xb8;
	[tilespmem:$0x1E800] =	vst v63  }
0xa2: {  	_ =	swait.ge [sflag:s17], $0x4000  }
0xa3: {  	[sflag:s17] =	ssyncset.done $0x0  }
0xa4: {  	s0 =	sadd.s32 $0x14100, s28;
	[sflag:s17] =	ssyncadd.s32 $0xFFFFC000  }
0xa5: {  	[tilespmem:s16], [sflag:$0x1] =	stream.indirect.gather [hbm4b:s4+s20], $0x80, s0, s20, $0xb8;
	[tilespmem:$0x1E800] =	vst v63  }
0xa6: {  	_ =	swait.ge [sflag:s23], $0x4000  }
.Ltmp2:
0xa7: {  	[sflag:s23] =	ssyncset.done $0x0;
	(pc) =	sbr.rel @p0 .LBB2_6-.Ltmp2, $4  }
0xa8: {  	s0 =	sadd.s32 $0x15480, s28;
	[sflag:s23] =	ssyncadd.s32 $0xFFFFC000  }
0xa9: {  	[spmem:s2] =	stream.indirect.scatter.add.f32 [tilespmem:s21], [sflag:$0x3], $0x80, s0, s20, $0xb8;
	[tilespmem:$0x1E800] =	vst v63  }
0xaa: {  	_ =	swait.ge [sflag:s17], $0x4000  }
0xab: {  	s29 =	smov.u32 s31;
	s28 =	sshra.s32 s30, $0x2;
	[sflag:s17] =	ssyncset.done $0x0  }
0xac: {  	s0 =	sadd.s32 $0x14080, s28;
	[sflag:s17] =	ssyncadd.s32 $0xFFFFC000  }
0xad: {  	[tilespmem:s21], [sflag:$0x2] =	stream.indirect.gather [hbm4b:s4+s20], $0x80, s0, s20, $0xb8;
	[tilespmem:$0x1E800] =	vst v63  }
0xae: {  	_ =	swait.ge [sflag:s22], $0x4000  }
0xaf: {  	[sflag:s22] =	ssyncset.done $0x0  }
0xb0: {  	s30 =	sadd.s32 $0x15400, s28;
	[sflag:s22] =	ssyncadd.s32 $0xFFFFC000  }
0xb1: {  	[spmem:s2] =	stream.indirect.scatter.add.f32 [tilespmem:s16], [sflag:$0x3], $0x80, s30, s20, $0xb8;
	[tilespmem:$0x1E800] =	vst v63  }
0xb2: {  	_ =	swait.ge [sflag:s17], $0x4000  }
0xb3: {  	[sflag:s17] =	ssyncset.done $0x0  }
0xb4: {  	s31 =	sadd.s32 $0x14100, s28;
	[sflag:s17] =	ssyncadd.s32 $0xFFFFC000  }
0xb5: {  	[tilespmem:s16], [sflag:$0x1] =	stream.indirect.gather [hbm4b:s4+s20], $0x80, s31, s20, $0xb8;
	[tilespmem:$0x1E800] =	vst v63  }
0xb6: {  	_ =	swait.ge [sflag:s23], $0x4000  }
0xb7: {  	[sflag:s23] =	ssyncset.done $0x0  }
0xb8: {  	s29 =	sadd.s32 $0x15480, s28;
	[sflag:s23] =	ssyncadd.s32 $0xFFFFC000  }
0xb9: {  	[spmem:s2] =	stream.indirect.scatter.add.f32 [tilespmem:s21], [sflag:$0x3], $0x80, s29, s20, $0xb8;
	[tilespmem:$0x1E800] =	vst v63  }
0xba: {  	_ =	swait.ge [sflag:s17], $0x4000  }
0xbb: {  	[sflag:s17] =	ssyncset.done $0x0  }
0xbc: {  	[sflag:s17] =	ssyncadd.s32 $0xFFFFC000  }
0xbd: {  	[tilespmem:s21], [sflag:$0x2] =	stream.indirect.gather [hbm4b:s4+s20], $0x80, s24, s20, $0xb8;
	[tilespmem:$0x1E800] =	vst v63  }
0xbe: {  	_ =	swait.ge [sflag:s22], $0x4000  }
0xbf: {  	[sflag:s22] =	ssyncset.done $0x0  }
0xc0: {  	[sflag:s22] =	ssyncadd.s32 $0xFFFFC000  }
0xc1: {  	[spmem:s2] =	stream.indirect.scatter.add.f32 [tilespmem:s16], [sflag:$0x3], $0x80, s25, s20, $0xb8;
	[tilespmem:$0x1E800] =	vst v63  }
0xc2: {  	_ =	swait.ge [sflag:s17], $0x4000  }
0xc3: {  	[sflag:s17] =	ssyncset.done $0x0  }
0xc4: {  	[sflag:s17] =	ssyncadd.s32 $0xFFFFC000  }
0xc5: {  	_ =	swait.ge [sflag:s23], $0x4000  }
0xc6: {  	[sflag:s23] =	ssyncset.done $0x0  }
0xc7: {  	[sflag:s23] =	ssyncadd.s32 $0xFFFFC000  }
0xc8: {  	[spmem:s2] =	stream.indirect.scatter.add.f32 [tilespmem:s21], [sflag:$0x3], $0x80, s26, s20, $0xb8;
	[tilespmem:$0x1E800] =	vst v63  }
0xc9: {  	_ =	swait.ge [sflag:s17], $0x4000  }
0xca: {  	s3 =	sadd.s32 $0x1, s3;
	s30 =	sshll.u32 s1, $0x6;
	[sflag:s17] =	ssyncset.done $0x0  }
0xcb: {  	p0 =	sne.s32 s3, s15;
	s0 =	sor.u32 $0x1C03, s30;
	[sflag:s17] =	ssyncadd.s32 $0xFFFFC000  }
.Ltmp3:
0xcc: {  	s31 =	sshrl.u32 s5, $0x3;
	[bflag:$0x0] =	sbarrier.arrive $0xFFFF;
	(pc) =	sbr.rel @p0 .LBB2_1-.Ltmp3, $4  }
0xcd: {  	[hbm:s14], [sflag:s0] =	dma.local [spmem:s31], $0x2800  }
0xce: {  	_ =	swait.ge [sflag:s17], $0x2800  }
0xcf: {  	[sflag:s17] =	ssyncset.done $0x0  }
0xd0: {  	[sflag:s17] =	ssyncadd.s32 $0xFFFFD800  }
0xd1: {  	_ =	sfence.sel $0x180000  }
0xd2: {  	[bflag:$0x0] =	sbarrier.arrive $0xFFFF  }
0xd3: {  	_ =	strace $0x9000004A  }
0xd4: {  	[bflag:$0x2] =	sbarrier.arrive $0xFFFF  }
0xd5: {  	p0 =	sne.s32 s1, $0x0;
	s0 =	rddreg [dreg:$0x3]  }
0xd6: {  	s0 =	sadd.s32 @!p0 $0x100000, s0  }
0xd7: {  	[sflag:s0] =	ssyncadd.tile.s32 @!p0 $0x1;
	_ =	shalt  }
.Lfunc_end2:
_tile_overlayer_lowered:
.L_overlay_start_2:
0xd8: {  	(tag) =	ssettag $0x2  }
0xd9: {  	s0 =	rddreg [dreg:$0x0];
	s2 =	stileid.u32  }
0xda: {  	s1 =	rddreg [dreg:$0x1];
	p0 =	sne.s32 s2, $0x0  }
0xdb: {  	s3 =	rddreg [dreg:$0x2];
	[bflag:$0x3] =	sbarrier.arrive $0xFFFF;
	s2 =	simm.s32 @!p0 $0x1C03  }
0xdc: {  	[timem:s3], [sflag:s2] =	dma.local @!p0 [hbm:s0], s1  }
0xdd: {  	s0 =	simm.s32 @!p0 $0x3  }
0xde: {  	_ =	swait.ge @!p0 [sflag:s0], s1  }
0xdf: {  	s1 =	ssub.s32 @!p0 $0x0, s1;
	[sflag:s0] =	ssyncset.done @!p0 $0x0  }
0xe0: {  	[sflag:s0] =	ssyncadd.s32 @!p0 s1  }
0xe1: {  	[bflag:$0x3] =	sbarrier.arrive $0xFFFF  }
0xe2: {  	_ =	shalt  }

// kernel: kernel.14.cloned.1.call-start
scs
__scs_entry_jumppad:
0x0: {  	(pc) =	sbr.rel $0x88, $3  }
0x1: {  	(tag) =	ssettag $0x0;
	lr =	simm.s32 $0x1  }
0x2: {  	[smem:$0x3F9B] =	sst lr;
	_ =	strace $0xD0000000  }
0x3: {  	_ = 	snop  }
0x4: {  	_ = 	snop  }
0x5: {  	_ = 	snop  }
0x6: {  	_ = 	snop  }
0x7: {  	_ = 	snop  }
__scs_overlays_trampoline_lowered:
0x8: {  	[smem:$0x3FAA] =	sst s0  }
0x9: {  	[smem:$0x3FAB] =	sst s1  }
0xa: {  	[smem:$0x3FAC] =	sst s2  }
0xb: {  	[smem:$0x3FAD] =	sst s3  }
0xc: {  	[smem:$0x3FAE] =	sst s4  }
0xd: {  	[smem:$0x3FAF] =	sst s5  }
0xe: {  	[smem:$0x3FB0] =	sst s6  }
0xf: {  	[smem:$0x3FB1] =	sst s7  }
0x10: {  	[smem:$0x3FB2] =	sst s8  }
0x11: {  	[smem:$0x3FB3] =	sst s9;
	s0 =	simm.s32 @!p0 $0x0  }
0x12: {  	s1 =	sld [smem:$0x3F99];
	s0 =	simm.s32 @p0 $0x1  }
0x13: {  	[smem:$0x3FB4] =	sst s0;
	s0 =	simm.s32 @!p1 $0x0  }
0x14: {  	s2 =	sld [smem:$0x3F98];
	s0 =	simm.s32 @p1 $0x1  }
0x15: {  	[smem:$0x3FB5] =	sst s0;
	s0 =	simm.s32 @!p2 $0x0  }
0x16: {  	s3 =	sld [smem:$0x3FDB];
	s0 =	simm.s32 @p2 $0x1  }
0x17: {  	s4 =	simm.s32 $0x1BF5;
	[smem:$0x3FB7] =	sst s0  }
0x18: {  	s0 =	sld [smem:$0x3F9A];
	_ =	swait.ge [sflag:s4], $0x0  }
0x19: {  	s7 =	sld [smem:$0x3F9B]  }
0x1a: {  	s8 =	sadd.s32 $0xFFFFE003, lr  }
0x1b: {  	s9 =	sadd.s32 $0xFFFFFEF7, lr;
	s5 =	simm.s32 $0xFFFFFFFF;
	p2 =	slt.u32 s8, $0xFFFFF086  }
0x1c: {  	p1 =	slt.u32 s9, $0xF7A;
	s5 =	simm.s32 @!p2 $0x0  }
0x1d: {  	s5 =	simm.s32 @p1 $0x1;
	p0 =	seq.s32 s7, s2  }
0x1e: {  	s7 =	smul.u32 @!p0 $0xF7A, s2;
	p2 =	seq.s32 @!p0 s5, $0x0  }
0x1f: {  	s9 =	smul.u32 $0xF7A, s1;
	s8 =	simm.s32 @!p0 $0x1BF5;
	p2 =	por !p2, p0  }
0x20: {  	[sflag:s8] =	ssyncset.s32 @!p0 $0xFFFFF086;
	s6 =	sadd.s32 @!p0 s3, s7;
	s7 =	simm.s32 @!p0 $0x108  }
0x21: {  	s3 =	sadd.s32 s3, s9;
	s6 =	sadd.s32 @!p0 $0x88, s6;
	s7 =	simm.s32 @p2 $0x1082  }
0x22: {  	[simem:s7], [sflag:s8] =	dma.local @!p0 [hbm:s6], $0xF7A  }
0x23: {  	s9 =	sor.u32 $0xD0000000, s2;
	s6 =	simm.s32 $0x108;
	_ =	swait.ge @!p0 [sflag:s8], $0x0  }
0x24: {  	s3 =	sadd.s32 $0x88, s3;
	s6 =	simm.s32 @!p1 $0x1082;
	[sflag:s4] =	ssyncset.s32 $0xFFFFF086  }
0x25: {  	[simem:s6], [sflag:s4] =	dma.local [hbm:s3], $0xF7A  }
0x26: {  	[smem:$0x3F9B] =	sst s1;
	(tag) =	ssettag s2;
	_ =	strace s9  }
0x27: {  	s1 =	sld [smem:$0x3FAB]  }
0x28: {  	s2 =	sld [smem:$0x3FAC]  }
0x29: {  	s4 =	sld [smem:$0x3FAE]  }
0x2a: {  	p0 =	seq.s32 s5, $0x0;
	s5 =	sld [smem:$0x3FAF]  }
0x2b: {  	s6 =	sld [smem:$0x3FB0]  }
0x2c: {  	s7 =	sld [smem:$0x3FB1]  }
0x2d: {  	s3 =	simm.s32 $0x108;
	s8 =	sld [smem:$0x3FB2]  }
0x2e: {  	s3 =	simm.s32 @!p0 $0x1082;
	s9 =	sld [smem:$0x3FB3]  }
0x2f: {  	lr =	sadd.s32 s0, s3;
	s0 =	sld [smem:$0x3FAA]  }
0x30: {  	s3 =	sld [smem:$0x3FAD]  }
0x31: {  	[smem:$0x3FB6] =	sst s10  }
0x32: {  	s10 =	sld [smem:$0x3FB4];
	_ =	sdelay $0x3  }
0x33: {  	p0 =	seq.s32 s10, $0x1;
	s10 =	sld [smem:$0x3FB6];
	_ =	sdelay $0x3  }
0x34: {  	[smem:$0x3FB6] =	sst s10  }
0x35: {  	s10 =	sld [smem:$0x3FB5];
	_ =	sdelay $0x3  }
0x36: {  	p1 =	seq.s32 s10, $0x1;
	s10 =	sld [smem:$0x3FB6];
	_ =	sdelay $0x3  }
0x37: {  	[smem:$0x3FB6] =	sst s10  }
0x38: {  	s10 =	sld [smem:$0x3FB7]  }
0x39: {  	_ = 	snop;
	(pc) =	sbr.ind lr, $3  }
0x3a: {  	_ = 	snop  }
0x3b: {  	_ = 	snop  }
0x3c: {  	p2 =	seq.s32 s10, $0x1;
	s10 =	sld [smem:$0x3FB6]  }
0x3d: {  	_ =	shalt  }
0x3e: {  	_ =	shalt  }
0x3f: {  	_ =	shalt  }
0x40: {  	_ =	shalt  }
0x41: {  	_ =	shalt  }
0x42: {  	_ =	shalt  }
0x43: {  	_ =	shalt  }
0x44: {  	_ =	shalt  }
0x45: {  	_ =	shalt  }
0x46: {  	_ =	shalt  }
0x47: {  	_ =	shalt  }
0x48: {  	_ =	shalt  }
0x49: {  	_ =	shalt  }
0x4a: {  	_ =	shalt  }
0x4b: {  	_ =	shalt  }
0x4c: {  	_ =	shalt  }
0x4d: {  	_ =	shalt  }
0x4e: {  	_ =	shalt  }
0x4f: {  	_ =	shalt  }
0x50: {  	_ =	shalt  }
0x51: {  	_ =	shalt  }
0x52: {  	_ =	shalt  }
0x53: {  	_ =	shalt  }
0x54: {  	_ =	shalt  }
0x55: {  	_ =	shalt  }
0x56: {  	_ =	shalt  }
0x57: {  	_ =	shalt  }
0x58: {  	_ =	shalt  }
0x59: {  	_ =	shalt  }
0x5a: {  	_ =	shalt  }
0x5b: {  	_ =	shalt  }
0x5c: {  	_ =	shalt  }
0x5d: {  	_ =	shalt  }
0x5e: {  	_ =	shalt  }
0x5f: {  	_ =	shalt  }
0x60: {  	_ =	shalt  }
0x61: {  	_ =	shalt  }
0x62: {  	_ =	shalt  }
0x63: {  	_ =	shalt  }
0x64: {  	_ =	shalt  }
0x65: {  	_ =	shalt  }
0x66: {  	_ =	shalt  }
0x67: {  	_ =	shalt  }
0x68: {  	_ =	shalt  }
0x69: {  	_ =	shalt  }
0x6a: {  	_ =	shalt  }
0x6b: {  	_ =	shalt  }
0x6c: {  	_ =	shalt  }
0x6d: {  	_ =	shalt  }
0x6e: {  	_ =	shalt  }
0x6f: {  	_ =	shalt  }
0x70: {  	_ =	shalt  }
0x71: {  	_ =	shalt  }
0x72: {  	_ =	shalt  }
0x73: {  	_ =	shalt  }
0x74: {  	_ =	shalt  }
0x75: {  	_ =	shalt  }
0x76: {  	_ =	shalt  }
0x77: {  	_ =	shalt  }
0x78: {  	_ =	shalt  }
0x79: {  	_ =	shalt  }
0x7a: {  	_ =	shalt  }
0x7b: {  	_ =	shalt  }
0x7c: {  	_ =	shalt  }
0x7d: {  	_ =	shalt  }
0x7e: {  	_ =	shalt  }
0x7f: {  	_ =	shalt  }
0x80: {  	_ =	shalt  }
0x81: {  	_ =	shalt  }
0x82: {  	_ =	shalt  }
0x83: {  	_ =	shalt  }
0x84: {  	_ =	shalt  }
0x85: {  	_ =	shalt  }
0x86: {  	_ =	shalt  }
0x87: {  	_ =	shalt  }
.Lfunc_end0:
.L_simem_size_0:
called_computation.2_lowered:
.L_overlay_start_0:
0x88: {  	s2 =	sld [smem:$0x3FD9]  }
0x89: {  	s3 =	sld [smem:$0x3FFE];
	_ =	sdelay $0x1  }
0x8a: {  	s1 =	srdreg.scid  }
0x8b: {  	s0 =	sand.u32 $0x1, s1  }
0x8c: {  	s17 =	sshll.u32 s0, $0xA;
	s2 =	sadd.s32 s3, s2  }
0x8d: {  	s2 =	sadd.s32 s2, s17  }
0x8e: {  	[smem:$0x3FC2] =	sst s2  }
0x8f: {  	_ = 	snop  }
0x90: {  	s2 =	sld [smem:$0x3FD0];
	(tm) =	ssettm $0x1  }
0x91: {  	s18 =	sld [smem:$0x3FFB];
	_ =	sdelay $0x3  }
0x92: {  	_ =	strace s18  }
0x93: {  	s3 =	sld [smem:$0x3FFC];
	_ =	sdelay $0x3  }
0x94: {  	_ =	strace s3  }
0x95: {  	s3 =	sld [smem:$0x3FFD];
	_ =	sdelay $0x3  }
0x96: {  	_ =	strace s3  }
0x97: {  	_ =	strace $0x8FFFFFFF  }
0x98: {  	s19 =	sld [smem:$0x3FDB];
	_ =	sdelay $0x1  }
0x99: {  	s4 =	simm.s32 $_scs_section_size  }
0x9a: {  	s5 =	simm.s32 $_size__tile_overlayer_lowered;
	s6 =	simm.s32 $_tile_overlayer_lowered  }
0x9b: {  	s22 =	simm.s32 $0x1BFF;
	s21 =	sshll.u32 s6, $0x1;
	s3 =	sadd.s32 s4, s19  }
0x9c: {  	s7 =	simm.s32 $0x0;
	s20 =	sshll.u32 s5, $0x1;
	s5 =	sadd.s32 s21, s3  }
0x9d: {  	[timem:s7], [sflag:s22] =	dma.local [hbm:s5], s20  }
0x9e: {  	_ =	swait.ge [sflag:s22], s20  }
0x9f: {  	s4 =	ssub.s32 $0x0, s20;
	[sflag:s22] =	ssyncset.done $0x0  }
0xa0: {  	[sflag:s22] =	ssyncadd.s32 s4;
	_ =	sdelay $0x1  }
0xa1: {  	s23 =	simm.s32 $0x1B8B  }
0xa2: {  	_ =	swait.ge [sflag:s23], $0x1  }
0xa3: {  	[sflag:s23] =	ssyncset.done $0x0  }
0xa4: {  	s25 =	simm.s32 $0x1B8E;
	s24 =	sld [smem:$0x3FFE];
	[sflag:s23] =	ssyncadd.s32 $0xFFFFFFFF  }
0xa5: {  	s26 =	simm.s32 $execute0_lowered;
	[smem:$0x3FD2] =	sst s25  }
0xa6: {  	s5 =	sshll.u32 s26, $0x1;
	_ =	strace $0x8000004C;
	[dreg:$0x1] =	wrdreg $0xFFFFFFFF  }
0xa7: {  	s28 =	simm.s32 $_size_execute0_lowered;
	s3 =	sadd.s32 s3, s5;
	[dreg:$0x0] =	wrdreg $0x0  }
0xa8: {  	s5 =	sshll.u32 s28, $0x1;
	[dreg:$0x2] =	wrdreg s3  }
0xa9: {  	[dreg:$0x3] =	wrdreg s5  }
0xaa: {  	[dreg:$0x4] =	wrdreg $0xC0  }
0xab: {  	_ =	task [dreg:s7], $0x5FFFF  }
0xac: {  	[dreg:$0x1] =	wrdreg $0xFFFFFFFF  }
0xad: {  	[dreg:$0x0] =	wrdreg $0x60  }
0xae: {  	[dreg:$0x2] =	wrdreg s24  }
0xaf: {  	[dreg:$0x3] =	wrdreg s2  }
0xb0: {  	[dreg:$0x4] =	wrdreg $0x0  }
0xb1: {  	[dreg:$0x5] =	wrdreg $0x9  }
0xb2: {  	_ =	task.clear_ibuf [dreg:s7], $0x6FFFF;
	_ =	strace $0x9000004C  }
0xb3: {  	s29 =	simm.s32 $0x9;
	_ =	strace $0x8000004E  }
0xb4: {  	_ =	swait.ge [sflag:s29], $0x1  }
0xb5: {  	[sflag:s29] =	ssyncadd.s32 $0xFFFFFFFF  }
0xb6: {  	_ =	strace $0x9000004E  }
0xb7: {  	_ =	sfence  }
0xb8: {  	s30 =	sld [smem:$0x0];
	_ =	sdelay $0x2  }
0xb9: {  	s31 =	sshll.u32 s1, $0xD;
	s1 =	sshrl.u32 s1, $0x2  }
0xba: {  	s3 =	sand.u32 $0x4000, s31;
	s1 =	sadd.s32 s1, s30  }
0xbb: {  	s0 =	sor.u32 s3, s0;
	s1 =	sshll.u32 s1, $0x11  }
0xbc: {  	s0 =	sor.u32 s1, s0  }
0xbd: {  	s0 =	sadd.s32 $0x8F2B, s0  }
0xbe: {  	[sflag:s0] =	ssyncadd.remote.s32 $0x1  }
0xbf: {  	_ =	sfence.sel $0xFFFF  }
0xc0: {  	[dreg:$0x0] =	wrdreg $0xFFFFFFFF;
	(pc) =	sbr.abs _section_cstart, $3  }
0xc1: {  	[dreg:$0x1] =	wrdreg $0xFFFFFFFF  }
0xc2: {  	_ =	task.clear_ibuf [dreg:s7], $0x2FFFF;
	_ =	strace $0x9FFFFFFF  }
0xc3: {  	(tm) =	ssettm $0x7FFFFFFF  }
tec
execute0_lowered:
.L_overlay_start_1:
0x0: {  	(tag) =	ssettag $0x1  }
0x1: {  	s0 =	srdreg.scid;
	s1 =	rddreg [dreg:$0x0]  }
0x2: {  	s4 =	stileid.u32;
	s11 =	rddreg [dreg:$0x1];
	s14 =	simm.s32 $0xF000  }
0x3: {  	s15 =	simm.s32 $0x9;
	s16 =	simm.s32 $0xA000;
	s18 =	simm.s32 $0x80  }
0x4: {  	s20 =	simm.s32 $0x11000;
	s22 =	simm.s32 $0x13000;
	s24 =	simm.s32 $0x15000  }
0x5: {  	s25 =	simm.s32 $0x1;
	s28 =	simm.s32 $0x3;
	s29 =	simm.s32 $0x4  }
0x6: {  	s30 =	simm.s32 $0x5;
	s31 =	simm.s32 $0x6;
	s5 =	smul.u32 $0xA000, s4  }
0x7: {  	s23 =	simm.s32 $0xEF80;
	s0 =	sand.u32 $0x1, s0;
	s7 =	smul.u32 $0x28000, s4  }
0x8: {  	s2 =	sshll.u32 s0, $0x4;
	s6 =	smul.u32 $0xA0000, s0;
	s0 =	ssub.s32 $0x2, s0  }
0x9: {  	s3 =	sor.u32 s4, s2;
	s2 =	rddreg [dreg:$0x2];
	s4 =	sadd.s32 $0xC000, s1  }
0xa: {  	s7 =	sshrl.u32 s7, $0x2;
	s26 =	sshrl.u32 s0, $0x1;
	s12 =	smul.u32 $0x500, s3  }
0xb: {  	s3 =	simm.s32 $0x0;
	s6 =	sadd.s32 s5, s6;
	s9 =	sadd.s32 s7, s2  }
0xc: {  	s0 =	ssub.s32 s0, s26;
	s5 =	sadd.s32 s5, s2;
	s26 =	simm.s32 $0x2  }
0xd: {  	[smem:$0x7FF] =	sst s3;
	s6 =	sshrl.u32 s6, $0x3;
	s7 =	sadd.s32 $0x4000, s9  }
0xe: {  	s8 =	sadd.s32 $0x6000, s9;
	s13 =	smax.u32 s0, $0x1;
	s0 =	simm.s32 $0x8  }
0xf: {  	_ =	strace $0x8000004D;
	s10 =	sadd.s32 s12, s1;
	s1 =	sadd.s32 s6, s1  }
0x10: {  	s6 =	sadd.s32 $0x2000, s9;
	s9 =	sadd.s32 $0x8000, s9;
	s11 =	sadd.s32 s11, s12  }
0x11: {  	v0 =	vimm.f32 $0.0e+00;
	s10 =	sadd.s32 $0x2000, s10;
	s12 =	sadd.s32 $0x20000, s1;
	s1 =	simm.s32 $0x7  }
.LBB2_1:
0x12: {  	s19 =	simm.s32 $0x100;
	s17 =	simm.s32 $0x0  }
.LBB2_2:
0x13: {  	p0 =	sne.s32 s19, $0x7F00;
	[tilespmem:s17+$0xF030] =	vst v0;
	s21 =	smov.u32 s19;
	s19 =	sadd.s32 $0x100, s19  }
.Ltmp0:
0x14: {  	[tilespmem:s17+$0xF020] =	vst v0;
	(pc) =	sbr.rel @p0 .LBB2_2-.Ltmp0, $3  }
0x15: {  	[tilespmem:s17+$0xF000] =	vst v0  }
0x16: {  	[tilespmem:s17+$0xF010] =	vst v0;
	_ =	sdelay $0x1  }
0x17: {  	s17 =	sshra.s32 s21, $0x2  }
0x18: {  	[tilespmem:s17+$0xF030] =	vst v0  }
0x19: {  	[tilespmem:s17+$0xF020] =	vst v0  }
0x1a: {  	[tilespmem:s17+$0xF000] =	vst v0  }
0x1b: {  	[tilespmem:s17+$0xF010] =	vst v0  }
0x1c: {  	[spmem:s5] =	stream.linear.scatter [tilespmem:s14], [sflag:$0x9], $0x2000, $0x38;
	[tilespmem:$0x17000] =	vst v63  }
0x1d: {  	_ =	swait.ge [sflag:s15], $0x2000  }
0x1e: {  	[sflag:s15] =	ssyncset.done $0x0  }
0x1f: {  	[sflag:s15] =	ssyncadd.s32 $0xFFFFE000  }
0x20: {  	[spmem:s6] =	stream.linear.scatter [tilespmem:s14], [sflag:$0x9], $0x2000, $0x38;
	[tilespmem:$0x17000] =	vst v63  }
0x21: {  	_ =	swait.ge [sflag:s15], $0x2000  }
0x22: {  	[sflag:s15] =	ssyncset.done $0x0  }
0x23: {  	[sflag:s15] =	ssyncadd.s32 $0xFFFFE000  }
0x24: {  	[spmem:s7] =	stream.linear.scatter [tilespmem:s14], [sflag:$0x9], $0x2000, $0x38;
	[tilespmem:$0x17000] =	vst v63  }
0x25: {  	_ =	swait.ge [sflag:s15], $0x2000  }
0x26: {  	[sflag:s15] =	ssyncset.done $0x0  }
0x27: {  	[sflag:s15] =	ssyncadd.s32 $0xFFFFE000  }
0x28: {  	[spmem:s8] =	stream.linear.scatter [tilespmem:s14], [sflag:$0x9], $0x2000, $0x38;
	[tilespmem:$0x17000] =	vst v63  }
0x29: {  	_ =	swait.ge [sflag:s15], $0x2000  }
0x2a: {  	[sflag:s15] =	ssyncset.done $0x0  }
0x2b: {  	[sflag:s15] =	ssyncadd.s32 $0xFFFFE000  }
0x2c: {  	[spmem:s9] =	stream.linear.scatter [tilespmem:s14], [sflag:$0x9], $0x2000, $0x38;
	[tilespmem:$0x17000] =	vst v63  }
0x2d: {  	_ =	swait.ge [sflag:s15], $0x2000  }
0x2e: {  	[sflag:s15] =	ssyncset.done $0x0  }
0x2f: {  	[sflag:s15] =	ssyncadd.s32 $0xFFFFE000  }
0x30: {  	s21 =	simm.s32 $0x0;
	[bflag:$0x0] =	sbarrier.arrive $0xFFFF  }
0x31: {  	[tilespmem:s16], [sflag:$0x9] =	stream.linear.gather [hbm4b:s10+s21], $0x2800, $0x38;
	[tilespmem:$0x17000] =	vst v63  }
0x32: {  	_ =	swait.ge [sflag:s15], $0x2800  }
0x33: {  	[sflag:s15] =	ssyncset.done $0x0  }
0x34: {  	s19 =	simm.s32 $0xC800;
	[sflag:s15] =	ssyncadd.s32 $0xFFFFD800  }
0x35: {  	[tilespmem:s19], [sflag:$0x9] =	stream.linear.gather [hbm4b:s11+s21], $0x2800, $0x38;
	[tilespmem:$0x17000] =	vst v63  }
0x36: {  	_ =	swait.ge [sflag:s15], $0x2800  }
0x37: {  	[sflag:s15] =	ssyncset.done $0x0  }
0x38: {  	[sflag:s15] =	ssyncadd.s32 $0xFFFFD800  }
0x39: {  	[tilespmem:s14], [sflag:$0x1] =	stream.indirect.gather [hbm4b:s4+s18], $0x40, s16, s18, $0xb8;
	[tilespmem:$0x17000] =	vst v63  }
0x3a: {  	s19 =	simm.s32 $0xA080  }
0x3b: {  	[tilespmem:s20], [sflag:$0x2] =	stream.indirect.gather [hbm4b:s4+s18], $0x40, s19, s18, $0xb8;
	[tilespmem:$0x17000] =	vst v63  }
0x3c: {  	s21 =	simm.s32 $0xA100  }
0x3d: {  	[tilespmem:s22], [sflag:$0x3] =	stream.indirect.gather [hbm4b:s4+s18], $0x40, s21, s18, $0xb8;
	[tilespmem:$0x17000] =	vst v63  }
0x3e: {  	s19 =	simm.s32 $0xA180  }
0x3f: {  	[tilespmem:s24], [sflag:$0x4] =	stream.indirect.gather [hbm4b:s4+s18], $0x40, s19, s18, $0xb8;
	[tilespmem:$0x17000] =	vst v63  }
0x40: {  	_ =	swait.ge [sflag:s25], $0x2000  }
0x41: {  	[sflag:s25] =	ssyncset.done $0x0  }
0x42: {  	s21 =	simm.s32 $0xC800;
	[sflag:s25] =	ssyncadd.s32 $0xFFFFE000  }
0x43: {  	[spmem:s2] =	stream.indirect.scatter.add.f32 [tilespmem:s14], [sflag:$0x5], $0x40, s21, s18, $0xb8;
	[tilespmem:$0x17000] =	vst v63  }
0x44: {  	_ =	swait.ge [sflag:s26], $0x2000  }
0x45: {  	[sflag:s26] =	ssyncset.done $0x0  }
0x46: {  	s19 =	simm.s32 $0xC880;
	[sflag:s26] =	ssyncadd.s32 $0xFFFFE000  }
0x47: {  	[spmem:s2] =	stream.indirect.scatter.add.f32 [tilespmem:s20], [sflag:$0x6], $0x40, s19, s18, $0xb8;
	[tilespmem:$0x17000] =	vst v63  }
0x48: {  	_ =	swait.ge [sflag:s28], $0x2000  }
0x49: {  	[sflag:s28] =	ssyncset.done $0x0  }
0x4a: {  	s21 =	simm.s32 $0xC900;
	[sflag:s28] =	ssyncadd.s32 $0xFFFFE000  }
0x4b: {  	[spmem:s2] =	stream.indirect.scatter.add.f32 [tilespmem:s22], [sflag:$0x7], $0x40, s21, s18, $0xb8;
	[tilespmem:$0x17000] =	vst v63  }
0x4c: {  	_ =	swait.ge [sflag:s29], $0x2000  }
0x4d: {  	[sflag:s29] =	ssyncset.done $0x0  }
0x4e: {  	s19 =	simm.s32 $0xC980;
	[sflag:s29] =	ssyncadd.s32 $0xFFFFE000  }
0x4f: {  	[spmem:s2] =	stream.indirect.scatter.add.f32 [tilespmem:s24], [sflag:$0x8], $0x40, s19, s18, $0xb8;
	[tilespmem:$0x17000] =	vst v63  }
0x50: {  	_ =	swait.ge [sflag:s30], $0x2000  }
0x51: {  	[sflag:s30] =	ssyncset.done $0x0  }
0x52: {  	s21 =	simm.s32 $0xA200;
	[sflag:s30] =	ssyncadd.s32 $0xFFFFE000  }
0x53: {  	[tilespmem:s14], [sflag:$0x1] =	stream.indirect.gather [hbm4b:s4+s18], $0x40, s21, s18, $0xb8;
	[tilespmem:$0x17000] =	vst v63  }
0x54: {  	_ =	swait.ge [sflag:s31], $0x2000  }
0x55: {  	[sflag:s31] =	ssyncset.done $0x0  }
0x56: {  	s19 =	simm.s32 $0xA280;
	[sflag:s31] =	ssyncadd.s32 $0xFFFFE000  }
0x57: {  	[tilespmem:s20], [sflag:$0x2] =	stream.indirect.gather [hbm4b:s4+s18], $0x40, s19, s18, $0xb8;
	[tilespmem:$0x17000] =	vst v63  }
0x58: {  	_ =	swait.ge [sflag:s1], $0x2000  }
0x59: {  	[sflag:s1] =	ssyncset.done $0x0  }
0x5a: {  	s21 =	simm.s32 $0xA300;
	[sflag:s1] =	ssyncadd.s32 $0xFFFFE000  }
0x5b: {  	[tilespmem:s22], [sflag:$0x3] =	stream.indirect.gather [hbm4b:s4+s18], $0x40, s21, s18, $0xb8;
	[tilespmem:$0x17000] =	vst v63  }
0x5c: {  	_ =	swait.ge [sflag:s0], $0x2000  }
0x5d: {  	[sflag:s0] =	ssyncset.done $0x0  }
0x5e: {  	s17 =	simm.s32 $0x800;
	s19 =	simm.s32 $0xA380;
	[sflag:s0] =	ssyncadd.s32 $0xFFFFE000  }
.LBB2_4:
0x5f: {  	[tilespmem:s24], [sflag:$0x4] =	stream.indirect.gather [hbm4b:s4+s18], $0x40, s19, s18, $0xb8;
	[tilespmem:$0x17000] =	vst v63  }
0x60: {  	s19 =	smov.u32 s17  }
0x61: {  	p0 =	sne.s32 s17, $0x9000;
	s17 =	sadd.s32 $0x800, s17;
	_ =	swait.ge [sflag:s25], $0x2000  }
0x62: {  	s19 =	sshra.s32 s19, $0x2;
	[sflag:s25] =	ssyncset.done $0x0  }
0x63: {  	s21 =	sadd.s32 $0xC800, s19;
	[sflag:s25] =	ssyncadd.s32 $0xFFFFE000  }
0x64: {  	[spmem:s2] =	stream.indirect.scatter.add.f32 [tilespmem:s14], [sflag:$0x5], $0x40, s21, s18, $0xb8;
	[tilespmem:$0x17000] =	vst v63  }
0x65: {  	_ =	swait.ge [sflag:s26], $0x2000  }
0x66: {  	[sflag:s26] =	ssyncset.done $0x0  }
0x67: {  	s21 =	sadd.s32 $0xC880, s19;
	[sflag:s26] =	ssyncadd.s32 $0xFFFFE000  }
0x68: {  	[spmem:s2] =	stream.indirect.scatter.add.f32 [tilespmem:s20], [sflag:$0x6], $0x40, s21, s18, $0xb8;
	[tilespmem:$0x17000] =	vst v63  }
0x69: {  	_ =	swait.ge [sflag:s28], $0x2000  }
0x6a: {  	[sflag:s28] =	ssyncset.done $0x0  }
0x6b: {  	s21 =	sadd.s32 $0xC900, s19;
	[sflag:s28] =	ssyncadd.s32 $0xFFFFE000  }
0x6c: {  	[spmem:s2] =	stream.indirect.scatter.add.f32 [tilespmem:s22], [sflag:$0x7], $0x40, s21, s18, $0xb8;
	[tilespmem:$0x17000] =	vst v63  }
0x6d: {  	_ =	swait.ge [sflag:s29], $0x2000  }
0x6e: {  	[sflag:s29] =	ssyncset.done $0x0  }
0x6f: {  	s21 =	sadd.s32 $0xC980, s19;
	[sflag:s29] =	ssyncadd.s32 $0xFFFFE000  }
0x70: {  	[spmem:s2] =	stream.indirect.scatter.add.f32 [tilespmem:s24], [sflag:$0x8], $0x40, s21, s18, $0xb8;
	[tilespmem:$0x17000] =	vst v63  }
0x71: {  	_ =	swait.ge [sflag:s30], $0x2000  }
0x72: {  	[sflag:s30] =	ssyncset.done $0x0  }
0x73: {  	s21 =	sadd.s32 $0xA200, s19;
	[sflag:s30] =	ssyncadd.s32 $0xFFFFE000  }
0x74: {  	[tilespmem:s14], [sflag:$0x1] =	stream.indirect.gather [hbm4b:s4+s18], $0x40, s21, s18, $0xb8;
	[tilespmem:$0x17000] =	vst v63  }
0x75: {  	_ =	swait.ge [sflag:s31], $0x2000  }
0x76: {  	[sflag:s31] =	ssyncset.done $0x0  }
0x77: {  	s21 =	sadd.s32 $0xA280, s19;
	[sflag:s31] =	ssyncadd.s32 $0xFFFFE000  }
0x78: {  	[tilespmem:s20], [sflag:$0x2] =	stream.indirect.gather [hbm4b:s4+s18], $0x40, s21, s18, $0xb8;
	[tilespmem:$0x17000] =	vst v63  }
0x79: {  	_ =	swait.ge [sflag:s1], $0x2000  }
0x7a: {  	[sflag:s1] =	ssyncset.done $0x0  }
.Ltmp1:
0x7b: {  	s21 =	sadd.s32 $0xA300, s19;
	[sflag:s1] =	ssyncadd.s32 $0xFFFFE000;
	(pc) =	sbr.rel @p0 .LBB2_4-.Ltmp1, $4  }
0x7c: {  	[tilespmem:s22], [sflag:$0x3] =	stream.indirect.gather [hbm4b:s4+s18], $0x40, s21, s18, $0xb8;
	[tilespmem:$0x17000] =	vst v63  }
0x7d: {  	_ =	swait.ge [sflag:s0], $0x2000  }
0x7e: {  	[sflag:s0] =	ssyncset.done $0x0  }
0x7f: {  	s19 =	sadd.s32 $0xA380, s19;
	[sflag:s0] =	ssyncadd.s32 $0xFFFFE000  }
0x80: {  	[tilespmem:s24], [sflag:$0x4] =	stream.indirect.gather [hbm4b:s4+s18], $0x40, s19, s18, $0xb8;
	[tilespmem:$0x17000] =	vst v63  }
0x81: {  	_ =	swait.ge [sflag:s25], $0x2000  }
0x82: {  	[sflag:s25] =	ssyncset.done $0x0  }
0x83: {  	s17 =	simm.s32 $0xEE00;
	[sflag:s25] =	ssyncadd.s32 $0xFFFFE000  }
0x84: {  	[spmem:s2] =	stream.indirect.scatter.add.f32 [tilespmem:s14], [sflag:$0x5], $0x40, s17, s18, $0xb8;
	[tilespmem:$0x17000] =	vst v63  }
0x85: {  	_ =	swait.ge [sflag:s26], $0x2000  }
0x86: {  	[sflag:s26] =	ssyncset.done $0x0  }
0x87: {  	s19 =	simm.s32 $0xEE80;
	[sflag:s26] =	ssyncadd.s32 $0xFFFFE000  }
0x88: {  	[spmem:s2] =	stream.indirect.scatter.add.f32 [tilespmem:s20], [sflag:$0x6], $0x40, s19, s18, $0xb8;
	[tilespmem:$0x17000] =	vst v63  }
0x89: {  	_ =	swait.ge [sflag:s28], $0x2000  }
0x8a: {  	[sflag:s28] =	ssyncset.done $0x0  }
0x8b: {  	s21 =	simm.s32 $0xEF00;
	[sflag:s28] =	ssyncadd.s32 $0xFFFFE000  }
0x8c: {  	[spmem:s2] =	stream.indirect.scatter.add.f32 [tilespmem:s22], [sflag:$0x7], $0x40, s21, s18, $0xb8;
	[tilespmem:$0x17000] =	vst v63  }
0x8d: {  	_ =	swait.ge [sflag:s29], $0x2000  }
0x8e: {  	[sflag:s29] =	ssyncset.done $0x0  }
0x8f: {  	[sflag:s29] =	ssyncadd.s32 $0xFFFFE000  }
0x90: {  	[spmem:s2] =	stream.indirect.scatter.add.f32 [tilespmem:s24], [sflag:$0x8], $0x40, s23, s18, $0xb8;
	[tilespmem:$0x17000] =	vst v63  }
0x91: {  	_ =	swait.ge [sflag:s30], $0x2000  }
0x92: {  	[sflag:s30] =	ssyncset.done $0x0  }
0x93: {  	[sflag:s30] =	ssyncadd.s32 $0xFFFFE000  }
0x94: {  	_ =	swait.ge [sflag:s31], $0x2000  }
0x95: {  	[sflag:s31] =	ssyncset.done $0x0  }
0x96: {  	[sflag:s31] =	ssyncadd.s32 $0xFFFFE000  }
0x97: {  	_ =	swait.ge [sflag:s1], $0x2000  }
0x98: {  	[sflag:s1] =	ssyncset.done $0x0  }
0x99: {  	[sflag:s1] =	ssyncadd.s32 $0xFFFFE000  }
0x9a: {  	s19 =	stileid.u32;
	_ =	swait.ge [sflag:s0], $0x2000  }
0x9b: {  	s3 =	sadd.s32 $0x1, s3;
	s17 =	sshll.u32 s19, $0x6;
	[sflag:s0] =	ssyncset.done $0x0  }
0x9c: {  	p0 =	sne.s32 s3, s13;
	s17 =	sor.u32 $0x1C09, s17;
	[sflag:s0] =	ssyncadd.s32 $0xFFFFE000  }
.Ltmp2:
0x9d: {  	s21 =	sshrl.u32 s5, $0x3;
	[bflag:$0x0] =	sbarrier.arrive $0xFFFF;
	(pc) =	sbr.rel @p0 .LBB2_1-.Ltmp2, $4  }
0x9e: {  	[hbm:s12], [sflag:s17] =	dma.local [spmem:s21], $0x1400  }
0x9f: {  	_ =	swait.ge [sflag:s15], $0x1400  }
0xa0: {  	[sflag:s15] =	ssyncset.done $0x0  }
0xa1: {  	[sflag:s15] =	ssyncadd.s32 $0xFFFFEC00  }
0xa2: {  	_ =	sfence.sel $0x180000  }
0xa3: {  	[bflag:$0x0] =	sbarrier.arrive $0xFFFF  }
0xa4: {  	_ =	strace $0x9000004D  }
0xa5: {  	s0 =	stileid.u32;
	[bflag:$0x2] =	sbarrier.arrive $0xFFFF  }
0xa6: {  	p0 =	sne.s32 s0, $0x0;
	s0 =	rddreg [dreg:$0x3]  }
0xa7: {  	s0 =	sadd.s32 @!p0 $0x100000, s0  }
0xa8: {  	[sflag:s0] =	ssyncadd.tile.s32 @!p0 $0x1;
	_ =	shalt  }
.Lfunc_end2:
_tile_overlayer_lowered:
.L_overlay_start_2:
0xa9: {  	(tag) =	ssettag $0x2  }
0xaa: {  	s0 =	rddreg [dreg:$0x0];
	s2 =	stileid.u32  }
0xab: {  	s1 =	rddreg [dreg:$0x1];
	p0 =	sne.s32 s2, $0x0  }
0xac: {  	s3 =	rddreg [dreg:$0x2];
	[bflag:$0x3] =	sbarrier.arrive $0xFFFF;
	s2 =	simm.s32 @!p0 $0x1C09  }
0xad: {  	[timem:s3], [sflag:s2] =	dma.local @!p0 [hbm:s0], s1  }
0xae: {  	s0 =	simm.s32 @!p0 $0x9  }
0xaf: {  	_ =	swait.ge @!p0 [sflag:s0], s1  }
0xb0: {  	s1 =	ssub.s32 @!p0 $0x0, s1;
	[sflag:s0] =	ssyncset.done @!p0 $0x0  }
0xb1: {  	[sflag:s0] =	ssyncadd.s32 @!p0 s1  }
0xb2: {  	[bflag:$0x3] =	sbarrier.arrive $0xFFFF  }
0xb3: {  	_ =	shalt  }

// kernel: kernel.8.cloned.1.call-start
scs
__scs_entry_jumppad:
0x0: {  	(pc) =	sbr.rel $0x88, $3  }
0x1: {  	(tag) =	ssettag $0x0;
	lr =	simm.s32 $0x1  }
0x2: {  	[smem:$0x3F9B] =	sst lr;
	_ =	strace $0xD0000000  }
0x3: {  	_ = 	snop  }
0x4: {  	_ = 	snop  }
0x5: {  	_ = 	snop  }
0x6: {  	_ = 	snop  }
0x7: {  	_ = 	snop  }
__scs_overlays_trampoline_lowered:
0x8: {  	[smem:$0x3FAA] =	sst s0  }
0x9: {  	[smem:$0x3FAB] =	sst s1  }
0xa: {  	[smem:$0x3FAC] =	sst s2  }
0xb: {  	[smem:$0x3FAD] =	sst s3  }
0xc: {  	[smem:$0x3FAE] =	sst s4  }
0xd: {  	[smem:$0x3FAF] =	sst s5  }
0xe: {  	[smem:$0x3FB0] =	sst s6  }
0xf: {  	[smem:$0x3FB1] =	sst s7  }
0x10: {  	[smem:$0x3FB2] =	sst s8  }
0x11: {  	[smem:$0x3FB3] =	sst s9;
	s0 =	simm.s32 @!p0 $0x0  }
0x12: {  	s1 =	sld [smem:$0x3F99];
	s0 =	simm.s32 @p0 $0x1  }
0x13: {  	[smem:$0x3FB4] =	sst s0;
	s0 =	simm.s32 @!p1 $0x0  }
0x14: {  	s2 =	sld [smem:$0x3F98];
	s0 =	simm.s32 @p1 $0x1  }
0x15: {  	[smem:$0x3FB5] =	sst s0;
	s0 =	simm.s32 @!p2 $0x0  }
0x16: {  	s3 =	sld [smem:$0x3FDB];
	s0 =	simm.s32 @p2 $0x1  }
0x17: {  	s4 =	simm.s32 $0x1BF5;
	[smem:$0x3FB7] =	sst s0  }
0x18: {  	s0 =	sld [smem:$0x3F9A];
	_ =	swait.ge [sflag:s4], $0x0  }
0x19: {  	s7 =	sld [smem:$0x3F9B]  }
0x1a: {  	s8 =	sadd.s32 $0xFFFFE003, lr  }
0x1b: {  	s9 =	sadd.s32 $0xFFFFFEF7, lr;
	s5 =	simm.s32 $0xFFFFFFFF;
	p2 =	slt.u32 s8, $0xFFFFF086  }
0x1c: {  	p1 =	slt.u32 s9, $0xF7A;
	s5 =	simm.s32 @!p2 $0x0  }
0x1d: {  	s5 =	simm.s32 @p1 $0x1;
	p0 =	seq.s32 s7, s2  }
0x1e: {  	s7 =	smul.u32 @!p0 $0xF7A, s2;
	p2 =	seq.s32 @!p0 s5, $0x0  }
0x1f: {  	s9 =	smul.u32 $0xF7A, s1;
	s8 =	simm.s32 @!p0 $0x1BF5;
	p2 =	por !p2, p0  }
0x20: {  	[sflag:s8] =	ssyncset.s32 @!p0 $0xFFFFF086;
	s6 =	sadd.s32 @!p0 s3, s7;
	s7 =	simm.s32 @!p0 $0x108  }
0x21: {  	s3 =	sadd.s32 s3, s9;
	s6 =	sadd.s32 @!p0 $0x88, s6;
	s7 =	simm.s32 @p2 $0x1082  }
0x22: {  	[simem:s7], [sflag:s8] =	dma.local @!p0 [hbm:s6], $0xF7A  }
0x23: {  	s9 =	sor.u32 $0xD0000000, s2;
	s6 =	simm.s32 $0x108;
	_ =	swait.ge @!p0 [sflag:s8], $0x0  }
0x24: {  	s3 =	sadd.s32 $0x88, s3;
	s6 =	simm.s32 @!p1 $0x1082;
	[sflag:s4] =	ssyncset.s32 $0xFFFFF086  }
0x25: {  	[simem:s6], [sflag:s4] =	dma.local [hbm:s3], $0xF7A  }
0x26: {  	[smem:$0x3F9B] =	sst s1;
	(tag) =	ssettag s2;
	_ =	strace s9  }
0x27: {  	s1 =	sld [smem:$0x3FAB]  }
0x28: {  	s2 =	sld [smem:$0x3FAC]  }
0x29: {  	s4 =	sld [smem:$0x3FAE]  }
0x2a: {  	p0 =	seq.s32 s5, $0x0;
	s5 =	sld [smem:$0x3FAF]  }
0x2b: {  	s6 =	sld [smem:$0x3FB0]  }
0x2c: {  	s7 =	sld [smem:$0x3FB1]  }
0x2d: {  	s3 =	simm.s32 $0x108;
	s8 =	sld [smem:$0x3FB2]  }
0x2e: {  	s3 =	simm.s32 @!p0 $0x1082;
	s9 =	sld [smem:$0x3FB3]  }
0x2f: {  	lr =	sadd.s32 s0, s3;
	s0 =	sld [smem:$0x3FAA]  }
0x30: {  	s3 =	sld [smem:$0x3FAD]  }
0x31: {  	[smem:$0x3FB6] =	sst s10  }
0x32: {  	s10 =	sld [smem:$0x3FB4];
	_ =	sdelay $0x3  }
0x33: {  	p0 =	seq.s32 s10, $0x1;
	s10 =	sld [smem:$0x3FB6];
	_ =	sdelay $0x3  }
0x34: {  	[smem:$0x3FB6] =	sst s10  }
0x35: {  	s10 =	sld [smem:$0x3FB5];
	_ =	sdelay $0x3  }
0x36: {  	p1 =	seq.s32 s10, $0x1;
	s10 =	sld [smem:$0x3FB6];
	_ =	sdelay $0x3  }
0x37: {  	[smem:$0x3FB6] =	sst s10  }
0x38: {  	s10 =	sld [smem:$0x3FB7]  }
0x39: {  	_ = 	snop;
	(pc) =	sbr.ind lr, $3  }
0x3a: {  	_ = 	snop  }
0x3b: {  	_ = 	snop  }
0x3c: {  	p2 =	seq.s32 s10, $0x1;
	s10 =	sld [smem:$0x3FB6]  }
0x3d: {  	_ =	shalt  }
0x3e: {  	_ =	shalt  }
0x3f: {  	_ =	shalt  }
0x40: {  	_ =	shalt  }
0x41: {  	_ =	shalt  }
0x42: {  	_ =	shalt  }
0x43: {  	_ =	shalt  }
0x44: {  	_ =	shalt  }
0x45: {  	_ =	shalt  }
0x46: {  	_ =	shalt  }
0x47: {  	_ =	shalt  }
0x48: {  	_ =	shalt  }
0x49: {  	_ =	shalt  }
0x4a: {  	_ =	shalt  }
0x4b: {  	_ =	shalt  }
0x4c: {  	_ =	shalt  }
0x4d: {  	_ =	shalt  }
0x4e: {  	_ =	shalt  }
0x4f: {  	_ =	shalt  }
0x50: {  	_ =	shalt  }
0x51: {  	_ =	shalt  }
0x52: {  	_ =	shalt  }
0x53: {  	_ =	shalt  }
0x54: {  	_ =	shalt  }
0x55: {  	_ =	shalt  }
0x56: {  	_ =	shalt  }
0x57: {  	_ =	shalt  }
0x58: {  	_ =	shalt  }
0x59: {  	_ =	shalt  }
0x5a: {  	_ =	shalt  }
0x5b: {  	_ =	shalt  }
0x5c: {  	_ =	shalt  }
0x5d: {  	_ =	shalt  }
0x5e: {  	_ =	shalt  }
0x5f: {  	_ =	shalt  }
0x60: {  	_ =	shalt  }
0x61: {  	_ =	shalt  }
0x62: {  	_ =	shalt  }
0x63: {  	_ =	shalt  }
0x64: {  	_ =	shalt  }
0x65: {  	_ =	shalt  }
0x66: {  	_ =	shalt  }
0x67: {  	_ =	shalt  }
0x68: {  	_ =	shalt  }
0x69: {  	_ =	shalt  }
0x6a: {  	_ =	shalt  }
0x6b: {  	_ =	shalt  }
0x6c: {  	_ =	shalt  }
0x6d: {  	_ =	shalt  }
0x6e: {  	_ =	shalt  }
0x6f: {  	_ =	shalt  }
0x70: {  	_ =	shalt  }
0x71: {  	_ =	shalt  }
0x72: {  	_ =	shalt  }
0x73: {  	_ =	shalt  }
0x74: {  	_ =	shalt  }
0x75: {  	_ =	shalt  }
0x76: {  	_ =	shalt  }
0x77: {  	_ =	shalt  }
0x78: {  	_ =	shalt  }
0x79: {  	_ =	shalt  }
0x7a: {  	_ =	shalt  }
0x7b: {  	_ =	shalt  }
0x7c: {  	_ =	shalt  }
0x7d: {  	_ =	shalt  }
0x7e: {  	_ =	shalt  }
0x7f: {  	_ =	shalt  }
0x80: {  	_ =	shalt  }
0x81: {  	_ =	shalt  }
0x82: {  	_ =	shalt  }
0x83: {  	_ =	shalt  }
0x84: {  	_ =	shalt  }
0x85: {  	_ =	shalt  }
0x86: {  	_ =	shalt  }
0x87: {  	_ =	shalt  }
.Lfunc_end0:
.L_simem_size_0:
called_computation_lowered:
.L_overlay_start_0:
0x88: {  	s2 =	sld [smem:$0x3FD9]  }
0x89: {  	s3 =	sld [smem:$0x3FFE];
	_ =	sdelay $0x1  }
0x8a: {  	s1 =	srdreg.scid  }
0x8b: {  	s0 =	sand.u32 $0x1, s1  }
0x8c: {  	s17 =	sshll.u32 s0, $0xA;
	s2 =	sadd.s32 s3, s2  }
0x8d: {  	s2 =	sadd.s32 s2, s17  }
0x8e: {  	[smem:$0x3FC2] =	sst s2  }
0x8f: {  	_ = 	snop  }
0x90: {  	s2 =	sld [smem:$0x3FD0];
	(tm) =	ssettm $0x1  }
0x91: {  	s18 =	sld [smem:$0x3FFB];
	_ =	sdelay $0x3  }
0x92: {  	_ =	strace s18  }
0x93: {  	s3 =	sld [smem:$0x3FFC];
	_ =	sdelay $0x3  }
0x94: {  	_ =	strace s3  }
0x95: {  	s3 =	sld [smem:$0x3FFD];
	_ =	sdelay $0x3  }
0x96: {  	_ =	strace s3  }
0x97: {  	_ =	strace $0x8FFFFFFF  }
0x98: {  	s19 =	sld [smem:$0x3FDB];
	_ =	sdelay $0x1  }
0x99: {  	s4 =	simm.s32 $_scs_section_size  }
0x9a: {  	s5 =	simm.s32 $_size__tile_overlayer_lowered;
	s6 =	simm.s32 $_tile_overlayer_lowered  }
0x9b: {  	s22 =	simm.s32 $0x1BFF;
	s21 =	sshll.u32 s6, $0x1;
	s3 =	sadd.s32 s4, s19  }
0x9c: {  	s7 =	simm.s32 $0x0;
	s20 =	sshll.u32 s5, $0x1;
	s5 =	sadd.s32 s21, s3  }
0x9d: {  	[timem:s7], [sflag:s22] =	dma.local [hbm:s5], s20  }
0x9e: {  	_ =	swait.ge [sflag:s22], s20  }
0x9f: {  	s4 =	ssub.s32 $0x0, s20;
	[sflag:s22] =	ssyncset.done $0x0  }
0xa0: {  	[sflag:s22] =	ssyncadd.s32 s4;
	_ =	sdelay $0x1  }
0xa1: {  	s23 =	simm.s32 $0x1B8B  }
0xa2: {  	_ =	swait.ge [sflag:s23], $0x1  }
0xa3: {  	[sflag:s23] =	ssyncset.done $0x0  }
0xa4: {  	s25 =	simm.s32 $0x1B8E;
	s24 =	sld [smem:$0x3FFE];
	[sflag:s23] =	ssyncadd.s32 $0xFFFFFFFF  }
0xa5: {  	s26 =	simm.s32 $execute0_lowered;
	[smem:$0x3FD2] =	sst s25  }
0xa6: {  	s5 =	sshll.u32 s26, $0x1;
	_ =	strace $0x80000046;
	[dreg:$0x1] =	wrdreg $0xFFFFFFFF  }
0xa7: {  	s28 =	simm.s32 $_size_execute0_lowered;
	s3 =	sadd.s32 s3, s5;
	[dreg:$0x0] =	wrdreg $0x0  }
0xa8: {  	s5 =	sshll.u32 s28, $0x1;
	[dreg:$0x2] =	wrdreg s3  }
0xa9: {  	[dreg:$0x3] =	wrdreg s5  }
0xaa: {  	[dreg:$0x4] =	wrdreg $0xC0  }
0xab: {  	_ =	task [dreg:s7], $0x5FFFF  }
0xac: {  	[dreg:$0x1] =	wrdreg $0xFFFFFFFF  }
0xad: {  	[dreg:$0x0] =	wrdreg $0x60  }
0xae: {  	[dreg:$0x2] =	wrdreg s24  }
0xaf: {  	[dreg:$0x3] =	wrdreg s2  }
0xb0: {  	[dreg:$0x4] =	wrdreg $0x0  }
0xb1: {  	[dreg:$0x5] =	wrdreg $0x2800  }
0xb2: {  	[dreg:$0x6] =	wrdreg $0x9  }
0xb3: {  	_ =	task.clear_ibuf [dreg:s7], $0x7FFFF;
	_ =	strace $0x90000046  }
0xb4: {  	s29 =	simm.s32 $0x9;
	_ =	strace $0x80000048  }
0xb5: {  	_ =	swait.ge [sflag:s29], $0x1  }
0xb6: {  	[sflag:s29] =	ssyncadd.s32 $0xFFFFFFFF  }
0xb7: {  	_ =	strace $0x90000048  }
0xb8: {  	_ =	sfence  }
0xb9: {  	s30 =	sld [smem:$0x0];
	_ =	sdelay $0x2  }
0xba: {  	s31 =	sshll.u32 s1, $0xD;
	s1 =	sshrl.u32 s1, $0x2  }
0xbb: {  	s3 =	sand.u32 $0x4000, s31;
	s1 =	sadd.s32 s1, s30  }
0xbc: {  	s0 =	sor.u32 s3, s0;
	s1 =	sshll.u32 s1, $0x11  }
0xbd: {  	s0 =	sor.u32 s1, s0  }
0xbe: {  	s0 =	sadd.s32 $0x8F2B, s0  }
0xbf: {  	[sflag:s0] =	ssyncadd.remote.s32 $0x1  }
0xc0: {  	_ =	sfence.sel $0xFFFF  }
0xc1: {  	[dreg:$0x0] =	wrdreg $0xFFFFFFFF;
	(pc) =	sbr.abs _section_cstart, $3  }
0xc2: {  	[dreg:$0x1] =	wrdreg $0xFFFFFFFF  }
0xc3: {  	_ =	task.clear_ibuf [dreg:s7], $0x2FFFF;
	_ =	strace $0x9FFFFFFF  }
0xc4: {  	(tm) =	ssettm $0x7FFFFFFF  }
0xc5: {  	_ =	shalt  }
tec
execute0_lowered:
.L_overlay_start_1:
0x0: {  	(tag) =	ssettag $0x1  }
0x1: {  	s5 =	rddreg [dreg:$0x0]  }
0x2: {  	s6 =	rddreg [dreg:$0x1]  }
0x3: {  	s2 =	rddreg [dreg:$0x2];
	s0 =	srdreg.scid  }
0x4: {  	s3 =	rddreg [dreg:$0x3];
	s1 =	stileid.u32  }
0x5: {  	s4 =	simm.s32 $0x0;
	s13 =	simm.s32 $0x2;
	s14 =	simm.s32 $0x2D00  }
0x6: {  	s15 =	simm.s32 $0x5580;
	s16 =	simm.s32 $0x80;
	s17 =	simm.s32 $0x5500  }
0x7: {  	s18 =	simm.s32 $0x1;
	s7 =	sand.u32 $0x1, s0;
	s0 =	rddreg [dreg:$0x4]  }
0x8: {  	s22 =	simm.s32 $0x0;
	s9 =	smul.u32 $0x280, s1;
	[smem:$0x7FF] =	sst s4  }
0x9: {  	s19 =	sshll.u32 s1, $0x6;
	s8 =	sshll.u32 s7, $0x4;
	s10 =	smul.u32 $0x2800, s7  }
0xa: {  	_ =	strace $0x80000047;
	s7 =	ssub.s32 $0x2, s7;
	s8 =	sor.u32 s1, s8  }
0xb: {  	s19 =	sor.u32 $0x1C02, s19;
	s12 =	sshrl.u32 s7, $0x1;
	s8 =	smul.u32 $0x500, s8  }
0xc: {  	s10 =	sadd.s32 s9, s10;
	s12 =	ssub.s32 s7, s12;
	s7 =	sadd.s32 s9, s2  }
0xd: {  	s10 =	sshrl.u32 s10, $0x3;
	s20 =	sshrl.u32 s7, $0x3;
	s11 =	sadd.s32 s8, s5  }
0xe: {  	s10 =	sadd.s32 s10, s5;
	s6 =	sadd.s32 s6, s8;
	s8 =	sadd.s32 s9, s3  }
0xf: {  	s5 =	sadd.s32 $0x2000, s11;
	s9 =	sadd.s32 $0xC000, s10;
	s10 =	sadd.s32 $0xCA00, s10  }
0x10: {  	v0 =	vimm.f32 $0.0e+00;
	v1 =	vimm.f32 $1.000000000e+00;
	s11 =	smax.u32 s12, $0x1;
	s12 =	simm.s32 $0x500;
	s21 =	sshrl.u32 s8, $0x3  }
.LBB2_1:
0x11: {  	[tilespmem:s12], [sflag:$0x2] =	stream.linear.gather [hbm4b:s5+s4], $0x2800, $0x38;
	[tilespmem:$0x5800] =	vst v63  }
0x12: {  	_ =	swait.ge [sflag:s13], $0x2800  }
0x13: {  	[sflag:s13] =	ssyncset.done $0x0  }
0x14: {  	[sflag:s13] =	ssyncadd.s32 $0xFFFFD800  }
0x15: {  	[tilespmem:s14], [sflag:$0x2] =	stream.linear.gather [hbm4b:s6+s4], $0x2800, $0x38;
	[tilespmem:$0x5800] =	vst v63  }
0x16: {  	_ =	swait.ge [sflag:s13], $0x2800  }
0x17: {  	[sflag:s13] =	ssyncset.done $0x0  }
0x18: {  	[sflag:s13] =	ssyncadd.s32 $0xFFFFD800  }
0x19: {  	[tilespmem:$0x5580] =	vst v0  }
0x1a: {  	[tilespmem:$0x5590] =	vst v0  }
0x1b: {  	[tilespmem:$0x55A0] =	vst v0  }
0x1c: {  	[tilespmem:$0x55B0] =	vst v0  }
0x1d: {  	[tilespmem:$0x55C0] =	vst v0  }
0x1e: {  	[tilespmem:$0x55D0] =	vst v0  }
0x1f: {  	[tilespmem:$0x55E0] =	vst v0  }
0x20: {  	[tilespmem:$0x55F0] =	vst v0  }
0x21: {  	[tilespmem:$0x5600] =	vst v0  }
0x22: {  	[tilespmem:$0x5610] =	vst v0  }
0x23: {  	[tilespmem:$0x5620] =	vst v0  }
0x24: {  	[tilespmem:$0x5630] =	vst v0  }
0x25: {  	[tilespmem:$0x5640] =	vst v0  }
0x26: {  	[tilespmem:$0x5650] =	vst v0  }
0x27: {  	[tilespmem:$0x5660] =	vst v0  }
0x28: {  	[tilespmem:$0x5670] =	vst v0  }
0x29: {  	[tilespmem:$0x5680] =	vst v0  }
0x2a: {  	[tilespmem:$0x5690] =	vst v0  }
0x2b: {  	[tilespmem:$0x56A0] =	vst v0  }
0x2c: {  	[tilespmem:$0x56B0] =	vst v0  }
0x2d: {  	[tilespmem:$0x56C0] =	vst v0  }
0x2e: {  	[tilespmem:$0x56D0] =	vst v0  }
0x2f: {  	[tilespmem:$0x56E0] =	vst v0  }
0x30: {  	[tilespmem:$0x56F0] =	vst v0  }
0x31: {  	[tilespmem:$0x5700] =	vst v0  }
0x32: {  	[tilespmem:$0x5710] =	vst v0  }
0x33: {  	[tilespmem:$0x5720] =	vst v0  }
0x34: {  	[tilespmem:$0x5730] =	vst v0  }
0x35: {  	[tilespmem:$0x5740] =	vst v0  }
0x36: {  	[tilespmem:$0x5750] =	vst v0  }
0x37: {  	[tilespmem:$0x5760] =	vst v0  }
0x38: {  	[tilespmem:$0x5770] =	vst v0  }
0x39: {  	[tilespmem:$0x5780] =	vst v0  }
0x3a: {  	[tilespmem:$0x5790] =	vst v0  }
0x3b: {  	[tilespmem:$0x57A0] =	vst v0  }
0x3c: {  	[tilespmem:$0x57B0] =	vst v0  }
0x3d: {  	[tilespmem:$0x57C0] =	vst v0  }
0x3e: {  	[tilespmem:$0x57D0] =	vst v0  }
0x3f: {  	[tilespmem:$0x57E0] =	vst v0  }
0x40: {  	[tilespmem:$0x57F0] =	vst v0  }
0x41: {  	[tilespmem:$0x5500] =	vst v1  }
0x42: {  	[tilespmem:$0x5510] =	vst v1  }
0x43: {  	[tilespmem:$0x5520] =	vst v1  }
0x44: {  	[tilespmem:$0x5530] =	vst v1  }
0x45: {  	[tilespmem:$0x5540] =	vst v1  }
0x46: {  	[tilespmem:$0x5550] =	vst v1  }
0x47: {  	[tilespmem:$0x5560] =	vst v1  }
0x48: {  	[tilespmem:$0x5570] =	vst v1  }
0x49: {  	[spmem:s7] =	stream.linear.scatter [tilespmem:s15], [sflag:$0x2], $0x280, $0x38;
	[tilespmem:$0x5800] =	vst v63  }
0x4a: {  	_ =	swait.ge [sflag:s13], $0x280  }
0x4b: {  	[sflag:s13] =	ssyncset.done $0x0  }
0x4c: {  	[sflag:s13] =	ssyncadd.s32 $0xFFFFFD80  }
0x4d: {  	[spmem:s8] =	stream.linear.scatter [tilespmem:s15], [sflag:$0x2], $0x280, $0x38;
	[tilespmem:$0x5800] =	vst v63  }
0x4e: {  	_ =	swait.ge [sflag:s13], $0x280  }
0x4f: {  	[sflag:s13] =	ssyncset.done $0x0  }
0x50: {  	[sflag:s13] =	ssyncadd.s32 $0xFFFFFD80  }
0x51: {  	s23 =	simm.s32 $0x500;
	[bflag:$0x0] =	sbarrier.arrive $0xFFFF  }
0x52: {  	[spmem:s2] =	stream.indirect.scatter.add.f32 [tilespmem:s17], [sflag:$0x1], $0x1, s23, s16, $0xb8;
	[tilespmem:$0x5800] =	vst v63  }
0x53: {  	s24 =	simm.s32 $0x2D00  }
0x54: {  	[spmem:s3] =	stream.indirect.scatter.add.f32 [tilespmem:s17], [sflag:$0x1], $0x1, s24, s16, $0xb8;
	[tilespmem:$0x5800] =	vst v63  }
0x55: {  	s25 =	simm.s32 $0x580  }
0x56: {  	[spmem:s2] =	stream.indirect.scatter.add.f32 [tilespmem:s17], [sflag:$0x1], $0x1, s25, s16, $0xb8;
	[tilespmem:$0x5800] =	vst v63  }
0x57: {  	s26 =	simm.s32 $0x2D80  }
0x58: {  	[spmem:s3] =	stream.indirect.scatter.add.f32 [tilespmem:s17], [sflag:$0x1], $0x1, s26, s16, $0xb8;
	[tilespmem:$0x5800] =	vst v63  }
0x59: {  	s28 =	simm.s32 $0x600  }
0x5a: {  	[spmem:s2] =	stream.indirect.scatter.add.f32 [tilespmem:s17], [sflag:$0x1], $0x1, s28, s16, $0xb8;
	[tilespmem:$0x5800] =	vst v63  }
0x5b: {  	s29 =	simm.s32 $0x2E00  }
0x5c: {  	[spmem:s3] =	stream.indirect.scatter.add.f32 [tilespmem:s17], [sflag:$0x1], $0x1, s29, s16, $0xb8;
	[tilespmem:$0x5800] =	vst v63  }
0x5d: {  	s30 =	simm.s32 $0x680  }
0x5e: {  	[spmem:s2] =	stream.indirect.scatter.add.f32 [tilespmem:s17], [sflag:$0x1], $0x1, s30, s16, $0xb8;
	[tilespmem:$0x5800] =	vst v63  }
0x5f: {  	s31 =	simm.s32 $0x2E80  }
0x60: {  	[spmem:s3] =	stream.indirect.scatter.add.f32 [tilespmem:s17], [sflag:$0x1], $0x1, s31, s16, $0xb8;
	[tilespmem:$0x5800] =	vst v63  }
0x61: {  	_ =	swait.ge [sflag:s18], $0x80  }
0x62: {  	[sflag:s18] =	ssyncset.done $0x0  }
0x63: {  	[sflag:s18] =	ssyncadd.s32 $0xFFFFFF80  }
0x64: {  	_ =	swait.ge [sflag:s18], $0x80  }
0x65: {  	[sflag:s18] =	ssyncset.done $0x0  }
0x66: {  	[sflag:s18] =	ssyncadd.s32 $0xFFFFFF80  }
0x67: {  	_ =	swait.ge [sflag:s18], $0x80  }
0x68: {  	[sflag:s18] =	ssyncset.done $0x0  }
0x69: {  	[sflag:s18] =	ssyncadd.s32 $0xFFFFFF80  }
0x6a: {  	_ =	swait.ge [sflag:s18], $0x80  }
0x6b: {  	[sflag:s18] =	ssyncset.done $0x0  }
0x6c: {  	[sflag:s18] =	ssyncadd.s32 $0xFFFFFF80  }
0x6d: {  	_ =	swait.ge [sflag:s18], $0x80  }
0x6e: {  	[sflag:s18] =	ssyncset.done $0x0  }
0x6f: {  	[sflag:s18] =	ssyncadd.s32 $0xFFFFFF80  }
0x70: {  	_ =	swait.ge [sflag:s18], $0x80  }
0x71: {  	[sflag:s18] =	ssyncset.done $0x0  }
0x72: {  	[sflag:s18] =	ssyncadd.s32 $0xFFFFFF80  }
0x73: {  	_ =	swait.ge [sflag:s18], $0x80  }
0x74: {  	[sflag:s18] =	ssyncset.done $0x0  }
0x75: {  	[sflag:s18] =	ssyncadd.s32 $0xFFFFFF80  }
0x76: {  	_ =	swait.ge [sflag:s18], $0x80  }
0x77: {  	s25 =	simm.s32 $0x200;
	s26 =	simm.s32 $0x1000;
	[sflag:s18] =	ssyncset.done $0x0  }
.LBB2_2:
0x78: {  	s28 =	sadd.s32 $0x500, s25  }
0x79: {  	[sflag:s18] =	ssyncadd.s32 $0xFFFFFF80;
	s24 =	smov.u32 s26;
	s23 =	sadd.s32 $0x800, s26  }
0x7a: {  	[spmem:s2] =	stream.indirect.scatter.add.f32 [tilespmem:s17], [sflag:$0x1], $0x1, s28, s16, $0xb8;
	[tilespmem:$0x5800] =	vst v63  }
0x7b: {  	p0 =	sne.s32 s26, $0x9800;
	s26 =	sadd.s32 $0x2D00, s25  }
0x7c: {  	[spmem:s3] =	stream.indirect.scatter.add.f32 [tilespmem:s17], [sflag:$0x1], $0x1, s26, s16, $0xb8;
	[tilespmem:$0x5800] =	vst v63  }
0x7d: {  	s26 =	sadd.s32 $0x580, s25  }
0x7e: {  	[spmem:s2] =	stream.indirect.scatter.add.f32 [tilespmem:s17], [sflag:$0x1], $0x1, s26, s16, $0xb8;
	[tilespmem:$0x5800] =	vst v63  }
0x7f: {  	s26 =	sadd.s32 $0x2D80, s25  }
0x80: {  	[spmem:s3] =	stream.indirect.scatter.add.f32 [tilespmem:s17], [sflag:$0x1], $0x1, s26, s16, $0xb8;
	[tilespmem:$0x5800] =	vst v63  }
0x81: {  	s26 =	sadd.s32 $0x600, s25  }
0x82: {  	[spmem:s2] =	stream.indirect.scatter.add.f32 [tilespmem:s17], [sflag:$0x1], $0x1, s26, s16, $0xb8;
	[tilespmem:$0x5800] =	vst v63  }
0x83: {  	s26 =	sadd.s32 $0x2E00, s25  }
0x84: {  	[spmem:s3] =	stream.indirect.scatter.add.f32 [tilespmem:s17], [sflag:$0x1], $0x1, s26, s16, $0xb8;
	[tilespmem:$0x5800] =	vst v63  }
0x85: {  	s26 =	sadd.s32 $0x680, s25  }
0x86: {  	[spmem:s2] =	stream.indirect.scatter.add.f32 [tilespmem:s17], [sflag:$0x1], $0x1, s26, s16, $0xb8;
	[tilespmem:$0x5800] =	vst v63  }
0x87: {  	s25 =	sadd.s32 $0x2E80, s25  }
0x88: {  	[spmem:s3] =	stream.indirect.scatter.add.f32 [tilespmem:s17], [sflag:$0x1], $0x1, s25, s16, $0xb8;
	[tilespmem:$0x5800] =	vst v63  }
0x89: {  	_ =	swait.ge [sflag:s18], $0x80  }
0x8a: {  	[sflag:s18] =	ssyncset.done $0x0  }
0x8b: {  	[sflag:s18] =	ssyncadd.s32 $0xFFFFFF80  }
0x8c: {  	_ =	swait.ge [sflag:s18], $0x80  }
0x8d: {  	[sflag:s18] =	ssyncset.done $0x0  }
0x8e: {  	[sflag:s18] =	ssyncadd.s32 $0xFFFFFF80  }
0x8f: {  	_ =	swait.ge [sflag:s18], $0x80  }
0x90: {  	[sflag:s18] =	ssyncset.done $0x0  }
0x91: {  	[sflag:s18] =	ssyncadd.s32 $0xFFFFFF80  }
0x92: {  	_ =	swait.ge [sflag:s18], $0x80  }
0x93: {  	[sflag:s18] =	ssyncset.done $0x0  }
0x94: {  	[sflag:s18] =	ssyncadd.s32 $0xFFFFFF80  }
0x95: {  	_ =	swait.ge [sflag:s18], $0x80  }
0x96: {  	[sflag:s18] =	ssyncset.done $0x0  }
0x97: {  	[sflag:s18] =	ssyncadd.s32 $0xFFFFFF80  }
0x98: {  	_ =	swait.ge [sflag:s18], $0x80  }
0x99: {  	[sflag:s18] =	ssyncset.done $0x0  }
0x9a: {  	[sflag:s18] =	ssyncadd.s32 $0xFFFFFF80  }
.Ltmp0:
0x9b: {  	_ =	swait.ge [sflag:s18], $0x80;
	(pc) =	sbr.rel @p0 .LBB2_2-.Ltmp0, $4  }
0x9c: {  	[sflag:s18] =	ssyncset.done $0x0  }
0x9d: {  	[sflag:s18] =	ssyncadd.s32 $0xFFFFFF80  }
0x9e: {  	_ =	swait.ge [sflag:s18], $0x80  }
0x9f: {  	s26 =	smov.u32 s23;
	s25 =	sshra.s32 s24, $0x2;
	[sflag:s18] =	ssyncset.done $0x0  }
0xa0: {  	s23 =	sadd.s32 $0x500, s25;
	[sflag:s18] =	ssyncadd.s32 $0xFFFFFF80  }
0xa1: {  	[spmem:s2] =	stream.indirect.scatter.add.f32 [tilespmem:s17], [sflag:$0x1], $0x1, s23, s16, $0xb8;
	[tilespmem:$0x5800] =	vst v63  }
0xa2: {  	s31 =	sadd.s32 $0x2D00, s25  }
0xa3: {  	[spmem:s3] =	stream.indirect.scatter.add.f32 [tilespmem:s17], [sflag:$0x1], $0x1, s31, s16, $0xb8;
	[tilespmem:$0x5800] =	vst v63  }
0xa4: {  	s24 =	sadd.s32 $0x580, s25  }
0xa5: {  	[spmem:s2] =	stream.indirect.scatter.add.f32 [tilespmem:s17], [sflag:$0x1], $0x1, s24, s16, $0xb8;
	[tilespmem:$0x5800] =	vst v63  }
0xa6: {  	s26 =	sadd.s32 $0x2D80, s25  }
0xa7: {  	[spmem:s3] =	stream.indirect.scatter.add.f32 [tilespmem:s17], [sflag:$0x1], $0x1, s26, s16, $0xb8;
	[tilespmem:$0x5800] =	vst v63  }
0xa8: {  	s28 =	sadd.s32 $0x600, s25  }
0xa9: {  	[spmem:s2] =	stream.indirect.scatter.add.f32 [tilespmem:s17], [sflag:$0x1], $0x1, s28, s16, $0xb8;
	[tilespmem:$0x5800] =	vst v63  }
0xaa: {  	s29 =	sadd.s32 $0x2E00, s25  }
0xab: {  	[spmem:s3] =	stream.indirect.scatter.add.f32 [tilespmem:s17], [sflag:$0x1], $0x1, s29, s16, $0xb8;
	[tilespmem:$0x5800] =	vst v63  }
0xac: {  	s30 =	sadd.s32 $0x680, s25  }
0xad: {  	[spmem:s2] =	stream.indirect.scatter.add.f32 [tilespmem:s17], [sflag:$0x1], $0x1, s30, s16, $0xb8;
	[tilespmem:$0x5800] =	vst v63  }
0xae: {  	s31 =	sadd.s32 $0x2E80, s25  }
0xaf: {  	[spmem:s3] =	stream.indirect.scatter.add.f32 [tilespmem:s17], [sflag:$0x1], $0x1, s31, s16, $0xb8;
	[tilespmem:$0x5800] =	vst v63  }
0xb0: {  	_ =	swait.ge [sflag:s18], $0x80  }
0xb1: {  	[sflag:s18] =	ssyncset.done $0x0  }
0xb2: {  	[sflag:s18] =	ssyncadd.s32 $0xFFFFFF80  }
0xb3: {  	_ =	swait.ge [sflag:s18], $0x80  }
0xb4: {  	[sflag:s18] =	ssyncset.done $0x0  }
0xb5: {  	[sflag:s18] =	ssyncadd.s32 $0xFFFFFF80  }
0xb6: {  	_ =	swait.ge [sflag:s18], $0x80  }
0xb7: {  	[sflag:s18] =	ssyncset.done $0x0  }
0xb8: {  	[sflag:s18] =	ssyncadd.s32 $0xFFFFFF80  }
0xb9: {  	_ =	swait.ge [sflag:s18], $0x80  }
0xba: {  	[sflag:s18] =	ssyncset.done $0x0  }
0xbb: {  	[sflag:s18] =	ssyncadd.s32 $0xFFFFFF80  }
0xbc: {  	_ =	swait.ge [sflag:s18], $0x80  }
0xbd: {  	[sflag:s18] =	ssyncset.done $0x0  }
0xbe: {  	[sflag:s18] =	ssyncadd.s32 $0xFFFFFF80  }
0xbf: {  	_ =	swait.ge [sflag:s18], $0x80  }
0xc0: {  	[sflag:s18] =	ssyncset.done $0x0  }
0xc1: {  	[sflag:s18] =	ssyncadd.s32 $0xFFFFFF80  }
0xc2: {  	_ =	swait.ge [sflag:s18], $0x80  }
0xc3: {  	[sflag:s18] =	ssyncset.done $0x0  }
0xc4: {  	[sflag:s18] =	ssyncadd.s32 $0xFFFFFF80  }
0xc5: {  	_ =	swait.ge [sflag:s18], $0x80  }
0xc6: {  	[sflag:s18] =	ssyncset.done $0x0  }
0xc7: {  	[sflag:s18] =	ssyncadd.s32 $0xFFFFFF80  }
0xc8: {  	[bflag:$0x0] =	sbarrier.arrive $0xFFFF  }
0xc9: {  	[hbm:s9], [sflag:s19] =	dma.local [spmem:s20], $0x50  }
0xca: {  	s22 =	sadd.s32 $0x1, s22;
	_ =	swait.ge [sflag:s13], $0x50  }
0xcb: {  	p0 =	sne.s32 s22, s11;
	[sflag:s13] =	ssyncset.done $0x0  }
.Ltmp1:
0xcc: {  	[sflag:s13] =	ssyncadd.s32 $0xFFFFFFB0;
	(pc) =	sbr.rel @p0 .LBB2_1-.Ltmp1, $4  }
0xcd: {  	[hbm:s10], [sflag:s19] =	dma.local [spmem:s21], $0x50  }
0xce: {  	_ =	swait.ge [sflag:s13], $0x50  }
0xcf: {  	[sflag:s13] =	ssyncset.done $0x0  }
0xd0: {  	[sflag:s13] =	ssyncadd.s32 $0xFFFFFFB0  }
0xd1: {  	_ =	sfence.sel $0x180000  }
0xd2: {  	[bflag:$0x0] =	sbarrier.arrive $0xFFFF  }
0xd3: {  	p0 =	sne.s32 s1, $0x0;
	_ =	strace $0x90000047  }
0xd4: {  	s0 =	sadd.s32 @!p0 $0x100000, s0;
	[bflag:$0x2] =	sbarrier.arrive $0xFFFF  }
0xd5: {  	[sflag:s0] =	ssyncadd.tile.s32 @!p0 $0x1;
	_ =	shalt  }
.Lfunc_end2:
_tile_overlayer_lowered:
.L_overlay_start_2:
0xd6: {  	(tag) =	ssettag $0x2  }
0xd7: {  	s0 =	rddreg [dreg:$0x0];
	s2 =	stileid.u32  }
0xd8: {  	s1 =	rddreg [dreg:$0x1];
	p0 =	sne.s32 s2, $0x0  }
0xd9: {  	s3 =	rddreg [dreg:$0x2];
	[bflag:$0x3] =	sbarrier.arrive $0xFFFF;
	s2 =	simm.s32 @!p0 $0x1C02  }
0xda: {  	[timem:s3], [sflag:s2] =	dma.local @!p0 [hbm:s0], s1  }
0xdb: {  	s0 =	simm.s32 @!p0 $0x2  }
0xdc: {  	_ =	swait.ge @!p0 [sflag:s0], s1  }
0xdd: {  	s1 =	ssub.s32 @!p0 $0x0, s1;
	[sflag:s0] =	ssyncset.done @!p0 $0x0  }
0xde: {  	[sflag:s0] =	ssyncadd.s32 @!p0 s1  }
0xdf: {  	[bflag:$0x3] =	sbarrier.arrive $0xFFFF  }
0xe0: {  	_ =	shalt  }

</sc_bundles>
